<compile_context>
chip_gen: v7x
topology: tpu7x:2x2x1
jax: 0.10.2.dev20260603
libtpu: 0.0.44.dev20260713+nightly
codegen_flags: <defaults>
</compile_context>

<pallas_src>
import functools

import jax
import jax.numpy as jnp
from jax import lax
from jax.experimental import pallas as pl
from jax.experimental.pallas import tpu as pltpu
from jax.experimental.pallas import tpu_sc as plsc

N = 10000
E = 320000
D = 128
G = 128
C = 10

NC = 2
NS = 16
NW = NC * NS
K = 128
NSTEP = 80
ET = NSTEP * K
EP = NW * ET
HS = NSTEP // 2
NP = 10240
RPT = NP // NS


def _sc_segment_sum(x, ei, zeros):
  mesh = plsc.VectorSubcoreMesh(core_axis_name="c", subcore_axis_name="s")

  @functools.partial(
      pl.kernel,
      out_type=(jax.ShapeDtypeStruct((NP, D), jnp.float32),
                jax.ShapeDtypeStruct((NP, D), jnp.float32)),
      mesh=mesh,
      scratch_types=[
          pltpu.VMEM_SHARED((NP, D), jnp.float32),
          pltpu.VMEM((HS, K), jnp.int32),
          pltpu.VMEM((HS, K), jnp.int32),
          pltpu.VMEM((K, D), jnp.float32),
          pltpu.VMEM((K, D), jnp.float32),
          pltpu.SemaphoreType.DMA,
          pltpu.SemaphoreType.DMA,
      ],
  )
  def seg_sum(x_hbm, ei_hbm, z_hbm, out0_hbm, out1_hbm,
              agg_sh, src_v, dst_v, rows0_v, rows1_v, sem0, sem1):
    c = lax.axis_index("c")
    s = lax.axis_index("s")
    wid = s * NC + c
    r0 = s * RPT

    pltpu.sync_copy(z_hbm.at[pl.ds(r0, RPT)], agg_sh.at[pl.ds(r0, RPT)])
    plsc.subcore_barrier()

    for h in range(2):
      pltpu.sync_copy(ei_hbm.at[0, wid, pl.ds(h * HS, HS)], src_v)
      pltpu.sync_copy(ei_hbm.at[1, wid, pl.ds(h * HS, HS)], dst_v)
      pltpu.async_copy(x_hbm.at[src_v.at[0]], rows0_v, sem0)
      pltpu.async_copy(x_hbm.at[src_v.at[1]], rows1_v, sem1)

      def step(i, carry):
        i0 = 2 * i
        pltpu.make_async_copy(x_hbm.at[src_v.at[i0]], rows0_v, sem0).wait()
        pltpu.sync_copy(rows0_v, agg_sh.at[dst_v.at[i0]], add=True)

        @pl.when(i0 + 2 < HS)
        def _():
          pltpu.async_copy(x_hbm.at[src_v.at[i0 + 2]], rows0_v, sem0)

        i1 = i0 + 1
        pltpu.make_async_copy(x_hbm.at[src_v.at[i1]], rows1_v, sem1).wait()
        pltpu.sync_copy(rows1_v, agg_sh.at[dst_v.at[i1]], add=True)

        @pl.when(i1 + 2 < HS)
        def _():
          pltpu.async_copy(x_hbm.at[src_v.at[i1 + 2]], rows1_v, sem1)

        return carry

      lax.fori_loop(0, HS // 2, step, 0)
    plsc.subcore_barrier()

    @pl.when(c == 0)
    def _():
      pltpu.sync_copy(agg_sh.at[pl.ds(r0, RPT)], out0_hbm.at[pl.ds(r0, RPT)])

    @pl.when(c == 1)
    def _():
      pltpu.sync_copy(agg_sh.at[pl.ds(r0, RPT)], out1_hbm.at[pl.ds(r0, RPT)])

  return seg_sum(x, ei, zeros)


def _tc_mlp(x, a0, a1, Wa, ba, Wb, bb):
  BLK = 2000

  def body(x_ref, a0_ref, a1_ref, wa_ref, ba_ref, wb_ref, bb_ref, o_ref):
    h = x_ref[...] + a0_ref[...] + a1_ref[...]
    h = jnp.dot(h, wa_ref[...], preferred_element_type=jnp.float32)
    h = jnp.maximum(h + ba_ref[...], 0.0)
    h = jnp.dot(h, wb_ref[...], preferred_element_type=jnp.float32)
    o_ref[...] = jnp.maximum(h + bb_ref[...], 0.0)

  row_spec = pl.BlockSpec((BLK, D), lambda i: (i, 0))
  w_spec = pl.BlockSpec((D, D), lambda i: (0, 0))
  b_spec = pl.BlockSpec((1, D), lambda i: (0, 0))
  return pl.pallas_call(
      body,
      grid=(N // BLK,),
      in_specs=[row_spec, row_spec, row_spec, w_spec, b_spec, w_spec, b_spec],
      out_specs=row_spec,
      out_shape=jax.ShapeDtypeStruct((N, D), jnp.float32),
  )(x, a0, a1, Wa, ba.reshape(1, D), Wb, bb.reshape(1, D))


def _tc_mlp_pool_heads(x, a0, a1, Wa, ba, Wb, bb, batch_r,
                       Wp1, bp1, Wp2, bp2, Wf_pad, bf_pad):
  BLK = 2560
  nst = NP // BLK
  BR = BLK // 128

  def body(x_ref, a0_ref, a1_ref, wa_ref, ba_ref, wb_ref, bb_ref, b_ref,
           wp1_ref, bp1_ref, wp2_ref, bp2_ref, wf_ref, bf_ref,
           pool_ref, z_ref, p_ref):
    i = pl.program_id(0)
    h = x_ref[...] + a0_ref[...] + a1_ref[...]
    h = jnp.dot(h, wa_ref[...], preferred_element_type=jnp.float32)
    h = jnp.maximum(h + ba_ref[...], 0.0)
    h = jnp.dot(h, wb_ref[...], preferred_element_type=jnp.float32)
    x3 = jnp.maximum(h + bb_ref[...], 0.0)

    rid = i * BLK + lax.broadcasted_iota(jnp.int32, (BLK, 1), 0)
    x3 = jnp.where(rid < N, x3, 0.0)

    og = (b_ref[0][:, :, None]
          == lax.broadcasted_iota(jnp.int32, (1, 1, G), 2))
    og = og.astype(jnp.float32).reshape(BLK, G)
    part = lax.dot_general(og, x3, (((0,), (0,)), ((), ())),
                           preferred_element_type=jnp.float32)

    @pl.when(i == 0)
    def _():
      pool_ref[...] = part

    @pl.when(i > 0)
    def _():
      pool_ref[...] += part

    @pl.when(i == nst - 1)
    def _():
      xp = pool_ref[...]
      z1 = jnp.dot(xp, wp1_ref[...], preferred_element_type=jnp.float32)
      z1 = jnp.maximum(z1 + bp1_ref[...], 0.0)
      z_ref[...] = (jnp.dot(z1, wp2_ref[...],
                            preferred_element_type=jnp.float32) + bp2_ref[...])
      p_ref[...] = (jnp.dot(xp, wf_ref[...],
                            preferred_element_type=jnp.float32) + bf_ref[...])

  row_spec = pl.BlockSpec((BLK, D), lambda i: (i, 0))
  w_spec = pl.BlockSpec((D, D), lambda i: (0, 0))
  b_spec = pl.BlockSpec((1, D), lambda i: (0, 0))
  g_spec = pl.BlockSpec((G, D), lambda i: (0, 0))
  pool, z, p = pl.pallas_call(
      body,
      grid=(nst,),
      in_specs=[row_spec, row_spec, row_spec, w_spec, b_spec, w_spec, b_spec,
                pl.BlockSpec((1, BR, 128), lambda i: (i, 0, 0)),
                w_spec, b_spec, w_spec, b_spec, w_spec, b_spec],
      out_specs=[g_spec, g_spec, g_spec],
      out_shape=[jax.ShapeDtypeStruct((G, D), jnp.float32),
                 jax.ShapeDtypeStruct((G, D), jnp.float32),
                 jax.ShapeDtypeStruct((G, D), jnp.float32)],
  )(x, a0, a1, Wa, ba.reshape(1, D), Wb, bb.reshape(1, D), batch_r,
    Wp1, bp1.reshape(1, D), Wp2, bp2.reshape(1, D), Wf_pad,
    bf_pad.reshape(1, D))
  del pool
  return z, p


def kernel(x, edge_index, batch, W_a0, b_a0, W_b0, b_b0, W_a1, b_a1, W_b1,
           b_b1, W_a2, b_a2, W_b2, b_b2, Wp1, bp1, Wp2, bp2, Wf, bf):
  npad = EP - E
  pad_src = jnp.arange(npad, dtype=jnp.int32) % N
  pad_dst = N + (jnp.arange(npad, dtype=jnp.int32) % (NP - N))
  ei = jnp.concatenate([edge_index, jnp.stack([pad_src, pad_dst])], axis=1)
  ei = ei.reshape(2, NW, NSTEP, K)
  zeros = jnp.zeros((NP, D), jnp.float32)
  batch_r = jnp.concatenate(
      [batch, jnp.full((NP - N,), G, jnp.int32)]).reshape(4, NP // 512, 128)
  Wf_pad = jnp.pad(Wf, ((0, 0), (0, D - C)))
  bf_pad = jnp.pad(bf, (0, D - C))

  a0, a1 = _sc_segment_sum(x, ei, zeros)
  x1 = _tc_mlp(x, a0, a1, W_a0, b_a0, W_b0, b_b0)
  a0, a1 = _sc_segment_sum(x1, ei, zeros)
  x2 = _tc_mlp(x1, a0, a1, W_a1, b_a1, W_b1, b_b1)
  a0, a1 = _sc_segment_sum(x2, ei, zeros)
  z, p_full = _tc_mlp_pool_heads(x2, a0, a1, W_a2, b_a2, W_b2,
                                 b_b2, batch_r, Wp1, bp1, Wp2, bp2,
                                 Wf_pad, bf_pad)
  return (z, p_full[:, :C])

# --- scband reference (transcript-rebuilt; emitter-appended) ---
"""Pipeline reference for scband-gnn-40424232190376 (READ-ONLY COPY).

The authoritative reference and input builder live on the scoring server;
editing this copy changes nothing except your own understanding.
"""

import jax, jax.numpy as jnp
import numpy as np

N = 10000
E = 320000
F_IN = 128
D = 128
G = 128
C = 10

def setup_inputs(seed: int = 0):
    key = jax.random.key(seed)
    ks = jax.random.split(key, 24)
    inp = {}
    inp['x'] = jax.random.normal(ks[0], (N, F_IN), dtype=jnp.float32)
    inp['edge_index'] = jax.random.randint(ks[1], (2, E), 0, N, dtype=jnp.int32)
    inp['batch'] = jnp.sort(jax.random.randint(ks[2], (N,), 0, G, dtype=jnp.int32))
    dims = [(F_IN, D), (D, D), (D, D)]
    k = 3
    for i, (din, d) in enumerate(dims):
        inp['W_a%d' % i] = jax.random.normal(ks[k], (din, d), dtype=jnp.float32) * (1.0 / np.sqrt(din)); k += 1
        inp['b_a%d' % i] = jnp.zeros((d,), dtype=jnp.float32)
        inp['W_b%d' % i] = jax.random.normal(ks[k], (d, d), dtype=jnp.float32) * (1.0 / np.sqrt(d)); k += 1
        inp['b_b%d' % i] = jnp.zeros((d,), dtype=jnp.float32)
    inp['Wp1'] = jax.random.normal(ks[k], (D, D), dtype=jnp.float32) * (1.0 / np.sqrt(D)); k += 1
    inp['bp1'] = jnp.zeros((D,), dtype=jnp.float32)
    inp['Wp2'] = jax.random.normal(ks[k], (D, D), dtype=jnp.float32) * (1.0 / np.sqrt(D)); k += 1
    inp['bp2'] = jnp.zeros((D,), dtype=jnp.float32)
    inp['Wf'] = jax.random.normal(ks[k], (D, C), dtype=jnp.float32) * (1.0 / np.sqrt(D)); k += 1
    inp['bf'] = jnp.zeros((C,), dtype=jnp.float32)
    return inp

def _gin_layer(x, src, dst, Wa, ba, Wb, bb):
    # GINConv with eps=0: MLP((1+eps)*x + sum_{j->i} x_j)
    agg = jax.ops.segment_sum(x[src], dst, num_segments=N)
    h = x + agg
    h = jnp.maximum(h @ Wa + ba, 0.0)
    h = h @ Wb + bb
    return jnp.maximum(h, 0.0)  # outer F.relu in Encoder.forward (BNs are defined but unused)

def reference(x, edge_index, batch, W_a0, b_a0, W_b0, b_b0, W_a1, b_a1, W_b1, b_b1, W_a2, b_a2, W_b2, b_b2, Wp1, bp1, Wp2, bp2, Wf, bf):
    src, dst = edge_index[0], edge_index[1]
    x = _gin_layer(x, src, dst, W_a0, b_a0, W_b0, b_b0)
    x = _gin_layer(x, src, dst, W_a1, b_a1, W_b1, b_b1)
    x = _gin_layer(x, src, dst, W_a2, b_a2, W_b2, b_b2)
    xpool = jax.ops.segment_sum(x, batch, num_segments=G)  # global_add_pool
    z = jnp.maximum(xpool @ Wp1 + bp1, 0.0) @ Wp2 + bp2  # proj_head
    p = xpool @ Wf + bf  # fc
    return (z, p)

if __name__ == "__main__":
    import jax
    _d = setup_inputs()
    print(jax.jit(kernel)(*tuple(_d.values())))

</pallas_src>

<mosaic_0001>
#map = affine_map<(d0, d1) -> (0, 0)>
#map1 = affine_map<(d0, d1) -> (0, 0, 0, 0)>
module attributes {stable_mosaic.version = 14 : i64} {
  func.func @seg_sum(%arg0: i32, %arg1: i32, %arg2: memref<10000x128xf32, #tpu.memory_space<hbm>>, %arg3: memref<2x32x80x128xi32, #tpu.memory_space<hbm>>, %arg4: memref<10240x128xf32, #tpu.memory_space<hbm>>, %arg5: memref<10240x128xf32, #tpu.memory_space<hbm>>, %arg6: memref<10240x128xf32, #tpu.memory_space<hbm>>, %arg7: memref<10240x128xf32, #tpu.memory_space<vmem_shared>>, %arg8: memref<40x128xi32, #tpu.memory_space<vmem>>, %arg9: memref<40x128xi32, #tpu.memory_space<vmem>>, %arg10: memref<128x128xf32, #tpu.memory_space<vmem>>, %arg11: memref<128x128xf32, #tpu.memory_space<vmem>>, %arg12: memref<!tpu.dma_semaphore, #tpu.memory_space<semaphore_mem>>, %arg13: memref<!tpu.dma_semaphore, #tpu.memory_space<semaphore_mem>>) attributes {dimension_semantics = [#tpu.dimension_semantics<core_parallel>, #tpu.dimension_semantics<subcore_parallel>], iteration_bounds = array<i64: 2, 16>, scalar_prefetch = 0 : i64, scratch_operands = 7 : i64, tpu.core_type = #tpu.core_type<sc_vector_subcore>, window_params = [{transform_indices = #map}, {transform_indices = #map1}, {transform_indices = #map}, {transform_indices = #map}, {transform_indices = #map}]} {
    %mul3A = arith.constant 2 : i32
    %mul3A_0 = arith.muli %arg1, %mul3A : i32
    %add3A = arith.addi %mul3A_0, %arg0 : i32
    %mul3A_1 = arith.constant 640 : i32
    %mul3A_2 = arith.muli %arg1, %mul3A_1 : i32
    "tpu.region"() ({
      %run_scoped3A_52 = tpu.sem_alloc : memref<!tpu.dma_semaphore, #tpu.memory_space<semaphore_mem>>
      %dma_start3A_53 = arith.constant 0 : i32
      %dma_start3A_54 = tpu.memref_slice %arg7[%mul3A_2, %dma_start3A_53] : memref<10240x128xf32, #tpu.memory_space<vmem_shared>> -> memref<640x128xf32, #tpu.memory_space<vmem_shared>>
      %dma_start3A_55 = arith.constant 0 : i32
      %dma_start3A_56 = tpu.memref_slice %arg4[%mul3A_2, %dma_start3A_55] : memref<10240x128xf32, #tpu.memory_space<hbm>> -> memref<640x128xf32, #tpu.memory_space<hbm>>
      tpu.enqueue_dma source(%dma_start3A_56 : memref<640x128xf32, #tpu.memory_space<hbm>>) target(%dma_start3A_54 : memref<640x128xf32, #tpu.memory_space<vmem_shared>>) target_semaphore(%run_scoped3A_52 : memref<!tpu.dma_semaphore, #tpu.memory_space<semaphore_mem>>)
      %dma_wait3A = arith.constant 0 : i32
      %dma_wait3A_57 = tpu.memref_slice %arg7[%mul3A_2, %dma_wait3A] : memref<10240x128xf32, #tpu.memory_space<vmem_shared>> -> memref<640x128xf32, #tpu.memory_space<vmem_shared>>
      %dma_wait3A_58 = arith.constant 0 : i32
      %dma_wait3A_59 = tpu.memref_slice %arg4[%mul3A_2, %dma_wait3A_58] : memref<10240x128xf32, #tpu.memory_space<hbm>> -> memref<640x128xf32, #tpu.memory_space<hbm>>
      tpu.wait_dma2 semaphore(%run_scoped3A_52 : memref<!tpu.dma_semaphore, #tpu.memory_space<semaphore_mem>>) src(%dma_wait3A_59 : memref<640x128xf32, #tpu.memory_space<hbm>>) dst(%dma_wait3A_57 : memref<640x128xf32, #tpu.memory_space<vmem_shared>>)
      tpu.yield
    }) : () -> ()
    %barrier3A = arith.constant 0 : index
    tpu.barrier barrier_id(%barrier3A)
    %run_scoped3A = arith.constant 0 : i32
    "tpu.region"() ({
      %run_scoped3A_52 = tpu.sem_alloc : memref<!tpu.dma_semaphore, #tpu.memory_space<semaphore_mem>>
      %dma_start3A_53 = arith.constant 0 : i32
      %dma_start3A_54 = arith.constant 0 : i32
      %dma_start3A_55 = tpu.memref_slice %arg3[%run_scoped3A, %add3A, %dma_start3A_53, %dma_start3A_54] : memref<2x32x80x128xi32, #tpu.memory_space<hbm>> -> memref<1x1x40x128xi32, #tpu.memory_space<hbm>>
      %dma_start3A_56 = tpu.memref_squeeze %dma_start3A_55 : memref<1x1x40x128xi32, #tpu.memory_space<hbm>> -> memref<40x128xi32, #tpu.memory_space<hbm>>
      %dma_start3A_57 = arith.constant 0 : i32
      %dma_start3A_58 = arith.constant 0 : i32
      %dma_start3A_59 = tpu.memref_slice %arg3[%run_scoped3A, %add3A, %dma_start3A_57, %dma_start3A_58] : memref<2x32x80x128xi32, #tpu.memory_space<hbm>> -> memref<1x1x40x128xi32, #tpu.memory_space<hbm>>
      %dma_start3A_60 = tpu.memref_squeeze %dma_start3A_59 : memref<1x1x40x128xi32, #tpu.memory_space<hbm>> -> memref<40x128xi32, #tpu.memory_space<hbm>>
      tpu.enqueue_dma source(%dma_start3A_60 : memref<40x128xi32, #tpu.memory_space<hbm>>) target(%arg8 : memref<40x128xi32, #tpu.memory_space<vmem>>) target_semaphore(%run_scoped3A_52 : memref<!tpu.dma_semaphore, #tpu.memory_space<semaphore_mem>>)
      %dma_wait3A = arith.constant 0 : i32
      %dma_wait3A_61 = arith.constant 0 : i32
      %dma_wait3A_62 = tpu.memref_slice %arg3[%run_scoped3A, %add3A, %dma_wait3A, %dma_wait3A_61] : memref<2x32x80x128xi32, #tpu.memory_space<hbm>> -> memref<1x1x40x128xi32, #tpu.memory_space<hbm>>
      %dma_wait3A_63 = tpu.memref_squeeze %dma_wait3A_62 : memref<1x1x40x128xi32, #tpu.memory_space<hbm>> -> memref<40x128xi32, #tpu.memory_space<hbm>>
      %dma_wait3A_64 = arith.constant 0 : i32
      %dma_wait3A_65 = arith.constant 0 : i32
      %dma_wait3A_66 = tpu.memref_slice %arg3[%run_scoped3A, %add3A, %dma_wait3A_64, %dma_wait3A_65] : memref<2x32x80x128xi32, #tpu.memory_space<hbm>> -> memref<1x1x40x128xi32, #tpu.memory_space<hbm>>
      %dma_wait3A_67 = tpu.memref_squeeze %dma_wait3A_66 : memref<1x1x40x128xi32, #tpu.memory_space<hbm>> -> memref<40x128xi32, #tpu.memory_space<hbm>>
      tpu.wait_dma2 semaphore(%run_scoped3A_52 : memref<!tpu.dma_semaphore, #tpu.memory_space<semaphore_mem>>) src(%dma_wait3A_67 : memref<40x128xi32, #tpu.memory_space<hbm>>) dst(%arg8 : memref<40x128xi32, #tpu.memory_space<vmem>>)
      tpu.yield
    }) : () -> ()
    %run_scoped3A_3 = arith.constant 1 : i32
    "tpu.region"() ({
      %run_scoped3A_52 = tpu.sem_alloc : memref<!tpu.dma_semaphore, #tpu.memory_space<semaphore_mem>>
      %dma_start3A_53 = arith.constant 0 : i32
      %dma_start3A_54 = arith.constant 0 : i32
      %dma_start3A_55 = tpu.memref_slice %arg3[%run_scoped3A_3, %add3A, %dma_start3A_53, %dma_start3A_54] : memref<2x32x80x128xi32, #tpu.memory_space<hbm>> -> memref<1x1x40x128xi32, #tpu.memory_space<hbm>>
      %dma_start3A_56 = tpu.memref_squeeze %dma_start3A_55 : memref<1x1x40x128xi32, #tpu.memory_space<hbm>> -> memref<40x128xi32, #tpu.memory_space<hbm>>
      %dma_start3A_57 = arith.constant 0 : i32
      %dma_start3A_58 = arith.constant 0 : i32
      %dma_start3A_59 = tpu.memref_slice %arg3[%run_scoped3A_3, %add3A, %dma_start3A_57, %dma_start3A_58] : memref<2x32x80x128xi32, #tpu.memory_space<hbm>> -> memref<1x1x40x128xi32, #tpu.memory_space<hbm>>
      %dma_start3A_60 = tpu.memref_squeeze %dma_start3A_59 : memref<1x1x40x128xi32, #tpu.memory_space<hbm>> -> memref<40x128xi32, #tpu.memory_space<hbm>>
      tpu.enqueue_dma source(%dma_start3A_60 : memref<40x128xi32, #tpu.memory_space<hbm>>) target(%arg9 : memref<40x128xi32, #tpu.memory_space<vmem>>) target_semaphore(%run_scoped3A_52 : memref<!tpu.dma_semaphore, #tpu.memory_space<semaphore_mem>>)
      %dma_wait3A = arith.constant 0 : i32
      %dma_wait3A_61 = arith.constant 0 : i32
      %dma_wait3A_62 = tpu.memref_slice %arg3[%run_scoped3A_3, %add3A, %dma_wait3A, %dma_wait3A_61] : memref<2x32x80x128xi32, #tpu.memory_space<hbm>> -> memref<1x1x40x128xi32, #tpu.memory_space<hbm>>
      %dma_wait3A_63 = tpu.memref_squeeze %dma_wait3A_62 : memref<1x1x40x128xi32, #tpu.memory_space<hbm>> -> memref<40x128xi32, #tpu.memory_space<hbm>>
      %dma_wait3A_64 = arith.constant 0 : i32
      %dma_wait3A_65 = arith.constant 0 : i32
      %dma_wait3A_66 = tpu.memref_slice %arg3[%run_scoped3A_3, %add3A, %dma_wait3A_64, %dma_wait3A_65] : memref<2x32x80x128xi32, #tpu.memory_space<hbm>> -> memref<1x1x40x128xi32, #tpu.memory_space<hbm>>
      %dma_wait3A_67 = tpu.memref_squeeze %dma_wait3A_66 : memref<1x1x40x128xi32, #tpu.memory_space<hbm>> -> memref<40x128xi32, #tpu.memory_space<hbm>>
      tpu.wait_dma2 semaphore(%run_scoped3A_52 : memref<!tpu.dma_semaphore, #tpu.memory_space<semaphore_mem>>) src(%dma_wait3A_67 : memref<40x128xi32, #tpu.memory_space<hbm>>) dst(%arg9 : memref<40x128xi32, #tpu.memory_space<vmem>>)
      tpu.yield
    }) : () -> ()
    %dma_start3A = arith.constant 0 : i32
    %dma_start3A_4 = arith.constant 0 : i32
    %dma_start3A_5 = tpu.memref_slice %arg8[%dma_start3A, %dma_start3A_4] : memref<40x128xi32, #tpu.memory_space<vmem>> -> memref<1x128xi32, #tpu.memory_space<vmem>>
    %dma_start3A_6 = tpu.memref_squeeze %dma_start3A_5 : memref<1x128xi32, #tpu.memory_space<vmem>> -> memref<128xi32, #tpu.memory_space<vmem>>
    %dma_start3A_7 = arith.constant 0 : i32
    %dma_start3A_8 = arith.constant 0 : i32
    %dma_start3A_9 = tpu.memref_slice %arg2[%dma_start3A_7, %dma_start3A_8] : memref<10000x128xf32, #tpu.memory_space<hbm>> -> memref<10000x128xf32, #tpu.memory_space<hbm>>
    tpu.enqueue_indirect_dma source(%dma_start3A_9 : memref<10000x128xf32, #tpu.memory_space<hbm>>) target(%arg10 : memref<128x128xf32, #tpu.memory_space<vmem>>) offsets(%dma_start3A_6 : memref<128xi32, #tpu.memory_space<vmem>>) semaphore(%arg12 : memref<!tpu.dma_semaphore, #tpu.memory_space<semaphore_mem>>)
    %dma_start3A_10 = arith.constant 1 : i32
    %dma_start3A_11 = arith.constant 0 : i32
    %dma_start3A_12 = tpu.memref_slice %arg8[%dma_start3A_10, %dma_start3A_11] : memref<40x128xi32, #tpu.memory_space<vmem>> -> memref<1x128xi32, #tpu.memory_space<vmem>>
    %dma_start3A_13 = tpu.memref_squeeze %dma_start3A_12 : memref<1x128xi32, #tpu.memory_space<vmem>> -> memref<128xi32, #tpu.memory_space<vmem>>
    %dma_start3A_14 = arith.constant 0 : i32
    %dma_start3A_15 = arith.constant 0 : i32
    %dma_start3A_16 = tpu.memref_slice %arg2[%dma_start3A_14, %dma_start3A_15] : memref<10000x128xf32, #tpu.memory_space<hbm>> -> memref<10000x128xf32, #tpu.memory_space<hbm>>
    tpu.enqueue_indirect_dma source(%dma_start3A_16 : memref<10000x128xf32, #tpu.memory_space<hbm>>) target(%arg11 : memref<128x128xf32, #tpu.memory_space<vmem>>) offsets(%dma_start3A_13 : memref<128xi32, #tpu.memory_space<vmem>>) semaphore(%arg13 : memref<!tpu.dma_semaphore, #tpu.memory_space<semaphore_mem>>)
    %scan3A = arith.constant 0 : i32
    %scan3A_17 = arith.constant 0 : i32
    %scan3A_18 = arith.constant 20 : i32
    %scan3A_19 = arith.addi %scan3A_17, %scan3A_18 : i32
    %scan3A_20 = arith.constant 1 : i32
    scf.for %scan3A_52 = %scan3A_17 to %scan3A_19 step %scan3A_20  : i32 {
      %mul3A_53 = arith.constant 2 : i32
      %mul3A_54 = arith.muli %mul3A_53, %scan3A_52 : i32
      %dma_wait3A = arith.constant 0 : i32
      %dma_wait3A_55 = tpu.memref_slice %arg8[%mul3A_54, %dma_wait3A] : memref<40x128xi32, #tpu.memory_space<vmem>> -> memref<1x128xi32, #tpu.memory_space<vmem>>
      %dma_wait3A_56 = tpu.memref_squeeze %dma_wait3A_55 : memref<1x128xi32, #tpu.memory_space<vmem>> -> memref<128xi32, #tpu.memory_space<vmem>>
      %dma_wait3A_57 = arith.constant 0 : i32
      %dma_wait3A_58 = arith.constant 0 : i32
      %dma_wait3A_59 = tpu.memref_slice %arg2[%dma_wait3A_57, %dma_wait3A_58] : memref<10000x128xf32, #tpu.memory_space<hbm>> -> memref<10000x128xf32, #tpu.memory_space<hbm>>
      tpu.wait_indirect_dma semaphore(%arg12 : memref<!tpu.dma_semaphore, #tpu.memory_space<semaphore_mem>>) src(%dma_wait3A_59 : memref<10000x128xf32, #tpu.memory_space<hbm>>) dst(%arg10 : memref<128x128xf32, #tpu.memory_space<vmem>>)
      "tpu.region"() ({
        %run_scoped3A_81 = tpu.sem_alloc : memref<!tpu.dma_semaphore, #tpu.memory_space<semaphore_mem>>
        %dma_start3A_82 = arith.constant 0 : i32
        %dma_start3A_83 = tpu.memref_slice %arg9[%mul3A_54, %dma_start3A_82] : memref<40x128xi32, #tpu.memory_space<vmem>> -> memref<1x128xi32, #tpu.memory_space<vmem>>
        %dma_start3A_84 = tpu.memref_squeeze %dma_start3A_83 : memref<1x128xi32, #tpu.memory_space<vmem>> -> memref<128xi32, #tpu.memory_space<vmem>>
        %dma_start3A_85 = arith.constant 0 : i32
        %dma_start3A_86 = arith.constant 0 : i32
        %dma_start3A_87 = tpu.memref_slice %arg7[%dma_start3A_85, %dma_start3A_86] : memref<10240x128xf32, #tpu.memory_space<vmem_shared>> -> memref<10240x128xf32, #tpu.memory_space<vmem_shared>>
        tpu.enqueue_indirect_dma source(%arg10 : memref<128x128xf32, #tpu.memory_space<vmem>>) target(%dma_start3A_87 : memref<10240x128xf32, #tpu.memory_space<vmem_shared>>) offsets(%dma_start3A_84 : memref<128xi32, #tpu.memory_space<vmem>>) semaphore(%run_scoped3A_81 : memref<!tpu.dma_semaphore, #tpu.memory_space<semaphore_mem>>) {add = true}
        %dma_wait3A_88 = arith.constant 0 : i32
        %dma_wait3A_89 = tpu.memref_slice %arg9[%mul3A_54, %dma_wait3A_88] : memref<40x128xi32, #tpu.memory_space<vmem>> -> memref<1x128xi32, #tpu.memory_space<vmem>>
        %dma_wait3A_90 = tpu.memref_squeeze %dma_wait3A_89 : memref<1x128xi32, #tpu.memory_space<vmem>> -> memref<128xi32, #tpu.memory_space<vmem>>
        %dma_wait3A_91 = arith.constant 0 : i32
        %dma_wait3A_92 = arith.constant 0 : i32
        %dma_wait3A_93 = tpu.memref_slice %arg7[%dma_wait3A_91, %dma_wait3A_92] : memref<10240x128xf32, #tpu.memory_space<vmem_shared>> -> memref<10240x128xf32, #tpu.memory_space<vmem_shared>>
        tpu.wait_indirect_dma semaphore(%run_scoped3A_81 : memref<!tpu.dma_semaphore, #tpu.memory_space<semaphore_mem>>) src(%arg10 : memref<128x128xf32, #tpu.memory_space<vmem>>) dst(%dma_wait3A_93 : memref<10240x128xf32, #tpu.memory_space<vmem_shared>>)
        tpu.yield
      }) : () -> ()
      %add3A_60 = arith.constant 2 : i32
      %add3A_61 = arith.addi %mul3A_54, %add3A_60 : i32
      %lt3A = arith.constant 40 : i32
      %lt3A_62 = arith.cmpi slt, %add3A_61, %lt3A : i32
      %convert_element_type3A_63 = arith.extui %lt3A_62 : i1 to i32
      %cond3A_64 = arith.constant 0 : i32
      %cond3A_65 = arith.cmpi ne, %convert_element_type3A_63, %cond3A_64 : i32
      scf.if %cond3A_65 {
        %add3A_81 = arith.constant 2 : i32
        %add3A_82 = arith.addi %mul3A_54, %add3A_81 : i32
        %dma_start3A_83 = arith.constant 0 : i32
        %dma_start3A_84 = tpu.memref_slice %arg8[%add3A_82, %dma_start3A_83] : memref<40x128xi32, #tpu.memory_space<vmem>> -> memref<1x128xi32, #tpu.memory_space<vmem>>
        %dma_start3A_85 = tpu.memref_squeeze %dma_start3A_84 : memref<1x128xi32, #tpu.memory_space<vmem>> -> memref<128xi32, #tpu.memory_space<vmem>>
        %dma_start3A_86 = arith.constant 0 : i32
        %dma_start3A_87 = arith.constant 0 : i32
        %dma_start3A_88 = tpu.memref_slice %arg2[%dma_start3A_86, %dma_start3A_87] : memref<10000x128xf32, #tpu.memory_space<hbm>> -> memref<10000x128xf32, #tpu.memory_space<hbm>>
        tpu.enqueue_indirect_dma source(%dma_start3A_88 : memref<10000x128xf32, #tpu.memory_space<hbm>>) target(%arg10 : memref<128x128xf32, #tpu.memory_space<vmem>>) offsets(%dma_start3A_85 : memref<128xi32, #tpu.memory_space<vmem>>) semaphore(%arg12 : memref<!tpu.dma_semaphore, #tpu.memory_space<semaphore_mem>>)
      } else {
      }
      %add3A_66 = arith.constant 1 : i32
      %add3A_67 = arith.addi %mul3A_54, %add3A_66 : i32
      %dma_wait3A_68 = arith.constant 0 : i32
      %dma_wait3A_69 = tpu.memref_slice %arg8[%add3A_67, %dma_wait3A_68] : memref<40x128xi32, #tpu.memory_space<vmem>> -> memref<1x128xi32, #tpu.memory_space<vmem>>
      %dma_wait3A_70 = tpu.memref_squeeze %dma_wait3A_69 : memref<1x128xi32, #tpu.memory_space<vmem>> -> memref<128xi32, #tpu.memory_space<vmem>>
      %dma_wait3A_71 = arith.constant 0 : i32
      %dma_wait3A_72 = arith.constant 0 : i32
      %dma_wait3A_73 = tpu.memref_slice %arg2[%dma_wait3A_71, %dma_wait3A_72] : memref<10000x128xf32, #tpu.memory_space<hbm>> -> memref<10000x128xf32, #tpu.memory_space<hbm>>
      tpu.wait_indirect_dma semaphore(%arg13 : memref<!tpu.dma_semaphore, #tpu.memory_space<semaphore_mem>>) src(%dma_wait3A_73 : memref<10000x128xf32, #tpu.memory_space<hbm>>) dst(%arg11 : memref<128x128xf32, #tpu.memory_space<vmem>>)
      "tpu.region"() ({
        %run_scoped3A_81 = tpu.sem_alloc : memref<!tpu.dma_semaphore, #tpu.memory_space<semaphore_mem>>
        %dma_start3A_82 = arith.constant 0 : i32
        %dma_start3A_83 = tpu.memref_slice %arg9[%add3A_67, %dma_start3A_82] : memref<40x128xi32, #tpu.memory_space<vmem>> -> memref<1x128xi32, #tpu.memory_space<vmem>>
        %dma_start3A_84 = tpu.memref_squeeze %dma_start3A_83 : memref<1x128xi32, #tpu.memory_space<vmem>> -> memref<128xi32, #tpu.memory_space<vmem>>
        %dma_start3A_85 = arith.constant 0 : i32
        %dma_start3A_86 = arith.constant 0 : i32
        %dma_start3A_87 = tpu.memref_slice %arg7[%dma_start3A_85, %dma_start3A_86] : memref<10240x128xf32, #tpu.memory_space<vmem_shared>> -> memref<10240x128xf32, #tpu.memory_space<vmem_shared>>
        tpu.enqueue_indirect_dma source(%arg11 : memref<128x128xf32, #tpu.memory_space<vmem>>) target(%dma_start3A_87 : memref<10240x128xf32, #tpu.memory_space<vmem_shared>>) offsets(%dma_start3A_84 : memref<128xi32, #tpu.memory_space<vmem>>) semaphore(%run_scoped3A_81 : memref<!tpu.dma_semaphore, #tpu.memory_space<semaphore_mem>>) {add = true}
        %dma_wait3A_88 = arith.constant 0 : i32
        %dma_wait3A_89 = tpu.memref_slice %arg9[%add3A_67, %dma_wait3A_88] : memref<40x128xi32, #tpu.memory_space<vmem>> -> memref<1x128xi32, #tpu.memory_space<vmem>>
        %dma_wait3A_90 = tpu.memref_squeeze %dma_wait3A_89 : memref<1x128xi32, #tpu.memory_space<vmem>> -> memref<128xi32, #tpu.memory_space<vmem>>
        %dma_wait3A_91 = arith.constant 0 : i32
        %dma_wait3A_92 = arith.constant 0 : i32
        %dma_wait3A_93 = tpu.memref_slice %arg7[%dma_wait3A_91, %dma_wait3A_92] : memref<10240x128xf32, #tpu.memory_space<vmem_shared>> -> memref<10240x128xf32, #tpu.memory_space<vmem_shared>>
        tpu.wait_indirect_dma semaphore(%run_scoped3A_81 : memref<!tpu.dma_semaphore, #tpu.memory_space<semaphore_mem>>) src(%arg11 : memref<128x128xf32, #tpu.memory_space<vmem>>) dst(%dma_wait3A_93 : memref<10240x128xf32, #tpu.memory_space<vmem_shared>>)
        tpu.yield
      }) : () -> ()
      %add3A_74 = arith.constant 2 : i32
      %add3A_75 = arith.addi %add3A_67, %add3A_74 : i32
      %lt3A_76 = arith.constant 40 : i32
      %lt3A_77 = arith.cmpi slt, %add3A_75, %lt3A_76 : i32
      %convert_element_type3A_78 = arith.extui %lt3A_77 : i1 to i32
      %cond3A_79 = arith.constant 0 : i32
      %cond3A_80 = arith.cmpi ne, %convert_element_type3A_78, %cond3A_79 : i32
      scf.if %cond3A_80 {
        %add3A_81 = arith.constant 2 : i32
        %add3A_82 = arith.addi %add3A_67, %add3A_81 : i32
        %dma_start3A_83 = arith.constant 0 : i32
        %dma_start3A_84 = tpu.memref_slice %arg8[%add3A_82, %dma_start3A_83] : memref<40x128xi32, #tpu.memory_space<vmem>> -> memref<1x128xi32, #tpu.memory_space<vmem>>
        %dma_start3A_85 = tpu.memref_squeeze %dma_start3A_84 : memref<1x128xi32, #tpu.memory_space<vmem>> -> memref<128xi32, #tpu.memory_space<vmem>>
        %dma_start3A_86 = arith.constant 0 : i32
        %dma_start3A_87 = arith.constant 0 : i32
        %dma_start3A_88 = tpu.memref_slice %arg2[%dma_start3A_86, %dma_start3A_87] : memref<10000x128xf32, #tpu.memory_space<hbm>> -> memref<10000x128xf32, #tpu.memory_space<hbm>>
        tpu.enqueue_indirect_dma source(%dma_start3A_88 : memref<10000x128xf32, #tpu.memory_space<hbm>>) target(%arg11 : memref<128x128xf32, #tpu.memory_space<vmem>>) offsets(%dma_start3A_85 : memref<128xi32, #tpu.memory_space<vmem>>) semaphore(%arg13 : memref<!tpu.dma_semaphore, #tpu.memory_space<semaphore_mem>>)
      } else {
      }
    }
    %scan3A_21 = arith.constant 20 : i32
    %run_scoped3A_22 = arith.constant 0 : i32
    "tpu.region"() ({
      %run_scoped3A_52 = tpu.sem_alloc : memref<!tpu.dma_semaphore, #tpu.memory_space<semaphore_mem>>
      %dma_start3A_53 = arith.constant 40 : i32
      %dma_start3A_54 = arith.constant 0 : i32
      %dma_start3A_55 = tpu.memref_slice %arg3[%run_scoped3A_22, %add3A, %dma_start3A_53, %dma_start3A_54] : memref<2x32x80x128xi32, #tpu.memory_space<hbm>> -> memref<1x1x40x128xi32, #tpu.memory_space<hbm>>
      %dma_start3A_56 = tpu.memref_squeeze %dma_start3A_55 : memref<1x1x40x128xi32, #tpu.memory_space<hbm>> -> memref<40x128xi32, #tpu.memory_space<hbm>>
      %dma_start3A_57 = arith.constant 40 : i32
      %dma_start3A_58 = arith.constant 0 : i32
      %dma_start3A_59 = tpu.memref_slice %arg3[%run_scoped3A_22, %add3A, %dma_start3A_57, %dma_start3A_58] : memref<2x32x80x128xi32, #tpu.memory_space<hbm>> -> memref<1x1x40x128xi32, #tpu.memory_space<hbm>>
      %dma_start3A_60 = tpu.memref_squeeze %dma_start3A_59 : memref<1x1x40x128xi32, #tpu.memory_space<hbm>> -> memref<40x128xi32, #tpu.memory_space<hbm>>
      tpu.enqueue_dma source(%dma_start3A_60 : memref<40x128xi32, #tpu.memory_space<hbm>>) target(%arg8 : memref<40x128xi32, #tpu.memory_space<vmem>>) target_semaphore(%run_scoped3A_52 : memref<!tpu.dma_semaphore, #tpu.memory_space<semaphore_mem>>)
      %dma_wait3A = arith.constant 40 : i32
      %dma_wait3A_61 = arith.constant 0 : i32
      %dma_wait3A_62 = tpu.memref_slice %arg3[%run_scoped3A_22, %add3A, %dma_wait3A, %dma_wait3A_61] : memref<2x32x80x128xi32, #tpu.memory_space<hbm>> -> memref<1x1x40x128xi32, #tpu.memory_space<hbm>>
      %dma_wait3A_63 = tpu.memref_squeeze %dma_wait3A_62 : memref<1x1x40x128xi32, #tpu.memory_space<hbm>> -> memref<40x128xi32, #tpu.memory_space<hbm>>
      %dma_wait3A_64 = arith.constant 40 : i32
      %dma_wait3A_65 = arith.constant 0 : i32
      %dma_wait3A_66 = tpu.memref_slice %arg3[%run_scoped3A_22, %add3A, %dma_wait3A_64, %dma_wait3A_65] : memref<2x32x80x128xi32, #tpu.memory_space<hbm>> -> memref<1x1x40x128xi32, #tpu.memory_space<hbm>>
      %dma_wait3A_67 = tpu.memref_squeeze %dma_wait3A_66 : memref<1x1x40x128xi32, #tpu.memory_space<hbm>> -> memref<40x128xi32, #tpu.memory_space<hbm>>
      tpu.wait_dma2 semaphore(%run_scoped3A_52 : memref<!tpu.dma_semaphore, #tpu.memory_space<semaphore_mem>>) src(%dma_wait3A_67 : memref<40x128xi32, #tpu.memory_space<hbm>>) dst(%arg8 : memref<40x128xi32, #tpu.memory_space<vmem>>)
      tpu.yield
    }) : () -> ()
    %run_scoped3A_23 = arith.constant 1 : i32
    "tpu.region"() ({
      %run_scoped3A_52 = tpu.sem_alloc : memref<!tpu.dma_semaphore, #tpu.memory_space<semaphore_mem>>
      %dma_start3A_53 = arith.constant 40 : i32
      %dma_start3A_54 = arith.constant 0 : i32
      %dma_start3A_55 = tpu.memref_slice %arg3[%run_scoped3A_23, %add3A, %dma_start3A_53, %dma_start3A_54] : memref<2x32x80x128xi32, #tpu.memory_space<hbm>> -> memref<1x1x40x128xi32, #tpu.memory_space<hbm>>
      %dma_start3A_56 = tpu.memref_squeeze %dma_start3A_55 : memref<1x1x40x128xi32, #tpu.memory_space<hbm>> -> memref<40x128xi32, #tpu.memory_space<hbm>>
      %dma_start3A_57 = arith.constant 40 : i32
      %dma_start3A_58 = arith.constant 0 : i32
      %dma_start3A_59 = tpu.memref_slice %arg3[%run_scoped3A_23, %add3A, %dma_start3A_57, %dma_start3A_58] : memref<2x32x80x128xi32, #tpu.memory_space<hbm>> -> memref<1x1x40x128xi32, #tpu.memory_space<hbm>>
      %dma_start3A_60 = tpu.memref_squeeze %dma_start3A_59 : memref<1x1x40x128xi32, #tpu.memory_space<hbm>> -> memref<40x128xi32, #tpu.memory_space<hbm>>
      tpu.enqueue_dma source(%dma_start3A_60 : memref<40x128xi32, #tpu.memory_space<hbm>>) target(%arg9 : memref<40x128xi32, #tpu.memory_space<vmem>>) target_semaphore(%run_scoped3A_52 : memref<!tpu.dma_semaphore, #tpu.memory_space<semaphore_mem>>)
      %dma_wait3A = arith.constant 40 : i32
      %dma_wait3A_61 = arith.constant 0 : i32
      %dma_wait3A_62 = tpu.memref_slice %arg3[%run_scoped3A_23, %add3A, %dma_wait3A, %dma_wait3A_61] : memref<2x32x80x128xi32, #tpu.memory_space<hbm>> -> memref<1x1x40x128xi32, #tpu.memory_space<hbm>>
      %dma_wait3A_63 = tpu.memref_squeeze %dma_wait3A_62 : memref<1x1x40x128xi32, #tpu.memory_space<hbm>> -> memref<40x128xi32, #tpu.memory_space<hbm>>
      %dma_wait3A_64 = arith.constant 40 : i32
      %dma_wait3A_65 = arith.constant 0 : i32
      %dma_wait3A_66 = tpu.memref_slice %arg3[%run_scoped3A_23, %add3A, %dma_wait3A_64, %dma_wait3A_65] : memref<2x32x80x128xi32, #tpu.memory_space<hbm>> -> memref<1x1x40x128xi32, #tpu.memory_space<hbm>>
      %dma_wait3A_67 = tpu.memref_squeeze %dma_wait3A_66 : memref<1x1x40x128xi32, #tpu.memory_space<hbm>> -> memref<40x128xi32, #tpu.memory_space<hbm>>
      tpu.wait_dma2 semaphore(%run_scoped3A_52 : memref<!tpu.dma_semaphore, #tpu.memory_space<semaphore_mem>>) src(%dma_wait3A_67 : memref<40x128xi32, #tpu.memory_space<hbm>>) dst(%arg9 : memref<40x128xi32, #tpu.memory_space<vmem>>)
      tpu.yield
    }) : () -> ()
    %dma_start3A_24 = arith.constant 0 : i32
    %dma_start3A_25 = arith.constant 0 : i32
    %dma_start3A_26 = tpu.memref_slice %arg8[%dma_start3A_24, %dma_start3A_25] : memref<40x128xi32, #tpu.memory_space<vmem>> -> memref<1x128xi32, #tpu.memory_space<vmem>>
    %dma_start3A_27 = tpu.memref_squeeze %dma_start3A_26 : memref<1x128xi32, #tpu.memory_space<vmem>> -> memref<128xi32, #tpu.memory_space<vmem>>
    %dma_start3A_28 = arith.constant 0 : i32
    %dma_start3A_29 = arith.constant 0 : i32
    %dma_start3A_30 = tpu.memref_slice %arg2[%dma_start3A_28, %dma_start3A_29] : memref<10000x128xf32, #tpu.memory_space<hbm>> -> memref<10000x128xf32, #tpu.memory_space<hbm>>
    tpu.enqueue_indirect_dma source(%dma_start3A_30 : memref<10000x128xf32, #tpu.memory_space<hbm>>) target(%arg10 : memref<128x128xf32, #tpu.memory_space<vmem>>) offsets(%dma_start3A_27 : memref<128xi32, #tpu.memory_space<vmem>>) semaphore(%arg12 : memref<!tpu.dma_semaphore, #tpu.memory_space<semaphore_mem>>)
    %dma_start3A_31 = arith.constant 1 : i32
    %dma_start3A_32 = arith.constant 0 : i32
    %dma_start3A_33 = tpu.memref_slice %arg8[%dma_start3A_31, %dma_start3A_32] : memref<40x128xi32, #tpu.memory_space<vmem>> -> memref<1x128xi32, #tpu.memory_space<vmem>>
    %dma_start3A_34 = tpu.memref_squeeze %dma_start3A_33 : memref<1x128xi32, #tpu.memory_space<vmem>> -> memref<128xi32, #tpu.memory_space<vmem>>
    %dma_start3A_35 = arith.constant 0 : i32
    %dma_start3A_36 = arith.constant 0 : i32
    %dma_start3A_37 = tpu.memref_slice %arg2[%dma_start3A_35, %dma_start3A_36] : memref<10000x128xf32, #tpu.memory_space<hbm>> -> memref<10000x128xf32, #tpu.memory_space<hbm>>
    tpu.enqueue_indirect_dma source(%dma_start3A_37 : memref<10000x128xf32, #tpu.memory_space<hbm>>) target(%arg11 : memref<128x128xf32, #tpu.memory_space<vmem>>) offsets(%dma_start3A_34 : memref<128xi32, #tpu.memory_space<vmem>>) semaphore(%arg13 : memref<!tpu.dma_semaphore, #tpu.memory_space<semaphore_mem>>)
    %scan3A_38 = arith.constant 0 : i32
    %scan3A_39 = arith.constant 0 : i32
    %scan3A_40 = arith.constant 20 : i32
    %scan3A_41 = arith.addi %scan3A_39, %scan3A_40 : i32
    %scan3A_42 = arith.constant 1 : i32
    scf.for %scan3A_52 = %scan3A_39 to %scan3A_41 step %scan3A_42  : i32 {
      %mul3A_53 = arith.constant 2 : i32
      %mul3A_54 = arith.muli %mul3A_53, %scan3A_52 : i32
      %dma_wait3A = arith.constant 0 : i32
      %dma_wait3A_55 = tpu.memref_slice %arg8[%mul3A_54, %dma_wait3A] : memref<40x128xi32, #tpu.memory_space<vmem>> -> memref<1x128xi32, #tpu.memory_space<vmem>>
      %dma_wait3A_56 = tpu.memref_squeeze %dma_wait3A_55 : memref<1x128xi32, #tpu.memory_space<vmem>> -> memref<128xi32, #tpu.memory_space<vmem>>
      %dma_wait3A_57 = arith.constant 0 : i32
      %dma_wait3A_58 = arith.constant 0 : i32
      %dma_wait3A_59 = tpu.memref_slice %arg2[%dma_wait3A_57, %dma_wait3A_58] : memref<10000x128xf32, #tpu.memory_space<hbm>> -> memref<10000x128xf32, #tpu.memory_space<hbm>>
      tpu.wait_indirect_dma semaphore(%arg12 : memref<!tpu.dma_semaphore, #tpu.memory_space<semaphore_mem>>) src(%dma_wait3A_59 : memref<10000x128xf32, #tpu.memory_space<hbm>>) dst(%arg10 : memref<128x128xf32, #tpu.memory_space<vmem>>)
      "tpu.region"() ({
        %run_scoped3A_81 = tpu.sem_alloc : memref<!tpu.dma_semaphore, #tpu.memory_space<semaphore_mem>>
        %dma_start3A_82 = arith.constant 0 : i32
        %dma_start3A_83 = tpu.memref_slice %arg9[%mul3A_54, %dma_start3A_82] : memref<40x128xi32, #tpu.memory_space<vmem>> -> memref<1x128xi32, #tpu.memory_space<vmem>>
        %dma_start3A_84 = tpu.memref_squeeze %dma_start3A_83 : memref<1x128xi32, #tpu.memory_space<vmem>> -> memref<128xi32, #tpu.memory_space<vmem>>
        %dma_start3A_85 = arith.constant 0 : i32
        %dma_start3A_86 = arith.constant 0 : i32
        %dma_start3A_87 = tpu.memref_slice %arg7[%dma_start3A_85, %dma_start3A_86] : memref<10240x128xf32, #tpu.memory_space<vmem_shared>> -> memref<10240x128xf32, #tpu.memory_space<vmem_shared>>
        tpu.enqueue_indirect_dma source(%arg10 : memref<128x128xf32, #tpu.memory_space<vmem>>) target(%dma_start3A_87 : memref<10240x128xf32, #tpu.memory_space<vmem_shared>>) offsets(%dma_start3A_84 : memref<128xi32, #tpu.memory_space<vmem>>) semaphore(%run_scoped3A_81 : memref<!tpu.dma_semaphore, #tpu.memory_space<semaphore_mem>>) {add = true}
        %dma_wait3A_88 = arith.constant 0 : i32
        %dma_wait3A_89 = tpu.memref_slice %arg9[%mul3A_54, %dma_wait3A_88] : memref<40x128xi32, #tpu.memory_space<vmem>> -> memref<1x128xi32, #tpu.memory_space<vmem>>
        %dma_wait3A_90 = tpu.memref_squeeze %dma_wait3A_89 : memref<1x128xi32, #tpu.memory_space<vmem>> -> memref<128xi32, #tpu.memory_space<vmem>>
        %dma_wait3A_91 = arith.constant 0 : i32
        %dma_wait3A_92 = arith.constant 0 : i32
        %dma_wait3A_93 = tpu.memref_slice %arg7[%dma_wait3A_91, %dma_wait3A_92] : memref<10240x128xf32, #tpu.memory_space<vmem_shared>> -> memref<10240x128xf32, #tpu.memory_space<vmem_shared>>
        tpu.wait_indirect_dma semaphore(%run_scoped3A_81 : memref<!tpu.dma_semaphore, #tpu.memory_space<semaphore_mem>>) src(%arg10 : memref<128x128xf32, #tpu.memory_space<vmem>>) dst(%dma_wait3A_93 : memref<10240x128xf32, #tpu.memory_space<vmem_shared>>)
        tpu.yield
      }) : () -> ()
      %add3A_60 = arith.constant 2 : i32
      %add3A_61 = arith.addi %mul3A_54, %add3A_60 : i32
      %lt3A = arith.constant 40 : i32
      %lt3A_62 = arith.cmpi slt, %add3A_61, %lt3A : i32
      %convert_element_type3A_63 = arith.extui %lt3A_62 : i1 to i32
      %cond3A_64 = arith.constant 0 : i32
      %cond3A_65 = arith.cmpi ne, %convert_element_type3A_63, %cond3A_64 : i32
      scf.if %cond3A_65 {
        %add3A_81 = arith.constant 2 : i32
        %add3A_82 = arith.addi %mul3A_54, %add3A_81 : i32
        %dma_start3A_83 = arith.constant 0 : i32
        %dma_start3A_84 = tpu.memref_slice %arg8[%add3A_82, %dma_start3A_83] : memref<40x128xi32, #tpu.memory_space<vmem>> -> memref<1x128xi32, #tpu.memory_space<vmem>>
        %dma_start3A_85 = tpu.memref_squeeze %dma_start3A_84 : memref<1x128xi32, #tpu.memory_space<vmem>> -> memref<128xi32, #tpu.memory_space<vmem>>
        %dma_start3A_86 = arith.constant 0 : i32
        %dma_start3A_87 = arith.constant 0 : i32
        %dma_start3A_88 = tpu.memref_slice %arg2[%dma_start3A_86, %dma_start3A_87] : memref<10000x128xf32, #tpu.memory_space<hbm>> -> memref<10000x128xf32, #tpu.memory_space<hbm>>
        tpu.enqueue_indirect_dma source(%dma_start3A_88 : memref<10000x128xf32, #tpu.memory_space<hbm>>) target(%arg10 : memref<128x128xf32, #tpu.memory_space<vmem>>) offsets(%dma_start3A_85 : memref<128xi32, #tpu.memory_space<vmem>>) semaphore(%arg12 : memref<!tpu.dma_semaphore, #tpu.memory_space<semaphore_mem>>)
      } else {
      }
      %add3A_66 = arith.constant 1 : i32
      %add3A_67 = arith.addi %mul3A_54, %add3A_66 : i32
      %dma_wait3A_68 = arith.constant 0 : i32
      %dma_wait3A_69 = tpu.memref_slice %arg8[%add3A_67, %dma_wait3A_68] : memref<40x128xi32, #tpu.memory_space<vmem>> -> memref<1x128xi32, #tpu.memory_space<vmem>>
      %dma_wait3A_70 = tpu.memref_squeeze %dma_wait3A_69 : memref<1x128xi32, #tpu.memory_space<vmem>> -> memref<128xi32, #tpu.memory_space<vmem>>
      %dma_wait3A_71 = arith.constant 0 : i32
      %dma_wait3A_72 = arith.constant 0 : i32
      %dma_wait3A_73 = tpu.memref_slice %arg2[%dma_wait3A_71, %dma_wait3A_72] : memref<10000x128xf32, #tpu.memory_space<hbm>> -> memref<10000x128xf32, #tpu.memory_space<hbm>>
      tpu.wait_indirect_dma semaphore(%arg13 : memref<!tpu.dma_semaphore, #tpu.memory_space<semaphore_mem>>) src(%dma_wait3A_73 : memref<10000x128xf32, #tpu.memory_space<hbm>>) dst(%arg11 : memref<128x128xf32, #tpu.memory_space<vmem>>)
      "tpu.region"() ({
        %run_scoped3A_81 = tpu.sem_alloc : memref<!tpu.dma_semaphore, #tpu.memory_space<semaphore_mem>>
        %dma_start3A_82 = arith.constant 0 : i32
        %dma_start3A_83 = tpu.memref_slice %arg9[%add3A_67, %dma_start3A_82] : memref<40x128xi32, #tpu.memory_space<vmem>> -> memref<1x128xi32, #tpu.memory_space<vmem>>
        %dma_start3A_84 = tpu.memref_squeeze %dma_start3A_83 : memref<1x128xi32, #tpu.memory_space<vmem>> -> memref<128xi32, #tpu.memory_space<vmem>>
        %dma_start3A_85 = arith.constant 0 : i32
        %dma_start3A_86 = arith.constant 0 : i32
        %dma_start3A_87 = tpu.memref_slice %arg7[%dma_start3A_85, %dma_start3A_86] : memref<10240x128xf32, #tpu.memory_space<vmem_shared>> -> memref<10240x128xf32, #tpu.memory_space<vmem_shared>>
        tpu.enqueue_indirect_dma source(%arg11 : memref<128x128xf32, #tpu.memory_space<vmem>>) target(%dma_start3A_87 : memref<10240x128xf32, #tpu.memory_space<vmem_shared>>) offsets(%dma_start3A_84 : memref<128xi32, #tpu.memory_space<vmem>>) semaphore(%run_scoped3A_81 : memref<!tpu.dma_semaphore, #tpu.memory_space<semaphore_mem>>) {add = true}
        %dma_wait3A_88 = arith.constant 0 : i32
        %dma_wait3A_89 = tpu.memref_slice %arg9[%add3A_67, %dma_wait3A_88] : memref<40x128xi32, #tpu.memory_space<vmem>> -> memref<1x128xi32, #tpu.memory_space<vmem>>
        %dma_wait3A_90 = tpu.memref_squeeze %dma_wait3A_89 : memref<1x128xi32, #tpu.memory_space<vmem>> -> memref<128xi32, #tpu.memory_space<vmem>>
        %dma_wait3A_91 = arith.constant 0 : i32
        %dma_wait3A_92 = arith.constant 0 : i32
        %dma_wait3A_93 = tpu.memref_slice %arg7[%dma_wait3A_91, %dma_wait3A_92] : memref<10240x128xf32, #tpu.memory_space<vmem_shared>> -> memref<10240x128xf32, #tpu.memory_space<vmem_shared>>
        tpu.wait_indirect_dma semaphore(%run_scoped3A_81 : memref<!tpu.dma_semaphore, #tpu.memory_space<semaphore_mem>>) src(%arg11 : memref<128x128xf32, #tpu.memory_space<vmem>>) dst(%dma_wait3A_93 : memref<10240x128xf32, #tpu.memory_space<vmem_shared>>)
        tpu.yield
      }) : () -> ()
      %add3A_74 = arith.constant 2 : i32
      %add3A_75 = arith.addi %add3A_67, %add3A_74 : i32
      %lt3A_76 = arith.constant 40 : i32
      %lt3A_77 = arith.cmpi slt, %add3A_75, %lt3A_76 : i32
      %convert_element_type3A_78 = arith.extui %lt3A_77 : i1 to i32
      %cond3A_79 = arith.constant 0 : i32
      %cond3A_80 = arith.cmpi ne, %convert_element_type3A_78, %cond3A_79 : i32
      scf.if %cond3A_80 {
        %add3A_81 = arith.constant 2 : i32
        %add3A_82 = arith.addi %add3A_67, %add3A_81 : i32
        %dma_start3A_83 = arith.constant 0 : i32
        %dma_start3A_84 = tpu.memref_slice %arg8[%add3A_82, %dma_start3A_83] : memref<40x128xi32, #tpu.memory_space<vmem>> -> memref<1x128xi32, #tpu.memory_space<vmem>>
        %dma_start3A_85 = tpu.memref_squeeze %dma_start3A_84 : memref<1x128xi32, #tpu.memory_space<vmem>> -> memref<128xi32, #tpu.memory_space<vmem>>
        %dma_start3A_86 = arith.constant 0 : i32
        %dma_start3A_87 = arith.constant 0 : i32
        %dma_start3A_88 = tpu.memref_slice %arg2[%dma_start3A_86, %dma_start3A_87] : memref<10000x128xf32, #tpu.memory_space<hbm>> -> memref<10000x128xf32, #tpu.memory_space<hbm>>
        tpu.enqueue_indirect_dma source(%dma_start3A_88 : memref<10000x128xf32, #tpu.memory_space<hbm>>) target(%arg11 : memref<128x128xf32, #tpu.memory_space<vmem>>) offsets(%dma_start3A_85 : memref<128xi32, #tpu.memory_space<vmem>>) semaphore(%arg13 : memref<!tpu.dma_semaphore, #tpu.memory_space<semaphore_mem>>)
      } else {
      }
    }
    %scan3A_43 = arith.constant 20 : i32
    %barrier3A_44 = arith.constant 0 : index
    tpu.barrier barrier_id(%barrier3A_44)
    %eq3A = arith.constant 0 : i32
    %eq3A_45 = arith.cmpi eq, %arg0, %eq3A : i32
    %convert_element_type3A = arith.extui %eq3A_45 : i1 to i32
    %cond3A = arith.constant 0 : i32
    %cond3A_46 = arith.cmpi ne, %convert_element_type3A, %cond3A : i32
    scf.if %cond3A_46 {
      "tpu.region"() ({
        %run_scoped3A_52 = tpu.sem_alloc : memref<!tpu.dma_semaphore, #tpu.memory_space<semaphore_mem>>
        %dma_start3A_53 = arith.constant 0 : i32
        %dma_start3A_54 = tpu.memref_slice %arg5[%mul3A_2, %dma_start3A_53] : memref<10240x128xf32, #tpu.memory_space<hbm>> -> memref<640x128xf32, #tpu.memory_space<hbm>>
        %dma_start3A_55 = arith.constant 0 : i32
        %dma_start3A_56 = tpu.memref_slice %arg7[%mul3A_2, %dma_start3A_55] : memref<10240x128xf32, #tpu.memory_space<vmem_shared>> -> memref<640x128xf32, #tpu.memory_space<vmem_shared>>
        tpu.enqueue_dma source(%dma_start3A_56 : memref<640x128xf32, #tpu.memory_space<vmem_shared>>) target(%dma_start3A_54 : memref<640x128xf32, #tpu.memory_space<hbm>>) target_semaphore(%run_scoped3A_52 : memref<!tpu.dma_semaphore, #tpu.memory_space<semaphore_mem>>)
        %dma_wait3A = arith.constant 0 : i32
        %dma_wait3A_57 = tpu.memref_slice %arg5[%mul3A_2, %dma_wait3A] : memref<10240x128xf32, #tpu.memory_space<hbm>> -> memref<640x128xf32, #tpu.memory_space<hbm>>
        %dma_wait3A_58 = arith.constant 0 : i32
        %dma_wait3A_59 = tpu.memref_slice %arg7[%mul3A_2, %dma_wait3A_58] : memref<10240x128xf32, #tpu.memory_space<vmem_shared>> -> memref<640x128xf32, #tpu.memory_space<vmem_shared>>
        tpu.wait_dma2 semaphore(%run_scoped3A_52 : memref<!tpu.dma_semaphore, #tpu.memory_space<semaphore_mem>>) src(%dma_wait3A_59 : memref<640x128xf32, #tpu.memory_space<vmem_shared>>) dst(%dma_wait3A_57 : memref<640x128xf32, #tpu.memory_space<hbm>>)
        tpu.yield
      }) : () -> ()
    } else {
    }
    %eq3A_47 = arith.constant 1 : i32
    %eq3A_48 = arith.cmpi eq, %arg0, %eq3A_47 : i32
    %convert_element_type3A_49 = arith.extui %eq3A_48 : i1 to i32
    %cond3A_50 = arith.constant 0 : i32
    %cond3A_51 = arith.cmpi ne, %convert_element_type3A_49, %cond3A_50 : i32
    scf.if %cond3A_51 {
      "tpu.region"() ({
        %run_scoped3A_52 = tpu.sem_alloc : memref<!tpu.dma_semaphore, #tpu.memory_space<semaphore_mem>>
        %dma_start3A_53 = arith.constant 0 : i32
        %dma_start3A_54 = tpu.memref_slice %arg6[%mul3A_2, %dma_start3A_53] : memref<10240x128xf32, #tpu.memory_space<hbm>> -> memref<640x128xf32, #tpu.memory_space<hbm>>
        %dma_start3A_55 = arith.constant 0 : i32
        %dma_start3A_56 = tpu.memref_slice %arg7[%mul3A_2, %dma_start3A_55] : memref<10240x128xf32, #tpu.memory_space<vmem_shared>> -> memref<640x128xf32, #tpu.memory_space<vmem_shared>>
        tpu.enqueue_dma source(%dma_start3A_56 : memref<640x128xf32, #tpu.memory_space<vmem_shared>>) target(%dma_start3A_54 : memref<640x128xf32, #tpu.memory_space<hbm>>) target_semaphore(%run_scoped3A_52 : memref<!tpu.dma_semaphore, #tpu.memory_space<semaphore_mem>>)
        %dma_wait3A = arith.constant 0 : i32
        %dma_wait3A_57 = tpu.memref_slice %arg6[%mul3A_2, %dma_wait3A] : memref<10240x128xf32, #tpu.memory_space<hbm>> -> memref<640x128xf32, #tpu.memory_space<hbm>>
        %dma_wait3A_58 = arith.constant 0 : i32
        %dma_wait3A_59 = tpu.memref_slice %arg7[%mul3A_2, %dma_wait3A_58] : memref<10240x128xf32, #tpu.memory_space<vmem_shared>> -> memref<640x128xf32, #tpu.memory_space<vmem_shared>>
        tpu.wait_dma2 semaphore(%run_scoped3A_52 : memref<!tpu.dma_semaphore, #tpu.memory_space<semaphore_mem>>) src(%dma_wait3A_59 : memref<640x128xf32, #tpu.memory_space<vmem_shared>>) dst(%dma_wait3A_57 : memref<640x128xf32, #tpu.memory_space<hbm>>)
        tpu.yield
      }) : () -> ()
    } else {
    }
    return
  }
}

#map = affine_map<(d0, d1) -> (0, 0)>
#map1 = affine_map<(d0, d1) -> (0, 0, 0, 0)>
module attributes {stable_mosaic.version = 14 : i64} {
  func.func @seg_sum(%arg0: i32, %arg1: i32, %arg2: memref<10000x128xf32, #tpu.memory_space<hbm>>, %arg3: memref<2x32x80x128xi32, #tpu.memory_space<hbm>>, %arg4: memref<10240x128xf32, #tpu.memory_space<hbm>>, %arg5: memref<10240x128xf32, #tpu.memory_space<hbm>>, %arg6: memref<10240x128xf32, #tpu.memory_space<hbm>>, %arg7: memref<10240x128xf32, #tpu.memory_space<vmem_shared>>, %arg8: memref<40x128xi32, #tpu.memory_space<vmem>>, %arg9: memref<40x128xi32, #tpu.memory_space<vmem>>, %arg10: memref<128x128xf32, #tpu.memory_space<vmem>>, %arg11: memref<128x128xf32, #tpu.memory_space<vmem>>, %arg12: memref<!tpu.dma_semaphore, #tpu.memory_space<semaphore_mem>>, %arg13: memref<!tpu.dma_semaphore, #tpu.memory_space<semaphore_mem>>) attributes {dimension_semantics = [#tpu.dimension_semantics<core_parallel>, #tpu.dimension_semantics<subcore_parallel>], iteration_bounds = array<i64: 2, 16>, scalar_prefetch = 0 : i64, scratch_operands = 7 : i64, tpu.core_type = #tpu.core_type<sc_vector_subcore>, window_params = [{transform_indices = #map}, {transform_indices = #map1}, {transform_indices = #map}, {transform_indices = #map}, {transform_indices = #map}]} {
    %mul3A = arith.constant 2 : i32
    %mul3A_0 = arith.muli %arg1, %mul3A : i32
    %add3A = arith.addi %mul3A_0, %arg0 : i32
    %mul3A_1 = arith.constant 640 : i32
    %mul3A_2 = arith.muli %arg1, %mul3A_1 : i32
    "tpu.region"() ({
      %run_scoped3A_52 = tpu.sem_alloc : memref<!tpu.dma_semaphore, #tpu.memory_space<semaphore_mem>>
      %dma_start3A_53 = arith.constant 0 : i32
      %dma_start3A_54 = tpu.memref_slice %arg7[%mul3A_2, %dma_start3A_53] : memref<10240x128xf32, #tpu.memory_space<vmem_shared>> -> memref<640x128xf32, #tpu.memory_space<vmem_shared>>
      %dma_start3A_55 = arith.constant 0 : i32
      %dma_start3A_56 = tpu.memref_slice %arg4[%mul3A_2, %dma_start3A_55] : memref<10240x128xf32, #tpu.memory_space<hbm>> -> memref<640x128xf32, #tpu.memory_space<hbm>>
      tpu.enqueue_dma source(%dma_start3A_56 : memref<640x128xf32, #tpu.memory_space<hbm>>) target(%dma_start3A_54 : memref<640x128xf32, #tpu.memory_space<vmem_shared>>) target_semaphore(%run_scoped3A_52 : memref<!tpu.dma_semaphore, #tpu.memory_space<semaphore_mem>>)
      %dma_wait3A = arith.constant 0 : i32
      %dma_wait3A_57 = tpu.memref_slice %arg7[%mul3A_2, %dma_wait3A] : memref<10240x128xf32, #tpu.memory_space<vmem_shared>> -> memref<640x128xf32, #tpu.memory_space<vmem_shared>>
      %dma_wait3A_58 = arith.constant 0 : i32
      %dma_wait3A_59 = tpu.memref_slice %arg4[%mul3A_2, %dma_wait3A_58] : memref<10240x128xf32, #tpu.memory_space<hbm>> -> memref<640x128xf32, #tpu.memory_space<hbm>>
      tpu.wait_dma2 semaphore(%run_scoped3A_52 : memref<!tpu.dma_semaphore, #tpu.memory_space<semaphore_mem>>) src(%dma_wait3A_59 : memref<640x128xf32, #tpu.memory_space<hbm>>) dst(%dma_wait3A_57 : memref<640x128xf32, #tpu.memory_space<vmem_shared>>)
      tpu.yield
    }) : () -> ()
    %barrier3A = arith.constant 0 : index
    tpu.barrier barrier_id(%barrier3A)
    %run_scoped3A = arith.constant 0 : i32
    "tpu.region"() ({
      %run_scoped3A_52 = tpu.sem_alloc : memref<!tpu.dma_semaphore, #tpu.memory_space<semaphore_mem>>
      %dma_start3A_53 = arith.constant 0 : i32
      %dma_start3A_54 = arith.constant 0 : i32
      %dma_start3A_55 = tpu.memref_slice %arg3[%run_scoped3A, %add3A, %dma_start3A_53, %dma_start3A_54] : memref<2x32x80x128xi32, #tpu.memory_space<hbm>> -> memref<1x1x40x128xi32, #tpu.memory_space<hbm>>
      %dma_start3A_56 = tpu.memref_squeeze %dma_start3A_55 : memref<1x1x40x128xi32, #tpu.memory_space<hbm>> -> memref<40x128xi32, #tpu.memory_space<hbm>>
      %dma_start3A_57 = arith.constant 0 : i32
      %dma_start3A_58 = arith.constant 0 : i32
      %dma_start3A_59 = tpu.memref_slice %arg3[%run_scoped3A, %add3A, %dma_start3A_57, %dma_start3A_58] : memref<2x32x80x128xi32, #tpu.memory_space<hbm>> -> memref<1x1x40x128xi32, #tpu.memory_space<hbm>>
      %dma_start3A_60 = tpu.memref_squeeze %dma_start3A_59 : memref<1x1x40x128xi32, #tpu.memory_space<hbm>> -> memref<40x128xi32, #tpu.memory_space<hbm>>
      tpu.enqueue_dma source(%dma_start3A_60 : memref<40x128xi32, #tpu.memory_space<hbm>>) target(%arg8 : memref<40x128xi32, #tpu.memory_space<vmem>>) target_semaphore(%run_scoped3A_52 : memref<!tpu.dma_semaphore, #tpu.memory_space<semaphore_mem>>)
      %dma_wait3A = arith.constant 0 : i32
      %dma_wait3A_61 = arith.constant 0 : i32
      %dma_wait3A_62 = tpu.memref_slice %arg3[%run_scoped3A, %add3A, %dma_wait3A, %dma_wait3A_61] : memref<2x32x80x128xi32, #tpu.memory_space<hbm>> -> memref<1x1x40x128xi32, #tpu.memory_space<hbm>>
      %dma_wait3A_63 = tpu.memref_squeeze %dma_wait3A_62 : memref<1x1x40x128xi32, #tpu.memory_space<hbm>> -> memref<40x128xi32, #tpu.memory_space<hbm>>
      %dma_wait3A_64 = arith.constant 0 : i32
      %dma_wait3A_65 = arith.constant 0 : i32
      %dma_wait3A_66 = tpu.memref_slice %arg3[%run_scoped3A, %add3A, %dma_wait3A_64, %dma_wait3A_65] : memref<2x32x80x128xi32, #tpu.memory_space<hbm>> -> memref<1x1x40x128xi32, #tpu.memory_space<hbm>>
      %dma_wait3A_67 = tpu.memref_squeeze %dma_wait3A_66 : memref<1x1x40x128xi32, #tpu.memory_space<hbm>> -> memref<40x128xi32, #tpu.memory_space<hbm>>
      tpu.wait_dma2 semaphore(%run_scoped3A_52 : memref<!tpu.dma_semaphore, #tpu.memory_space<semaphore_mem>>) src(%dma_wait3A_67 : memref<40x128xi32, #tpu.memory_space<hbm>>) dst(%arg8 : memref<40x128xi32, #tpu.memory_space<vmem>>)
      tpu.yield
    }) : () -> ()
    %run_scoped3A_3 = arith.constant 1 : i32
    "tpu.region"() ({
      %run_scoped3A_52 = tpu.sem_alloc : memref<!tpu.dma_semaphore, #tpu.memory_space<semaphore_mem>>
      %dma_start3A_53 = arith.constant 0 : i32
      %dma_start3A_54 = arith.constant 0 : i32
      %dma_start3A_55 = tpu.memref_slice %arg3[%run_scoped3A_3, %add3A, %dma_start3A_53, %dma_start3A_54] : memref<2x32x80x128xi32, #tpu.memory_space<hbm>> -> memref<1x1x40x128xi32, #tpu.memory_space<hbm>>
      %dma_start3A_56 = tpu.memref_squeeze %dma_start3A_55 : memref<1x1x40x128xi32, #tpu.memory_space<hbm>> -> memref<40x128xi32, #tpu.memory_space<hbm>>
      %dma_start3A_57 = arith.constant 0 : i32
      %dma_start3A_58 = arith.constant 0 : i32
      %dma_start3A_59 = tpu.memref_slice %arg3[%run_scoped3A_3, %add3A, %dma_start3A_57, %dma_start3A_58] : memref<2x32x80x128xi32, #tpu.memory_space<hbm>> -> memref<1x1x40x128xi32, #tpu.memory_space<hbm>>
      %dma_start3A_60 = tpu.memref_squeeze %dma_start3A_59 : memref<1x1x40x128xi32, #tpu.memory_space<hbm>> -> memref<40x128xi32, #tpu.memory_space<hbm>>
      tpu.enqueue_dma source(%dma_start3A_60 : memref<40x128xi32, #tpu.memory_space<hbm>>) target(%arg9 : memref<40x128xi32, #tpu.memory_space<vmem>>) target_semaphore(%run_scoped3A_52 : memref<!tpu.dma_semaphore, #tpu.memory_space<semaphore_mem>>)
      %dma_wait3A = arith.constant 0 : i32
      %dma_wait3A_61 = arith.constant 0 : i32
      %dma_wait3A_62 = tpu.memref_slice %arg3[%run_scoped3A_3, %add3A, %dma_wait3A, %dma_wait3A_61] : memref<2x32x80x128xi32, #tpu.memory_space<hbm>> -> memref<1x1x40x128xi32, #tpu.memory_space<hbm>>
      %dma_wait3A_63 = tpu.memref_squeeze %dma_wait3A_62 : memref<1x1x40x128xi32, #tpu.memory_space<hbm>> -> memref<40x128xi32, #tpu.memory_space<hbm>>
      %dma_wait3A_64 = arith.constant 0 : i32
      %dma_wait3A_65 = arith.constant 0 : i32
      %dma_wait3A_66 = tpu.memref_slice %arg3[%run_scoped3A_3, %add3A, %dma_wait3A_64, %dma_wait3A_65] : memref<2x32x80x128xi32, #tpu.memory_space<hbm>> -> memref<1x1x40x128xi32, #tpu.memory_space<hbm>>
      %dma_wait3A_67 = tpu.memref_squeeze %dma_wait3A_66 : memref<1x1x40x128xi32, #tpu.memory_space<hbm>> -> memref<40x128xi32, #tpu.memory_space<hbm>>
      tpu.wait_dma2 semaphore(%run_scoped3A_52 : memref<!tpu.dma_semaphore, #tpu.memory_space<semaphore_mem>>) src(%dma_wait3A_67 : memref<40x128xi32, #tpu.memory_space<hbm>>) dst(%arg9 : memref<40x128xi32, #tpu.memory_space<vmem>>)
      tpu.yield
    }) : () -> ()
    %dma_start3A = arith.constant 0 : i32
    %dma_start3A_4 = arith.constant 0 : i32
    %dma_start3A_5 = tpu.memref_slice %arg8[%dma_start3A, %dma_start3A_4] : memref<40x128xi32, #tpu.memory_space<vmem>> -> memref<1x128xi32, #tpu.memory_space<vmem>>
    %dma_start3A_6 = tpu.memref_squeeze %dma_start3A_5 : memref<1x128xi32, #tpu.memory_space<vmem>> -> memref<128xi32, #tpu.memory_space<vmem>>
    %dma_start3A_7 = arith.constant 0 : i32
    %dma_start3A_8 = arith.constant 0 : i32
    %dma_start3A_9 = tpu.memref_slice %arg2[%dma_start3A_7, %dma_start3A_8] : memref<10000x128xf32, #tpu.memory_space<hbm>> -> memref<10000x128xf32, #tpu.memory_space<hbm>>
    tpu.enqueue_indirect_dma source(%dma_start3A_9 : memref<10000x128xf32, #tpu.memory_space<hbm>>) target(%arg10 : memref<128x128xf32, #tpu.memory_space<vmem>>) offsets(%dma_start3A_6 : memref<128xi32, #tpu.memory_space<vmem>>) semaphore(%arg12 : memref<!tpu.dma_semaphore, #tpu.memory_space<semaphore_mem>>)
    %dma_start3A_10 = arith.constant 1 : i32
    %dma_start3A_11 = arith.constant 0 : i32
    %dma_start3A_12 = tpu.memref_slice %arg8[%dma_start3A_10, %dma_start3A_11] : memref<40x128xi32, #tpu.memory_space<vmem>> -> memref<1x128xi32, #tpu.memory_space<vmem>>
    %dma_start3A_13 = tpu.memref_squeeze %dma_start3A_12 : memref<1x128xi32, #tpu.memory_space<vmem>> -> memref<128xi32, #tpu.memory_space<vmem>>
    %dma_start3A_14 = arith.constant 0 : i32
    %dma_start3A_15 = arith.constant 0 : i32
    %dma_start3A_16 = tpu.memref_slice %arg2[%dma_start3A_14, %dma_start3A_15] : memref<10000x128xf32, #tpu.memory_space<hbm>> -> memref<10000x128xf32, #tpu.memory_space<hbm>>
    tpu.enqueue_indirect_dma source(%dma_start3A_16 : memref<10000x128xf32, #tpu.memory_space<hbm>>) target(%arg11 : memref<128x128xf32, #tpu.memory_space<vmem>>) offsets(%dma_start3A_13 : memref<128xi32, #tpu.memory_space<vmem>>) semaphore(%arg13 : memref<!tpu.dma_semaphore, #tpu.memory_space<semaphore_mem>>)
    %scan3A = arith.constant 0 : i32
    %scan3A_17 = arith.constant 0 : i32
    %scan3A_18 = arith.constant 20 : i32
    %scan3A_19 = arith.addi %scan3A_17, %scan3A_18 : i32
    %scan3A_20 = arith.constant 1 : i32
    scf.for %scan3A_52 = %scan3A_17 to %scan3A_19 step %scan3A_20  : i32 {
      %mul3A_53 = arith.constant 2 : i32
      %mul3A_54 = arith.muli %mul3A_53, %scan3A_52 : i32
      %dma_wait3A = arith.constant 0 : i32
      %dma_wait3A_55 = tpu.memref_slice %arg8[%mul3A_54, %dma_wait3A] : memref<40x128xi32, #tpu.memory_space<vmem>> -> memref<1x128xi32, #tpu.memory_space<vmem>>
      %dma_wait3A_56 = tpu.memref_squeeze %dma_wait3A_55 : memref<1x128xi32, #tpu.memory_space<vmem>> -> memref<128xi32, #tpu.memory_space<vmem>>
      %dma_wait3A_57 = arith.constant 0 : i32
      %dma_wait3A_58 = arith.constant 0 : i32
      %dma_wait3A_59 = tpu.memref_slice %arg2[%dma_wait3A_57, %dma_wait3A_58] : memref<10000x128xf32, #tpu.memory_space<hbm>> -> memref<10000x128xf32, #tpu.memory_space<hbm>>
      tpu.wait_indirect_dma semaphore(%arg12 : memref<!tpu.dma_semaphore, #tpu.memory_space<semaphore_mem>>) src(%dma_wait3A_59 : memref<10000x128xf32, #tpu.memory_space<hbm>>) dst(%arg10 : memref<128x128xf32, #tpu.memory_space<vmem>>)
      "tpu.region"() ({
        %run_scoped3A_81 = tpu.sem_alloc : memref<!tpu.dma_semaphore, #tpu.memory_space<semaphore_mem>>
        %dma_start3A_82 = arith.constant 0 : i32
        %dma_start3A_83 = tpu.memref_slice %arg9[%mul3A_54, %dma_start3A_82] : memref<40x128xi32, #tpu.memory_space<vmem>> -> memref<1x128xi32, #tpu.memory_space<vmem>>
        %dma_start3A_84 = tpu.memref_squeeze %dma_start3A_83 : memref<1x128xi32, #tpu.memory_space<vmem>> -> memref<128xi32, #tpu.memory_space<vmem>>
        %dma_start3A_85 = arith.constant 0 : i32
        %dma_start3A_86 = arith.constant 0 : i32
        %dma_start3A_87 = tpu.memref_slice %arg7[%dma_start3A_85, %dma_start3A_86] : memref<10240x128xf32, #tpu.memory_space<vmem_shared>> -> memref<10240x128xf32, #tpu.memory_space<vmem_shared>>
        tpu.enqueue_indirect_dma source(%arg10 : memref<128x128xf32, #tpu.memory_space<vmem>>) target(%dma_start3A_87 : memref<10240x128xf32, #tpu.memory_space<vmem_shared>>) offsets(%dma_start3A_84 : memref<128xi32, #tpu.memory_space<vmem>>) semaphore(%run_scoped3A_81 : memref<!tpu.dma_semaphore, #tpu.memory_space<semaphore_mem>>) {add = true}
        %dma_wait3A_88 = arith.constant 0 : i32
        %dma_wait3A_89 = tpu.memref_slice %arg9[%mul3A_54, %dma_wait3A_88] : memref<40x128xi32, #tpu.memory_space<vmem>> -> memref<1x128xi32, #tpu.memory_space<vmem>>
        %dma_wait3A_90 = tpu.memref_squeeze %dma_wait3A_89 : memref<1x128xi32, #tpu.memory_space<vmem>> -> memref<128xi32, #tpu.memory_space<vmem>>
        %dma_wait3A_91 = arith.constant 0 : i32
        %dma_wait3A_92 = arith.constant 0 : i32
        %dma_wait3A_93 = tpu.memref_slice %arg7[%dma_wait3A_91, %dma_wait3A_92] : memref<10240x128xf32, #tpu.memory_space<vmem_shared>> -> memref<10240x128xf32, #tpu.memory_space<vmem_shared>>
        tpu.wait_indirect_dma semaphore(%run_scoped3A_81 : memref<!tpu.dma_semaphore, #tpu.memory_space<semaphore_mem>>) src(%arg10 : memref<128x128xf32, #tpu.memory_space<vmem>>) dst(%dma_wait3A_93 : memref<10240x128xf32, #tpu.memory_space<vmem_shared>>)
        tpu.yield
      }) : () -> ()
      %add3A_60 = arith.constant 2 : i32
      %add3A_61 = arith.addi %mul3A_54, %add3A_60 : i32
      %lt3A = arith.constant 40 : i32
      %lt3A_62 = arith.cmpi slt, %add3A_61, %lt3A : i32
      %convert_element_type3A_63 = arith.extui %lt3A_62 : i1 to i32
      %cond3A_64 = arith.constant 0 : i32
      %cond3A_65 = arith.cmpi ne, %convert_element_type3A_63, %cond3A_64 : i32
      scf.if %cond3A_65 {
        %add3A_81 = arith.constant 2 : i32
        %add3A_82 = arith.addi %mul3A_54, %add3A_81 : i32
        %dma_start3A_83 = arith.constant 0 : i32
        %dma_start3A_84 = tpu.memref_slice %arg8[%add3A_82, %dma_start3A_83] : memref<40x128xi32, #tpu.memory_space<vmem>> -> memref<1x128xi32, #tpu.memory_space<vmem>>
        %dma_start3A_85 = tpu.memref_squeeze %dma_start3A_84 : memref<1x128xi32, #tpu.memory_space<vmem>> -> memref<128xi32, #tpu.memory_space<vmem>>
        %dma_start3A_86 = arith.constant 0 : i32
        %dma_start3A_87 = arith.constant 0 : i32
        %dma_start3A_88 = tpu.memref_slice %arg2[%dma_start3A_86, %dma_start3A_87] : memref<10000x128xf32, #tpu.memory_space<hbm>> -> memref<10000x128xf32, #tpu.memory_space<hbm>>
        tpu.enqueue_indirect_dma source(%dma_start3A_88 : memref<10000x128xf32, #tpu.memory_space<hbm>>) target(%arg10 : memref<128x128xf32, #tpu.memory_space<vmem>>) offsets(%dma_start3A_85 : memref<128xi32, #tpu.memory_space<vmem>>) semaphore(%arg12 : memref<!tpu.dma_semaphore, #tpu.memory_space<semaphore_mem>>)
      } else {
      }
      %add3A_66 = arith.constant 1 : i32
      %add3A_67 = arith.addi %mul3A_54, %add3A_66 : i32
      %dma_wait3A_68 = arith.constant 0 : i32
      %dma_wait3A_69 = tpu.memref_slice %arg8[%add3A_67, %dma_wait3A_68] : memref<40x128xi32, #tpu.memory_space<vmem>> -> memref<1x128xi32, #tpu.memory_space<vmem>>
      %dma_wait3A_70 = tpu.memref_squeeze %dma_wait3A_69 : memref<1x128xi32, #tpu.memory_space<vmem>> -> memref<128xi32, #tpu.memory_space<vmem>>
      %dma_wait3A_71 = arith.constant 0 : i32
      %dma_wait3A_72 = arith.constant 0 : i32
      %dma_wait3A_73 = tpu.memref_slice %arg2[%dma_wait3A_71, %dma_wait3A_72] : memref<10000x128xf32, #tpu.memory_space<hbm>> -> memref<10000x128xf32, #tpu.memory_space<hbm>>
      tpu.wait_indirect_dma semaphore(%arg13 : memref<!tpu.dma_semaphore, #tpu.memory_space<semaphore_mem>>) src(%dma_wait3A_73 : memref<10000x128xf32, #tpu.memory_space<hbm>>) dst(%arg11 : memref<128x128xf32, #tpu.memory_space<vmem>>)
      "tpu.region"() ({
        %run_scoped3A_81 = tpu.sem_alloc : memref<!tpu.dma_semaphore, #tpu.memory_space<semaphore_mem>>
        %dma_start3A_82 = arith.constant 0 : i32
        %dma_start3A_83 = tpu.memref_slice %arg9[%add3A_67, %dma_start3A_82] : memref<40x128xi32, #tpu.memory_space<vmem>> -> memref<1x128xi32, #tpu.memory_space<vmem>>
        %dma_start3A_84 = tpu.memref_squeeze %dma_start3A_83 : memref<1x128xi32, #tpu.memory_space<vmem>> -> memref<128xi32, #tpu.memory_space<vmem>>
        %dma_start3A_85 = arith.constant 0 : i32
        %dma_start3A_86 = arith.constant 0 : i32
        %dma_start3A_87 = tpu.memref_slice %arg7[%dma_start3A_85, %dma_start3A_86] : memref<10240x128xf32, #tpu.memory_space<vmem_shared>> -> memref<10240x128xf32, #tpu.memory_space<vmem_shared>>
        tpu.enqueue_indirect_dma source(%arg11 : memref<128x128xf32, #tpu.memory_space<vmem>>) target(%dma_start3A_87 : memref<10240x128xf32, #tpu.memory_space<vmem_shared>>) offsets(%dma_start3A_84 : memref<128xi32, #tpu.memory_space<vmem>>) semaphore(%run_scoped3A_81 : memref<!tpu.dma_semaphore, #tpu.memory_space<semaphore_mem>>) {add = true}
        %dma_wait3A_88 = arith.constant 0 : i32
        %dma_wait3A_89 = tpu.memref_slice %arg9[%add3A_67, %dma_wait3A_88] : memref<40x128xi32, #tpu.memory_space<vmem>> -> memref<1x128xi32, #tpu.memory_space<vmem>>
        %dma_wait3A_90 = tpu.memref_squeeze %dma_wait3A_89 : memref<1x128xi32, #tpu.memory_space<vmem>> -> memref<128xi32, #tpu.memory_space<vmem>>
        %dma_wait3A_91 = arith.constant 0 : i32
        %dma_wait3A_92 = arith.constant 0 : i32
        %dma_wait3A_93 = tpu.memref_slice %arg7[%dma_wait3A_91, %dma_wait3A_92] : memref<10240x128xf32, #tpu.memory_space<vmem_shared>> -> memref<10240x128xf32, #tpu.memory_space<vmem_shared>>
        tpu.wait_indirect_dma semaphore(%run_scoped3A_81 : memref<!tpu.dma_semaphore, #tpu.memory_space<semaphore_mem>>) src(%arg11 : memref<128x128xf32, #tpu.memory_space<vmem>>) dst(%dma_wait3A_93 : memref<10240x128xf32, #tpu.memory_space<vmem_shared>>)
        tpu.yield
      }) : () -> ()
      %add3A_74 = arith.constant 2 : i32
      %add3A_75 = arith.addi %add3A_67, %add3A_74 : i32
      %lt3A_76 = arith.constant 40 : i32
      %lt3A_77 = arith.cmpi slt, %add3A_75, %lt3A_76 : i32
      %convert_element_type3A_78 = arith.extui %lt3A_77 : i1 to i32
      %cond3A_79 = arith.constant 0 : i32
      %cond3A_80 = arith.cmpi ne, %convert_element_type3A_78, %cond3A_79 : i32
      scf.if %cond3A_80 {
        %add3A_81 = arith.constant 2 : i32
        %add3A_82 = arith.addi %add3A_67, %add3A_81 : i32
        %dma_start3A_83 = arith.constant 0 : i32
        %dma_start3A_84 = tpu.memref_slice %arg8[%add3A_82, %dma_start3A_83] : memref<40x128xi32, #tpu.memory_space<vmem>> -> memref<1x128xi32, #tpu.memory_space<vmem>>
        %dma_start3A_85 = tpu.memref_squeeze %dma_start3A_84 : memref<1x128xi32, #tpu.memory_space<vmem>> -> memref<128xi32, #tpu.memory_space<vmem>>
        %dma_start3A_86 = arith.constant 0 : i32
        %dma_start3A_87 = arith.constant 0 : i32
        %dma_start3A_88 = tpu.memref_slice %arg2[%dma_start3A_86, %dma_start3A_87] : memref<10000x128xf32, #tpu.memory_space<hbm>> -> memref<10000x128xf32, #tpu.memory_space<hbm>>
        tpu.enqueue_indirect_dma source(%dma_start3A_88 : memref<10000x128xf32, #tpu.memory_space<hbm>>) target(%arg11 : memref<128x128xf32, #tpu.memory_space<vmem>>) offsets(%dma_start3A_85 : memref<128xi32, #tpu.memory_space<vmem>>) semaphore(%arg13 : memref<!tpu.dma_semaphore, #tpu.memory_space<semaphore_mem>>)
      } else {
      }
    }
    %scan3A_21 = arith.constant 20 : i32
    %run_scoped3A_22 = arith.constant 0 : i32
    "tpu.region"() ({
      %run_scoped3A_52 = tpu.sem_alloc : memref<!tpu.dma_semaphore, #tpu.memory_space<semaphore_mem>>
      %dma_start3A_53 = arith.constant 40 : i32
      %dma_start3A_54 = arith.constant 0 : i32
      %dma_start3A_55 = tpu.memref_slice %arg3[%run_scoped3A_22, %add3A, %dma_start3A_53, %dma_start3A_54] : memref<2x32x80x128xi32, #tpu.memory_space<hbm>> -> memref<1x1x40x128xi32, #tpu.memory_space<hbm>>
      %dma_start3A_56 = tpu.memref_squeeze %dma_start3A_55 : memref<1x1x40x128xi32, #tpu.memory_space<hbm>> -> memref<40x128xi32, #tpu.memory_space<hbm>>
      %dma_start3A_57 = arith.constant 40 : i32
      %dma_start3A_58 = arith.constant 0 : i32
      %dma_start3A_59 = tpu.memref_slice %arg3[%run_scoped3A_22, %add3A, %dma_start3A_57, %dma_start3A_58] : memref<2x32x80x128xi32, #tpu.memory_space<hbm>> -> memref<1x1x40x128xi32, #tpu.memory_space<hbm>>
      %dma_start3A_60 = tpu.memref_squeeze %dma_start3A_59 : memref<1x1x40x128xi32, #tpu.memory_space<hbm>> -> memref<40x128xi32, #tpu.memory_space<hbm>>
      tpu.enqueue_dma source(%dma_start3A_60 : memref<40x128xi32, #tpu.memory_space<hbm>>) target(%arg8 : memref<40x128xi32, #tpu.memory_space<vmem>>) target_semaphore(%run_scoped3A_52 : memref<!tpu.dma_semaphore, #tpu.memory_space<semaphore_mem>>)
      %dma_wait3A = arith.constant 40 : i32
      %dma_wait3A_61 = arith.constant 0 : i32
      %dma_wait3A_62 = tpu.memref_slice %arg3[%run_scoped3A_22, %add3A, %dma_wait3A, %dma_wait3A_61] : memref<2x32x80x128xi32, #tpu.memory_space<hbm>> -> memref<1x1x40x128xi32, #tpu.memory_space<hbm>>
      %dma_wait3A_63 = tpu.memref_squeeze %dma_wait3A_62 : memref<1x1x40x128xi32, #tpu.memory_space<hbm>> -> memref<40x128xi32, #tpu.memory_space<hbm>>
      %dma_wait3A_64 = arith.constant 40 : i32
      %dma_wait3A_65 = arith.constant 0 : i32
      %dma_wait3A_66 = tpu.memref_slice %arg3[%run_scoped3A_22, %add3A, %dma_wait3A_64, %dma_wait3A_65] : memref<2x32x80x128xi32, #tpu.memory_space<hbm>> -> memref<1x1x40x128xi32, #tpu.memory_space<hbm>>
      %dma_wait3A_67 = tpu.memref_squeeze %dma_wait3A_66 : memref<1x1x40x128xi32, #tpu.memory_space<hbm>> -> memref<40x128xi32, #tpu.memory_space<hbm>>
      tpu.wait_dma2 semaphore(%run_scoped3A_52 : memref<!tpu.dma_semaphore, #tpu.memory_space<semaphore_mem>>) src(%dma_wait3A_67 : memref<40x128xi32, #tpu.memory_space<hbm>>) dst(%arg8 : memref<40x128xi32, #tpu.memory_space<vmem>>)
      tpu.yield
    }) : () -> ()
    %run_scoped3A_23 = arith.constant 1 : i32
    "tpu.region"() ({
      %run_scoped3A_52 = tpu.sem_alloc : memref<!tpu.dma_semaphore, #tpu.memory_space<semaphore_mem>>
      %dma_start3A_53 = arith.constant 40 : i32
      %dma_start3A_54 = arith.constant 0 : i32
      %dma_start3A_55 = tpu.memref_slice %arg3[%run_scoped3A_23, %add3A, %dma_start3A_53, %dma_start3A_54] : memref<2x32x80x128xi32, #tpu.memory_space<hbm>> -> memref<1x1x40x128xi32, #tpu.memory_space<hbm>>
      %dma_start3A_56 = tpu.memref_squeeze %dma_start3A_55 : memref<1x1x40x128xi32, #tpu.memory_space<hbm>> -> memref<40x128xi32, #tpu.memory_space<hbm>>
      %dma_start3A_57 = arith.constant 40 : i32
      %dma_start3A_58 = arith.constant 0 : i32
      %dma_start3A_59 = tpu.memref_slice %arg3[%run_scoped3A_23, %add3A, %dma_start3A_57, %dma_start3A_58] : memref<2x32x80x128xi32, #tpu.memory_space<hbm>> -> memref<1x1x40x128xi32, #tpu.memory_space<hbm>>
      %dma_start3A_60 = tpu.memref_squeeze %dma_start3A_59 : memref<1x1x40x128xi32, #tpu.memory_space<hbm>> -> memref<40x128xi32, #tpu.memory_space<hbm>>
      tpu.enqueue_dma source(%dma_start3A_60 : memref<40x128xi32, #tpu.memory_space<hbm>>) target(%arg9 : memref<40x128xi32, #tpu.memory_space<vmem>>) target_semaphore(%run_scoped3A_52 : memref<!tpu.dma_semaphore, #tpu.memory_space<semaphore_mem>>)
      %dma_wait3A = arith.constant 40 : i32
      %dma_wait3A_61 = arith.constant 0 : i32
      %dma_wait3A_62 = tpu.memref_slice %arg3[%run_scoped3A_23, %add3A, %dma_wait3A, %dma_wait3A_61] : memref<2x32x80x128xi32, #tpu.memory_space<hbm>> -> memref<1x1x40x128xi32, #tpu.memory_space<hbm>>
      %dma_wait3A_63 = tpu.memref_squeeze %dma_wait3A_62 : memref<1x1x40x128xi32, #tpu.memory_space<hbm>> -> memref<40x128xi32, #tpu.memory_space<hbm>>
      %dma_wait3A_64 = arith.constant 40 : i32
      %dma_wait3A_65 = arith.constant 0 : i32
      %dma_wait3A_66 = tpu.memref_slice %arg3[%run_scoped3A_23, %add3A, %dma_wait3A_64, %dma_wait3A_65] : memref<2x32x80x128xi32, #tpu.memory_space<hbm>> -> memref<1x1x40x128xi32, #tpu.memory_space<hbm>>
      %dma_wait3A_67 = tpu.memref_squeeze %dma_wait3A_66 : memref<1x1x40x128xi32, #tpu.memory_space<hbm>> -> memref<40x128xi32, #tpu.memory_space<hbm>>
      tpu.wait_dma2 semaphore(%run_scoped3A_52 : memref<!tpu.dma_semaphore, #tpu.memory_space<semaphore_mem>>) src(%dma_wait3A_67 : memref<40x128xi32, #tpu.memory_space<hbm>>) dst(%arg9 : memref<40x128xi32, #tpu.memory_space<vmem>>)
      tpu.yield
    }) : () -> ()
    %dma_start3A_24 = arith.constant 0 : i32
    %dma_start3A_25 = arith.constant 0 : i32
    %dma_start3A_26 = tpu.memref_slice %arg8[%dma_start3A_24, %dma_start3A_25] : memref<40x128xi32, #tpu.memory_space<vmem>> -> memref<1x128xi32, #tpu.memory_space<vmem>>
    %dma_start3A_27 = tpu.memref_squeeze %dma_start3A_26 : memref<1x128xi32, #tpu.memory_space<vmem>> -> memref<128xi32, #tpu.memory_space<vmem>>
    %dma_start3A_28 = arith.constant 0 : i32
    %dma_start3A_29 = arith.constant 0 : i32
    %dma_start3A_30 = tpu.memref_slice %arg2[%dma_start3A_28, %dma_start3A_29] : memref<10000x128xf32, #tpu.memory_space<hbm>> -> memref<10000x128xf32, #tpu.memory_space<hbm>>
    tpu.enqueue_indirect_dma source(%dma_start3A_30 : memref<10000x128xf32, #tpu.memory_space<hbm>>) target(%arg10 : memref<128x128xf32, #tpu.memory_space<vmem>>) offsets(%dma_start3A_27 : memref<128xi32, #tpu.memory_space<vmem>>) semaphore(%arg12 : memref<!tpu.dma_semaphore, #tpu.memory_space<semaphore_mem>>)
    %dma_start3A_31 = arith.constant 1 : i32
    %dma_start3A_32 = arith.constant 0 : i32
    %dma_start3A_33 = tpu.memref_slice %arg8[%dma_start3A_31, %dma_start3A_32] : memref<40x128xi32, #tpu.memory_space<vmem>> -> memref<1x128xi32, #tpu.memory_space<vmem>>
    %dma_start3A_34 = tpu.memref_squeeze %dma_start3A_33 : memref<1x128xi32, #tpu.memory_space<vmem>> -> memref<128xi32, #tpu.memory_space<vmem>>
    %dma_start3A_35 = arith.constant 0 : i32
    %dma_start3A_36 = arith.constant 0 : i32
    %dma_start3A_37 = tpu.memref_slice %arg2[%dma_start3A_35, %dma_start3A_36] : memref<10000x128xf32, #tpu.memory_space<hbm>> -> memref<10000x128xf32, #tpu.memory_space<hbm>>
    tpu.enqueue_indirect_dma source(%dma_start3A_37 : memref<10000x128xf32, #tpu.memory_space<hbm>>) target(%arg11 : memref<128x128xf32, #tpu.memory_space<vmem>>) offsets(%dma_start3A_34 : memref<128xi32, #tpu.memory_space<vmem>>) semaphore(%arg13 : memref<!tpu.dma_semaphore, #tpu.memory_space<semaphore_mem>>)
    %scan3A_38 = arith.constant 0 : i32
    %scan3A_39 = arith.constant 0 : i32
    %scan3A_40 = arith.constant 20 : i32
    %scan3A_41 = arith.addi %scan3A_39, %scan3A_40 : i32
    %scan3A_42 = arith.constant 1 : i32
    scf.for %scan3A_52 = %scan3A_39 to %scan3A_41 step %scan3A_42  : i32 {
      %mul3A_53 = arith.constant 2 : i32
      %mul3A_54 = arith.muli %mul3A_53, %scan3A_52 : i32
      %dma_wait3A = arith.constant 0 : i32
      %dma_wait3A_55 = tpu.memref_slice %arg8[%mul3A_54, %dma_wait3A] : memref<40x128xi32, #tpu.memory_space<vmem>> -> memref<1x128xi32, #tpu.memory_space<vmem>>
      %dma_wait3A_56 = tpu.memref_squeeze %dma_wait3A_55 : memref<1x128xi32, #tpu.memory_space<vmem>> -> memref<128xi32, #tpu.memory_space<vmem>>
      %dma_wait3A_57 = arith.constant 0 : i32
      %dma_wait3A_58 = arith.constant 0 : i32
      %dma_wait3A_59 = tpu.memref_slice %arg2[%dma_wait3A_57, %dma_wait3A_58] : memref<10000x128xf32, #tpu.memory_space<hbm>> -> memref<10000x128xf32, #tpu.memory_space<hbm>>
      tpu.wait_indirect_dma semaphore(%arg12 : memref<!tpu.dma_semaphore, #tpu.memory_space<semaphore_mem>>) src(%dma_wait3A_59 : memref<10000x128xf32, #tpu.memory_space<hbm>>) dst(%arg10 : memref<128x128xf32, #tpu.memory_space<vmem>>)
      "tpu.region"() ({
        %run_scoped3A_81 = tpu.sem_alloc : memref<!tpu.dma_semaphore, #tpu.memory_space<semaphore_mem>>
        %dma_start3A_82 = arith.constant 0 : i32
        %dma_start3A_83 = tpu.memref_slice %arg9[%mul3A_54, %dma_start3A_82] : memref<40x128xi32, #tpu.memory_space<vmem>> -> memref<1x128xi32, #tpu.memory_space<vmem>>
        %dma_start3A_84 = tpu.memref_squeeze %dma_start3A_83 : memref<1x128xi32, #tpu.memory_space<vmem>> -> memref<128xi32, #tpu.memory_space<vmem>>
        %dma_start3A_85 = arith.constant 0 : i32
        %dma_start3A_86 = arith.constant 0 : i32
        %dma_start3A_87 = tpu.memref_slice %arg7[%dma_start3A_85, %dma_start3A_86] : memref<10240x128xf32, #tpu.memory_space<vmem_shared>> -> memref<10240x128xf32, #tpu.memory_space<vmem_shared>>
        tpu.enqueue_indirect_dma source(%arg10 : memref<128x128xf32, #tpu.memory_space<vmem>>) target(%dma_start3A_87 : memref<10240x128xf32, #tpu.memory_space<vmem_shared>>) offsets(%dma_start3A_84 : memref<128xi32, #tpu.memory_space<vmem>>) semaphore(%run_scoped3A_81 : memref<!tpu.dma_semaphore, #tpu.memory_space<semaphore_mem>>) {add = true}
        %dma_wait3A_88 = arith.constant 0 : i32
        %dma_wait3A_89 = tpu.memref_slice %arg9[%mul3A_54, %dma_wait3A_88] : memref<40x128xi32, #tpu.memory_space<vmem>> -> memref<1x128xi32, #tpu.memory_space<vmem>>
        %dma_wait3A_90 = tpu.memref_squeeze %dma_wait3A_89 : memref<1x128xi32, #tpu.memory_space<vmem>> -> memref<128xi32, #tpu.memory_space<vmem>>
        %dma_wait3A_91 = arith.constant 0 : i32
        %dma_wait3A_92 = arith.constant 0 : i32
        %dma_wait3A_93 = tpu.memref_slice %arg7[%dma_wait3A_91, %dma_wait3A_92] : memref<10240x128xf32, #tpu.memory_space<vmem_shared>> -> memref<10240x128xf32, #tpu.memory_space<vmem_shared>>
        tpu.wait_indirect_dma semaphore(%run_scoped3A_81 : memref<!tpu.dma_semaphore, #tpu.memory_space<semaphore_mem>>) src(%arg10 : memref<128x128xf32, #tpu.memory_space<vmem>>) dst(%dma_wait3A_93 : memref<10240x128xf32, #tpu.memory_space<vmem_shared>>)
        tpu.yield
      }) : () -> ()
      %add3A_60 = arith.constant 2 : i32
      %add3A_61 = arith.addi %mul3A_54, %add3A_60 : i32
      %lt3A = arith.constant 40 : i32
      %lt3A_62 = arith.cmpi slt, %add3A_61, %lt3A : i32
      %convert_element_type3A_63 = arith.extui %lt3A_62 : i1 to i32
      %cond3A_64 = arith.constant 0 : i32
      %cond3A_65 = arith.cmpi ne, %convert_element_type3A_63, %cond3A_64 : i32
      scf.if %cond3A_65 {
        %add3A_81 = arith.constant 2 : i32
        %add3A_82 = arith.addi %mul3A_54, %add3A_81 : i32
        %dma_start3A_83 = arith.constant 0 : i32
        %dma_start3A_84 = tpu.memref_slice %arg8[%add3A_82, %dma_start3A_83] : memref<40x128xi32, #tpu.memory_space<vmem>> -> memref<1x128xi32, #tpu.memory_space<vmem>>
        %dma_start3A_85 = tpu.memref_squeeze %dma_start3A_84 : memref<1x128xi32, #tpu.memory_space<vmem>> -> memref<128xi32, #tpu.memory_space<vmem>>
        %dma_start3A_86 = arith.constant 0 : i32
        %dma_start3A_87 = arith.constant 0 : i32
        %dma_start3A_88 = tpu.memref_slice %arg2[%dma_start3A_86, %dma_start3A_87] : memref<10000x128xf32, #tpu.memory_space<hbm>> -> memref<10000x128xf32, #tpu.memory_space<hbm>>
        tpu.enqueue_indirect_dma source(%dma_start3A_88 : memref<10000x128xf32, #tpu.memory_space<hbm>>) target(%arg10 : memref<128x128xf32, #tpu.memory_space<vmem>>) offsets(%dma_start3A_85 : memref<128xi32, #tpu.memory_space<vmem>>) semaphore(%arg12 : memref<!tpu.dma_semaphore, #tpu.memory_space<semaphore_mem>>)
      } else {
      }
      %add3A_66 = arith.constant 1 : i32
      %add3A_67 = arith.addi %mul3A_54, %add3A_66 : i32
      %dma_wait3A_68 = arith.constant 0 : i32
      %dma_wait3A_69 = tpu.memref_slice %arg8[%add3A_67, %dma_wait3A_68] : memref<40x128xi32, #tpu.memory_space<vmem>> -> memref<1x128xi32, #tpu.memory_space<vmem>>
      %dma_wait3A_70 = tpu.memref_squeeze %dma_wait3A_69 : memref<1x128xi32, #tpu.memory_space<vmem>> -> memref<128xi32, #tpu.memory_space<vmem>>
      %dma_wait3A_71 = arith.constant 0 : i32
      %dma_wait3A_72 = arith.constant 0 : i32
      %dma_wait3A_73 = tpu.memref_slice %arg2[%dma_wait3A_71, %dma_wait3A_72] : memref<10000x128xf32, #tpu.memory_space<hbm>> -> memref<10000x128xf32, #tpu.memory_space<hbm>>
      tpu.wait_indirect_dma semaphore(%arg13 : memref<!tpu.dma_semaphore, #tpu.memory_space<semaphore_mem>>) src(%dma_wait3A_73 : memref<10000x128xf32, #tpu.memory_space<hbm>>) dst(%arg11 : memref<128x128xf32, #tpu.memory_space<vmem>>)
      "tpu.region"() ({
        %run_scoped3A_81 = tpu.sem_alloc : memref<!tpu.dma_semaphore, #tpu.memory_space<semaphore_mem>>
        %dma_start3A_82 = arith.constant 0 : i32
        %dma_start3A_83 = tpu.memref_slice %arg9[%add3A_67, %dma_start3A_82] : memref<40x128xi32, #tpu.memory_space<vmem>> -> memref<1x128xi32, #tpu.memory_space<vmem>>
        %dma_start3A_84 = tpu.memref_squeeze %dma_start3A_83 : memref<1x128xi32, #tpu.memory_space<vmem>> -> memref<128xi32, #tpu.memory_space<vmem>>
        %dma_start3A_85 = arith.constant 0 : i32
        %dma_start3A_86 = arith.constant 0 : i32
        %dma_start3A_87 = tpu.memref_slice %arg7[%dma_start3A_85, %dma_start3A_86] : memref<10240x128xf32, #tpu.memory_space<vmem_shared>> -> memref<10240x128xf32, #tpu.memory_space<vmem_shared>>
        tpu.enqueue_indirect_dma source(%arg11 : memref<128x128xf32, #tpu.memory_space<vmem>>) target(%dma_start3A_87 : memref<10240x128xf32, #tpu.memory_space<vmem_shared>>) offsets(%dma_start3A_84 : memref<128xi32, #tpu.memory_space<vmem>>) semaphore(%run_scoped3A_81 : memref<!tpu.dma_semaphore, #tpu.memory_space<semaphore_mem>>) {add = true}
        %dma_wait3A_88 = arith.constant 0 : i32
        %dma_wait3A_89 = tpu.memref_slice %arg9[%add3A_67, %dma_wait3A_88] : memref<40x128xi32, #tpu.memory_space<vmem>> -> memref<1x128xi32, #tpu.memory_space<vmem>>
        %dma_wait3A_90 = tpu.memref_squeeze %dma_wait3A_89 : memref<1x128xi32, #tpu.memory_space<vmem>> -> memref<128xi32, #tpu.memory_space<vmem>>
        %dma_wait3A_91 = arith.constant 0 : i32
        %dma_wait3A_92 = arith.constant 0 : i32
        %dma_wait3A_93 = tpu.memref_slice %arg7[%dma_wait3A_91, %dma_wait3A_92] : memref<10240x128xf32, #tpu.memory_space<vmem_shared>> -> memref<10240x128xf32, #tpu.memory_space<vmem_shared>>
        tpu.wait_indirect_dma semaphore(%run_scoped3A_81 : memref<!tpu.dma_semaphore, #tpu.memory_space<semaphore_mem>>) src(%arg11 : memref<128x128xf32, #tpu.memory_space<vmem>>) dst(%dma_wait3A_93 : memref<10240x128xf32, #tpu.memory_space<vmem_shared>>)
        tpu.yield
      }) : () -> ()
      %add3A_74 = arith.constant 2 : i32
      %add3A_75 = arith.addi %add3A_67, %add3A_74 : i32
      %lt3A_76 = arith.constant 40 : i32
      %lt3A_77 = arith.cmpi slt, %add3A_75, %lt3A_76 : i32
      %convert_element_type3A_78 = arith.extui %lt3A_77 : i1 to i32
      %cond3A_79 = arith.constant 0 : i32
      %cond3A_80 = arith.cmpi ne, %convert_element_type3A_78, %cond3A_79 : i32
      scf.if %cond3A_80 {
        %add3A_81 = arith.constant 2 : i32
        %add3A_82 = arith.addi %add3A_67, %add3A_81 : i32
        %dma_start3A_83 = arith.constant 0 : i32
        %dma_start3A_84 = tpu.memref_slice %arg8[%add3A_82, %dma_start3A_83] : memref<40x128xi32, #tpu.memory_space<vmem>> -> memref<1x128xi32, #tpu.memory_space<vmem>>
        %dma_start3A_85 = tpu.memref_squeeze %dma_start3A_84 : memref<1x128xi32, #tpu.memory_space<vmem>> -> memref<128xi32, #tpu.memory_space<vmem>>
        %dma_start3A_86 = arith.constant 0 : i32
        %dma_start3A_87 = arith.constant 0 : i32
        %dma_start3A_88 = tpu.memref_slice %arg2[%dma_start3A_86, %dma_start3A_87] : memref<10000x128xf32, #tpu.memory_space<hbm>> -> memref<10000x128xf32, #tpu.memory_space<hbm>>
        tpu.enqueue_indirect_dma source(%dma_start3A_88 : memref<10000x128xf32, #tpu.memory_space<hbm>>) target(%arg11 : memref<128x128xf32, #tpu.memory_space<vmem>>) offsets(%dma_start3A_85 : memref<128xi32, #tpu.memory_space<vmem>>) semaphore(%arg13 : memref<!tpu.dma_semaphore, #tpu.memory_space<semaphore_mem>>)
      } else {
      }
    }
    %scan3A_43 = arith.constant 20 : i32
    %barrier3A_44 = arith.constant 0 : index
    tpu.barrier barrier_id(%barrier3A_44)
    %eq3A = arith.constant 0 : i32
    %eq3A_45 = arith.cmpi eq, %arg0, %eq3A : i32
    %convert_element_type3A = arith.extui %eq3A_45 : i1 to i32
    %cond3A = arith.constant 0 : i32
    %cond3A_46 = arith.cmpi ne, %convert_element_type3A, %cond3A : i32
    scf.if %cond3A_46 {
      "tpu.region"() ({
        %run_scoped3A_52 = tpu.sem_alloc : memref<!tpu.dma_semaphore, #tpu.memory_space<semaphore_mem>>
        %dma_start3A_53 = arith.constant 0 : i32
        %dma_start3A_54 = tpu.memref_slice %arg5[%mul3A_2, %dma_start3A_53] : memref<10240x128xf32, #tpu.memory_space<hbm>> -> memref<640x128xf32, #tpu.memory_space<hbm>>
        %dma_start3A_55 = arith.constant 0 : i32
        %dma_start3A_56 = tpu.memref_slice %arg7[%mul3A_2, %dma_start3A_55] : memref<10240x128xf32, #tpu.memory_space<vmem_shared>> -> memref<640x128xf32, #tpu.memory_space<vmem_shared>>
        tpu.enqueue_dma source(%dma_start3A_56 : memref<640x128xf32, #tpu.memory_space<vmem_shared>>) target(%dma_start3A_54 : memref<640x128xf32, #tpu.memory_space<hbm>>) target_semaphore(%run_scoped3A_52 : memref<!tpu.dma_semaphore, #tpu.memory_space<semaphore_mem>>)
        %dma_wait3A = arith.constant 0 : i32
        %dma_wait3A_57 = tpu.memref_slice %arg5[%mul3A_2, %dma_wait3A] : memref<10240x128xf32, #tpu.memory_space<hbm>> -> memref<640x128xf32, #tpu.memory_space<hbm>>
        %dma_wait3A_58 = arith.constant 0 : i32
        %dma_wait3A_59 = tpu.memref_slice %arg7[%mul3A_2, %dma_wait3A_58] : memref<10240x128xf32, #tpu.memory_space<vmem_shared>> -> memref<640x128xf32, #tpu.memory_space<vmem_shared>>
        tpu.wait_dma2 semaphore(%run_scoped3A_52 : memref<!tpu.dma_semaphore, #tpu.memory_space<semaphore_mem>>) src(%dma_wait3A_59 : memref<640x128xf32, #tpu.memory_space<vmem_shared>>) dst(%dma_wait3A_57 : memref<640x128xf32, #tpu.memory_space<hbm>>)
        tpu.yield
      }) : () -> ()
    } else {
    }
    %eq3A_47 = arith.constant 1 : i32
    %eq3A_48 = arith.cmpi eq, %arg0, %eq3A_47 : i32
    %convert_element_type3A_49 = arith.extui %eq3A_48 : i1 to i32
    %cond3A_50 = arith.constant 0 : i32
    %cond3A_51 = arith.cmpi ne, %convert_element_type3A_49, %cond3A_50 : i32
    scf.if %cond3A_51 {
      "tpu.region"() ({
        %run_scoped3A_52 = tpu.sem_alloc : memref<!tpu.dma_semaphore, #tpu.memory_space<semaphore_mem>>
        %dma_start3A_53 = arith.constant 0 : i32
        %dma_start3A_54 = tpu.memref_slice %arg6[%mul3A_2, %dma_start3A_53] : memref<10240x128xf32, #tpu.memory_space<hbm>> -> memref<640x128xf32, #tpu.memory_space<hbm>>
        %dma_start3A_55 = arith.constant 0 : i32
        %dma_start3A_56 = tpu.memref_slice %arg7[%mul3A_2, %dma_start3A_55] : memref<10240x128xf32, #tpu.memory_space<vmem_shared>> -> memref<640x128xf32, #tpu.memory_space<vmem_shared>>
        tpu.enqueue_dma source(%dma_start3A_56 : memref<640x128xf32, #tpu.memory_space<vmem_shared>>) target(%dma_start3A_54 : memref<640x128xf32, #tpu.memory_space<hbm>>) target_semaphore(%run_scoped3A_52 : memref<!tpu.dma_semaphore, #tpu.memory_space<semaphore_mem>>)
        %dma_wait3A = arith.constant 0 : i32
        %dma_wait3A_57 = tpu.memref_slice %arg6[%mul3A_2, %dma_wait3A] : memref<10240x128xf32, #tpu.memory_space<hbm>> -> memref<640x128xf32, #tpu.memory_space<hbm>>
        %dma_wait3A_58 = arith.constant 0 : i32
        %dma_wait3A_59 = tpu.memref_slice %arg7[%mul3A_2, %dma_wait3A_58] : memref<10240x128xf32, #tpu.memory_space<vmem_shared>> -> memref<640x128xf32, #tpu.memory_space<vmem_shared>>
        tpu.wait_dma2 semaphore(%run_scoped3A_52 : memref<!tpu.dma_semaphore, #tpu.memory_space<semaphore_mem>>) src(%dma_wait3A_59 : memref<640x128xf32, #tpu.memory_space<vmem_shared>>) dst(%dma_wait3A_57 : memref<640x128xf32, #tpu.memory_space<hbm>>)
        tpu.yield
      }) : () -> ()
    } else {
    }
    return
  }
}

#map = affine_map<(d0, d1) -> (0, 0)>
#map1 = affine_map<(d0, d1) -> (0, 0, 0, 0)>
module attributes {stable_mosaic.version = 14 : i64} {
  func.func @seg_sum(%arg0: i32, %arg1: i32, %arg2: memref<10000x128xf32, #tpu.memory_space<hbm>>, %arg3: memref<2x32x80x128xi32, #tpu.memory_space<hbm>>, %arg4: memref<10240x128xf32, #tpu.memory_space<hbm>>, %arg5: memref<10240x128xf32, #tpu.memory_space<hbm>>, %arg6: memref<10240x128xf32, #tpu.memory_space<hbm>>, %arg7: memref<10240x128xf32, #tpu.memory_space<vmem_shared>>, %arg8: memref<40x128xi32, #tpu.memory_space<vmem>>, %arg9: memref<40x128xi32, #tpu.memory_space<vmem>>, %arg10: memref<128x128xf32, #tpu.memory_space<vmem>>, %arg11: memref<128x128xf32, #tpu.memory_space<vmem>>, %arg12: memref<!tpu.dma_semaphore, #tpu.memory_space<semaphore_mem>>, %arg13: memref<!tpu.dma_semaphore, #tpu.memory_space<semaphore_mem>>) attributes {dimension_semantics = [#tpu.dimension_semantics<core_parallel>, #tpu.dimension_semantics<subcore_parallel>], iteration_bounds = array<i64: 2, 16>, scalar_prefetch = 0 : i64, scratch_operands = 7 : i64, tpu.core_type = #tpu.core_type<sc_vector_subcore>, window_params = [{transform_indices = #map}, {transform_indices = #map1}, {transform_indices = #map}, {transform_indices = #map}, {transform_indices = #map}]} {
    %mul3A = arith.constant 2 : i32
    %mul3A_0 = arith.muli %arg1, %mul3A : i32
    %add3A = arith.addi %mul3A_0, %arg0 : i32
    %mul3A_1 = arith.constant 640 : i32
    %mul3A_2 = arith.muli %arg1, %mul3A_1 : i32
    "tpu.region"() ({
      %run_scoped3A_52 = tpu.sem_alloc : memref<!tpu.dma_semaphore, #tpu.memory_space<semaphore_mem>>
      %dma_start3A_53 = arith.constant 0 : i32
      %dma_start3A_54 = tpu.memref_slice %arg7[%mul3A_2, %dma_start3A_53] : memref<10240x128xf32, #tpu.memory_space<vmem_shared>> -> memref<640x128xf32, #tpu.memory_space<vmem_shared>>
      %dma_start3A_55 = arith.constant 0 : i32
      %dma_start3A_56 = tpu.memref_slice %arg4[%mul3A_2, %dma_start3A_55] : memref<10240x128xf32, #tpu.memory_space<hbm>> -> memref<640x128xf32, #tpu.memory_space<hbm>>
      tpu.enqueue_dma source(%dma_start3A_56 : memref<640x128xf32, #tpu.memory_space<hbm>>) target(%dma_start3A_54 : memref<640x128xf32, #tpu.memory_space<vmem_shared>>) target_semaphore(%run_scoped3A_52 : memref<!tpu.dma_semaphore, #tpu.memory_space<semaphore_mem>>)
      %dma_wait3A = arith.constant 0 : i32
      %dma_wait3A_57 = tpu.memref_slice %arg7[%mul3A_2, %dma_wait3A] : memref<10240x128xf32, #tpu.memory_space<vmem_shared>> -> memref<640x128xf32, #tpu.memory_space<vmem_shared>>
      %dma_wait3A_58 = arith.constant 0 : i32
      %dma_wait3A_59 = tpu.memref_slice %arg4[%mul3A_2, %dma_wait3A_58] : memref<10240x128xf32, #tpu.memory_space<hbm>> -> memref<640x128xf32, #tpu.memory_space<hbm>>
      tpu.wait_dma2 semaphore(%run_scoped3A_52 : memref<!tpu.dma_semaphore, #tpu.memory_space<semaphore_mem>>) src(%dma_wait3A_59 : memref<640x128xf32, #tpu.memory_space<hbm>>) dst(%dma_wait3A_57 : memref<640x128xf32, #tpu.memory_space<vmem_shared>>)
      tpu.yield
    }) : () -> ()
    %barrier3A = arith.constant 0 : index
    tpu.barrier barrier_id(%barrier3A)
    %run_scoped3A = arith.constant 0 : i32
    "tpu.region"() ({
      %run_scoped3A_52 = tpu.sem_alloc : memref<!tpu.dma_semaphore, #tpu.memory_space<semaphore_mem>>
      %dma_start3A_53 = arith.constant 0 : i32
      %dma_start3A_54 = arith.constant 0 : i32
      %dma_start3A_55 = tpu.memref_slice %arg3[%run_scoped3A, %add3A, %dma_start3A_53, %dma_start3A_54] : memref<2x32x80x128xi32, #tpu.memory_space<hbm>> -> memref<1x1x40x128xi32, #tpu.memory_space<hbm>>
      %dma_start3A_56 = tpu.memref_squeeze %dma_start3A_55 : memref<1x1x40x128xi32, #tpu.memory_space<hbm>> -> memref<40x128xi32, #tpu.memory_space<hbm>>
      %dma_start3A_57 = arith.constant 0 : i32
      %dma_start3A_58 = arith.constant 0 : i32
      %dma_start3A_59 = tpu.memref_slice %arg3[%run_scoped3A, %add3A, %dma_start3A_57, %dma_start3A_58] : memref<2x32x80x128xi32, #tpu.memory_space<hbm>> -> memref<1x1x40x128xi32, #tpu.memory_space<hbm>>
      %dma_start3A_60 = tpu.memref_squeeze %dma_start3A_59 : memref<1x1x40x128xi32, #tpu.memory_space<hbm>> -> memref<40x128xi32, #tpu.memory_space<hbm>>
      tpu.enqueue_dma source(%dma_start3A_60 : memref<40x128xi32, #tpu.memory_space<hbm>>) target(%arg8 : memref<40x128xi32, #tpu.memory_space<vmem>>) target_semaphore(%run_scoped3A_52 : memref<!tpu.dma_semaphore, #tpu.memory_space<semaphore_mem>>)
      %dma_wait3A = arith.constant 0 : i32
      %dma_wait3A_61 = arith.constant 0 : i32
      %dma_wait3A_62 = tpu.memref_slice %arg3[%run_scoped3A, %add3A, %dma_wait3A, %dma_wait3A_61] : memref<2x32x80x128xi32, #tpu.memory_space<hbm>> -> memref<1x1x40x128xi32, #tpu.memory_space<hbm>>
      %dma_wait3A_63 = tpu.memref_squeeze %dma_wait3A_62 : memref<1x1x40x128xi32, #tpu.memory_space<hbm>> -> memref<40x128xi32, #tpu.memory_space<hbm>>
      %dma_wait3A_64 = arith.constant 0 : i32
      %dma_wait3A_65 = arith.constant 0 : i32
      %dma_wait3A_66 = tpu.memref_slice %arg3[%run_scoped3A, %add3A, %dma_wait3A_64, %dma_wait3A_65] : memref<2x32x80x128xi32, #tpu.memory_space<hbm>> -> memref<1x1x40x128xi32, #tpu.memory_space<hbm>>
      %dma_wait3A_67 = tpu.memref_squeeze %dma_wait3A_66 : memref<1x1x40x128xi32, #tpu.memory_space<hbm>> -> memref<40x128xi32, #tpu.memory_space<hbm>>
      tpu.wait_dma2 semaphore(%run_scoped3A_52 : memref<!tpu.dma_semaphore, #tpu.memory_space<semaphore_mem>>) src(%dma_wait3A_67 : memref<40x128xi32, #tpu.memory_space<hbm>>) dst(%arg8 : memref<40x128xi32, #tpu.memory_space<vmem>>)
      tpu.yield
    }) : () -> ()
    %run_scoped3A_3 = arith.constant 1 : i32
    "tpu.region"() ({
      %run_scoped3A_52 = tpu.sem_alloc : memref<!tpu.dma_semaphore, #tpu.memory_space<semaphore_mem>>
      %dma_start3A_53 = arith.constant 0 : i32
      %dma_start3A_54 = arith.constant 0 : i32
      %dma_start3A_55 = tpu.memref_slice %arg3[%run_scoped3A_3, %add3A, %dma_start3A_53, %dma_start3A_54] : memref<2x32x80x128xi32, #tpu.memory_space<hbm>> -> memref<1x1x40x128xi32, #tpu.memory_space<hbm>>
      %dma_start3A_56 = tpu.memref_squeeze %dma_start3A_55 : memref<1x1x40x128xi32, #tpu.memory_space<hbm>> -> memref<40x128xi32, #tpu.memory_space<hbm>>
      %dma_start3A_57 = arith.constant 0 : i32
      %dma_start3A_58 = arith.constant 0 : i32
      %dma_start3A_59 = tpu.memref_slice %arg3[%run_scoped3A_3, %add3A, %dma_start3A_57, %dma_start3A_58] : memref<2x32x80x128xi32, #tpu.memory_space<hbm>> -> memref<1x1x40x128xi32, #tpu.memory_space<hbm>>
      %dma_start3A_60 = tpu.memref_squeeze %dma_start3A_59 : memref<1x1x40x128xi32, #tpu.memory_space<hbm>> -> memref<40x128xi32, #tpu.memory_space<hbm>>
      tpu.enqueue_dma source(%dma_start3A_60 : memref<40x128xi32, #tpu.memory_space<hbm>>) target(%arg9 : memref<40x128xi32, #tpu.memory_space<vmem>>) target_semaphore(%run_scoped3A_52 : memref<!tpu.dma_semaphore, #tpu.memory_space<semaphore_mem>>)
      %dma_wait3A = arith.constant 0 : i32
      %dma_wait3A_61 = arith.constant 0 : i32
      %dma_wait3A_62 = tpu.memref_slice %arg3[%run_scoped3A_3, %add3A, %dma_wait3A, %dma_wait3A_61] : memref<2x32x80x128xi32, #tpu.memory_space<hbm>> -> memref<1x1x40x128xi32, #tpu.memory_space<hbm>>
      %dma_wait3A_63 = tpu.memref_squeeze %dma_wait3A_62 : memref<1x1x40x128xi32, #tpu.memory_space<hbm>> -> memref<40x128xi32, #tpu.memory_space<hbm>>
      %dma_wait3A_64 = arith.constant 0 : i32
      %dma_wait3A_65 = arith.constant 0 : i32
      %dma_wait3A_66 = tpu.memref_slice %arg3[%run_scoped3A_3, %add3A, %dma_wait3A_64, %dma_wait3A_65] : memref<2x32x80x128xi32, #tpu.memory_space<hbm>> -> memref<1x1x40x128xi32, #tpu.memory_space<hbm>>
      %dma_wait3A_67 = tpu.memref_squeeze %dma_wait3A_66 : memref<1x1x40x128xi32, #tpu.memory_space<hbm>> -> memref<40x128xi32, #tpu.memory_space<hbm>>
      tpu.wait_dma2 semaphore(%run_scoped3A_52 : memref<!tpu.dma_semaphore, #tpu.memory_space<semaphore_mem>>) src(%dma_wait3A_67 : memref<40x128xi32, #tpu.memory_space<hbm>>) dst(%arg9 : memref<40x128xi32, #tpu.memory_space<vmem>>)
      tpu.yield
    }) : () -> ()
    %dma_start3A = arith.constant 0 : i32
    %dma_start3A_4 = arith.constant 0 : i32
    %dma_start3A_5 = tpu.memref_slice %arg8[%dma_start3A, %dma_start3A_4] : memref<40x128xi32, #tpu.memory_space<vmem>> -> memref<1x128xi32, #tpu.memory_space<vmem>>
    %dma_start3A_6 = tpu.memref_squeeze %dma_start3A_5 : memref<1x128xi32, #tpu.memory_space<vmem>> -> memref<128xi32, #tpu.memory_space<vmem>>
    %dma_start3A_7 = arith.constant 0 : i32
    %dma_start3A_8 = arith.constant 0 : i32
    %dma_start3A_9 = tpu.memref_slice %arg2[%dma_start3A_7, %dma_start3A_8] : memref<10000x128xf32, #tpu.memory_space<hbm>> -> memref<10000x128xf32, #tpu.memory_space<hbm>>
    tpu.enqueue_indirect_dma source(%dma_start3A_9 : memref<10000x128xf32, #tpu.memory_space<hbm>>) target(%arg10 : memref<128x128xf32, #tpu.memory_space<vmem>>) offsets(%dma_start3A_6 : memref<128xi32, #tpu.memory_space<vmem>>) semaphore(%arg12 : memref<!tpu.dma_semaphore, #tpu.memory_space<semaphore_mem>>)
    %dma_start3A_10 = arith.constant 1 : i32
    %dma_start3A_11 = arith.constant 0 : i32
    %dma_start3A_12 = tpu.memref_slice %arg8[%dma_start3A_10, %dma_start3A_11] : memref<40x128xi32, #tpu.memory_space<vmem>> -> memref<1x128xi32, #tpu.memory_space<vmem>>
    %dma_start3A_13 = tpu.memref_squeeze %dma_start3A_12 : memref<1x128xi32, #tpu.memory_space<vmem>> -> memref<128xi32, #tpu.memory_space<vmem>>
    %dma_start3A_14 = arith.constant 0 : i32
    %dma_start3A_15 = arith.constant 0 : i32
    %dma_start3A_16 = tpu.memref_slice %arg2[%dma_start3A_14, %dma_start3A_15] : memref<10000x128xf32, #tpu.memory_space<hbm>> -> memref<10000x128xf32, #tpu.memory_space<hbm>>
    tpu.enqueue_indirect_dma source(%dma_start3A_16 : memref<10000x128xf32, #tpu.memory_space<hbm>>) target(%arg11 : memref<128x128xf32, #tpu.memory_space<vmem>>) offsets(%dma_start3A_13 : memref<128xi32, #tpu.memory_space<vmem>>) semaphore(%arg13 : memref<!tpu.dma_semaphore, #tpu.memory_space<semaphore_mem>>)
    %scan3A = arith.constant 0 : i32
    %scan3A_17 = arith.constant 0 : i32
    %scan3A_18 = arith.constant 20 : i32
    %scan3A_19 = arith.addi %scan3A_17, %scan3A_18 : i32
    %scan3A_20 = arith.constant 1 : i32
    scf.for %scan3A_52 = %scan3A_17 to %scan3A_19 step %scan3A_20  : i32 {
      %mul3A_53 = arith.constant 2 : i32
      %mul3A_54 = arith.muli %mul3A_53, %scan3A_52 : i32
      %dma_wait3A = arith.constant 0 : i32
      %dma_wait3A_55 = tpu.memref_slice %arg8[%mul3A_54, %dma_wait3A] : memref<40x128xi32, #tpu.memory_space<vmem>> -> memref<1x128xi32, #tpu.memory_space<vmem>>
      %dma_wait3A_56 = tpu.memref_squeeze %dma_wait3A_55 : memref<1x128xi32, #tpu.memory_space<vmem>> -> memref<128xi32, #tpu.memory_space<vmem>>
      %dma_wait3A_57 = arith.constant 0 : i32
      %dma_wait3A_58 = arith.constant 0 : i32
      %dma_wait3A_59 = tpu.memref_slice %arg2[%dma_wait3A_57, %dma_wait3A_58] : memref<10000x128xf32, #tpu.memory_space<hbm>> -> memref<10000x128xf32, #tpu.memory_space<hbm>>
      tpu.wait_indirect_dma semaphore(%arg12 : memref<!tpu.dma_semaphore, #tpu.memory_space<semaphore_mem>>) src(%dma_wait3A_59 : memref<10000x128xf32, #tpu.memory_space<hbm>>) dst(%arg10 : memref<128x128xf32, #tpu.memory_space<vmem>>)
      "tpu.region"() ({
        %run_scoped3A_81 = tpu.sem_alloc : memref<!tpu.dma_semaphore, #tpu.memory_space<semaphore_mem>>
        %dma_start3A_82 = arith.constant 0 : i32
        %dma_start3A_83 = tpu.memref_slice %arg9[%mul3A_54, %dma_start3A_82] : memref<40x128xi32, #tpu.memory_space<vmem>> -> memref<1x128xi32, #tpu.memory_space<vmem>>
        %dma_start3A_84 = tpu.memref_squeeze %dma_start3A_83 : memref<1x128xi32, #tpu.memory_space<vmem>> -> memref<128xi32, #tpu.memory_space<vmem>>
        %dma_start3A_85 = arith.constant 0 : i32
        %dma_start3A_86 = arith.constant 0 : i32
        %dma_start3A_87 = tpu.memref_slice %arg7[%dma_start3A_85, %dma_start3A_86] : memref<10240x128xf32, #tpu.memory_space<vmem_shared>> -> memref<10240x128xf32, #tpu.memory_space<vmem_shared>>
        tpu.enqueue_indirect_dma source(%arg10 : memref<128x128xf32, #tpu.memory_space<vmem>>) target(%dma_start3A_87 : memref<10240x128xf32, #tpu.memory_space<vmem_shared>>) offsets(%dma_start3A_84 : memref<128xi32, #tpu.memory_space<vmem>>) semaphore(%run_scoped3A_81 : memref<!tpu.dma_semaphore, #tpu.memory_space<semaphore_mem>>) {add = true}
        %dma_wait3A_88 = arith.constant 0 : i32
        %dma_wait3A_89 = tpu.memref_slice %arg9[%mul3A_54, %dma_wait3A_88] : memref<40x128xi32, #tpu.memory_space<vmem>> -> memref<1x128xi32, #tpu.memory_space<vmem>>
        %dma_wait3A_90 = tpu.memref_squeeze %dma_wait3A_89 : memref<1x128xi32, #tpu.memory_space<vmem>> -> memref<128xi32, #tpu.memory_space<vmem>>
        %dma_wait3A_91 = arith.constant 0 : i32
        %dma_wait3A_92 = arith.constant 0 : i32
        %dma_wait3A_93 = tpu.memref_slice %arg7[%dma_wait3A_91, %dma_wait3A_92] : memref<10240x128xf32, #tpu.memory_space<vmem_shared>> -> memref<10240x128xf32, #tpu.memory_space<vmem_shared>>
        tpu.wait_indirect_dma semaphore(%run_scoped3A_81 : memref<!tpu.dma_semaphore, #tpu.memory_space<semaphore_mem>>) src(%arg10 : memref<128x128xf32, #tpu.memory_space<vmem>>) dst(%dma_wait3A_93 : memref<10240x128xf32, #tpu.memory_space<vmem_shared>>)
        tpu.yield
      }) : () -> ()
      %add3A_60 = arith.constant 2 : i32
      %add3A_61 = arith.addi %mul3A_54, %add3A_60 : i32
      %lt3A = arith.constant 40 : i32
      %lt3A_62 = arith.cmpi slt, %add3A_61, %lt3A : i32
      %convert_element_type3A_63 = arith.extui %lt3A_62 : i1 to i32
      %cond3A_64 = arith.constant 0 : i32
      %cond3A_65 = arith.cmpi ne, %convert_element_type3A_63, %cond3A_64 : i32
      scf.if %cond3A_65 {
        %add3A_81 = arith.constant 2 : i32
        %add3A_82 = arith.addi %mul3A_54, %add3A_81 : i32
        %dma_start3A_83 = arith.constant 0 : i32
        %dma_start3A_84 = tpu.memref_slice %arg8[%add3A_82, %dma_start3A_83] : memref<40x128xi32, #tpu.memory_space<vmem>> -> memref<1x128xi32, #tpu.memory_space<vmem>>
        %dma_start3A_85 = tpu.memref_squeeze %dma_start3A_84 : memref<1x128xi32, #tpu.memory_space<vmem>> -> memref<128xi32, #tpu.memory_space<vmem>>
        %dma_start3A_86 = arith.constant 0 : i32
        %dma_start3A_87 = arith.constant 0 : i32
        %dma_start3A_88 = tpu.memref_slice %arg2[%dma_start3A_86, %dma_start3A_87] : memref<10000x128xf32, #tpu.memory_space<hbm>> -> memref<10000x128xf32, #tpu.memory_space<hbm>>
        tpu.enqueue_indirect_dma source(%dma_start3A_88 : memref<10000x128xf32, #tpu.memory_space<hbm>>) target(%arg10 : memref<128x128xf32, #tpu.memory_space<vmem>>) offsets(%dma_start3A_85 : memref<128xi32, #tpu.memory_space<vmem>>) semaphore(%arg12 : memref<!tpu.dma_semaphore, #tpu.memory_space<semaphore_mem>>)
      } else {
      }
      %add3A_66 = arith.constant 1 : i32
      %add3A_67 = arith.addi %mul3A_54, %add3A_66 : i32
      %dma_wait3A_68 = arith.constant 0 : i32
      %dma_wait3A_69 = tpu.memref_slice %arg8[%add3A_67, %dma_wait3A_68] : memref<40x128xi32, #tpu.memory_space<vmem>> -> memref<1x128xi32, #tpu.memory_space<vmem>>
      %dma_wait3A_70 = tpu.memref_squeeze %dma_wait3A_69 : memref<1x128xi32, #tpu.memory_space<vmem>> -> memref<128xi32, #tpu.memory_space<vmem>>
      %dma_wait3A_71 = arith.constant 0 : i32
      %dma_wait3A_72 = arith.constant 0 : i32
      %dma_wait3A_73 = tpu.memref_slice %arg2[%dma_wait3A_71, %dma_wait3A_72] : memref<10000x128xf32, #tpu.memory_space<hbm>> -> memref<10000x128xf32, #tpu.memory_space<hbm>>
      tpu.wait_indirect_dma semaphore(%arg13 : memref<!tpu.dma_semaphore, #tpu.memory_space<semaphore_mem>>) src(%dma_wait3A_73 : memref<10000x128xf32, #tpu.memory_space<hbm>>) dst(%arg11 : memref<128x128xf32, #tpu.memory_space<vmem>>)
      "tpu.region"() ({
        %run_scoped3A_81 = tpu.sem_alloc : memref<!tpu.dma_semaphore, #tpu.memory_space<semaphore_mem>>
        %dma_start3A_82 = arith.constant 0 : i32
        %dma_start3A_83 = tpu.memref_slice %arg9[%add3A_67, %dma_start3A_82] : memref<40x128xi32, #tpu.memory_space<vmem>> -> memref<1x128xi32, #tpu.memory_space<vmem>>
        %dma_start3A_84 = tpu.memref_squeeze %dma_start3A_83 : memref<1x128xi32, #tpu.memory_space<vmem>> -> memref<128xi32, #tpu.memory_space<vmem>>
        %dma_start3A_85 = arith.constant 0 : i32
        %dma_start3A_86 = arith.constant 0 : i32
        %dma_start3A_87 = tpu.memref_slice %arg7[%dma_start3A_85, %dma_start3A_86] : memref<10240x128xf32, #tpu.memory_space<vmem_shared>> -> memref<10240x128xf32, #tpu.memory_space<vmem_shared>>
        tpu.enqueue_indirect_dma source(%arg11 : memref<128x128xf32, #tpu.memory_space<vmem>>) target(%dma_start3A_87 : memref<10240x128xf32, #tpu.memory_space<vmem_shared>>) offsets(%dma_start3A_84 : memref<128xi32, #tpu.memory_space<vmem>>) semaphore(%run_scoped3A_81 : memref<!tpu.dma_semaphore, #tpu.memory_space<semaphore_mem>>) {add = true}
        %dma_wait3A_88 = arith.constant 0 : i32
        %dma_wait3A_89 = tpu.memref_slice %arg9[%add3A_67, %dma_wait3A_88] : memref<40x128xi32, #tpu.memory_space<vmem>> -> memref<1x128xi32, #tpu.memory_space<vmem>>
        %dma_wait3A_90 = tpu.memref_squeeze %dma_wait3A_89 : memref<1x128xi32, #tpu.memory_space<vmem>> -> memref<128xi32, #tpu.memory_space<vmem>>
        %dma_wait3A_91 = arith.constant 0 : i32
        %dma_wait3A_92 = arith.constant 0 : i32
        %dma_wait3A_93 = tpu.memref_slice %arg7[%dma_wait3A_91, %dma_wait3A_92] : memref<10240x128xf32, #tpu.memory_space<vmem_shared>> -> memref<10240x128xf32, #tpu.memory_space<vmem_shared>>
        tpu.wait_indirect_dma semaphore(%run_scoped3A_81 : memref<!tpu.dma_semaphore, #tpu.memory_space<semaphore_mem>>) src(%arg11 : memref<128x128xf32, #tpu.memory_space<vmem>>) dst(%dma_wait3A_93 : memref<10240x128xf32, #tpu.memory_space<vmem_shared>>)
        tpu.yield
      }) : () -> ()
      %add3A_74 = arith.constant 2 : i32
      %add3A_75 = arith.addi %add3A_67, %add3A_74 : i32
      %lt3A_76 = arith.constant 40 : i32
      %lt3A_77 = arith.cmpi slt, %add3A_75, %lt3A_76 : i32
      %convert_element_type3A_78 = arith.extui %lt3A_77 : i1 to i32
      %cond3A_79 = arith.constant 0 : i32
      %cond3A_80 = arith.cmpi ne, %convert_element_type3A_78, %cond3A_79 : i32
      scf.if %cond3A_80 {
        %add3A_81 = arith.constant 2 : i32
        %add3A_82 = arith.addi %add3A_67, %add3A_81 : i32
        %dma_start3A_83 = arith.constant 0 : i32
        %dma_start3A_84 = tpu.memref_slice %arg8[%add3A_82, %dma_start3A_83] : memref<40x128xi32, #tpu.memory_space<vmem>> -> memref<1x128xi32, #tpu.memory_space<vmem>>
        %dma_start3A_85 = tpu.memref_squeeze %dma_start3A_84 : memref<1x128xi32, #tpu.memory_space<vmem>> -> memref<128xi32, #tpu.memory_space<vmem>>
        %dma_start3A_86 = arith.constant 0 : i32
        %dma_start3A_87 = arith.constant 0 : i32
        %dma_start3A_88 = tpu.memref_slice %arg2[%dma_start3A_86, %dma_start3A_87] : memref<10000x128xf32, #tpu.memory_space<hbm>> -> memref<10000x128xf32, #tpu.memory_space<hbm>>
        tpu.enqueue_indirect_dma source(%dma_start3A_88 : memref<10000x128xf32, #tpu.memory_space<hbm>>) target(%arg11 : memref<128x128xf32, #tpu.memory_space<vmem>>) offsets(%dma_start3A_85 : memref<128xi32, #tpu.memory_space<vmem>>) semaphore(%arg13 : memref<!tpu.dma_semaphore, #tpu.memory_space<semaphore_mem>>)
      } else {
      }
    }
    %scan3A_21 = arith.constant 20 : i32
    %run_scoped3A_22 = arith.constant 0 : i32
    "tpu.region"() ({
      %run_scoped3A_52 = tpu.sem_alloc : memref<!tpu.dma_semaphore, #tpu.memory_space<semaphore_mem>>
      %dma_start3A_53 = arith.constant 40 : i32
      %dma_start3A_54 = arith.constant 0 : i32
      %dma_start3A_55 = tpu.memref_slice %arg3[%run_scoped3A_22, %add3A, %dma_start3A_53, %dma_start3A_54] : memref<2x32x80x128xi32, #tpu.memory_space<hbm>> -> memref<1x1x40x128xi32, #tpu.memory_space<hbm>>
      %dma_start3A_56 = tpu.memref_squeeze %dma_start3A_55 : memref<1x1x40x128xi32, #tpu.memory_space<hbm>> -> memref<40x128xi32, #tpu.memory_space<hbm>>
      %dma_start3A_57 = arith.constant 40 : i32
      %dma_start3A_58 = arith.constant 0 : i32
      %dma_start3A_59 = tpu.memref_slice %arg3[%run_scoped3A_22, %add3A, %dma_start3A_57, %dma_start3A_58] : memref<2x32x80x128xi32, #tpu.memory_space<hbm>> -> memref<1x1x40x128xi32, #tpu.memory_space<hbm>>
      %dma_start3A_60 = tpu.memref_squeeze %dma_start3A_59 : memref<1x1x40x128xi32, #tpu.memory_space<hbm>> -> memref<40x128xi32, #tpu.memory_space<hbm>>
      tpu.enqueue_dma source(%dma_start3A_60 : memref<40x128xi32, #tpu.memory_space<hbm>>) target(%arg8 : memref<40x128xi32, #tpu.memory_space<vmem>>) target_semaphore(%run_scoped3A_52 : memref<!tpu.dma_semaphore, #tpu.memory_space<semaphore_mem>>)
      %dma_wait3A = arith.constant 40 : i32
      %dma_wait3A_61 = arith.constant 0 : i32
      %dma_wait3A_62 = tpu.memref_slice %arg3[%run_scoped3A_22, %add3A, %dma_wait3A, %dma_wait3A_61] : memref<2x32x80x128xi32, #tpu.memory_space<hbm>> -> memref<1x1x40x128xi32, #tpu.memory_space<hbm>>
      %dma_wait3A_63 = tpu.memref_squeeze %dma_wait3A_62 : memref<1x1x40x128xi32, #tpu.memory_space<hbm>> -> memref<40x128xi32, #tpu.memory_space<hbm>>
      %dma_wait3A_64 = arith.constant 40 : i32
      %dma_wait3A_65 = arith.constant 0 : i32
      %dma_wait3A_66 = tpu.memref_slice %arg3[%run_scoped3A_22, %add3A, %dma_wait3A_64, %dma_wait3A_65] : memref<2x32x80x128xi32, #tpu.memory_space<hbm>> -> memref<1x1x40x128xi32, #tpu.memory_space<hbm>>
      %dma_wait3A_67 = tpu.memref_squeeze %dma_wait3A_66 : memref<1x1x40x128xi32, #tpu.memory_space<hbm>> -> memref<40x128xi32, #tpu.memory_space<hbm>>
      tpu.wait_dma2 semaphore(%run_scoped3A_52 : memref<!tpu.dma_semaphore, #tpu.memory_space<semaphore_mem>>) src(%dma_wait3A_67 : memref<40x128xi32, #tpu.memory_space<hbm>>) dst(%arg8 : memref<40x128xi32, #tpu.memory_space<vmem>>)
      tpu.yield
    }) : () -> ()
    %run_scoped3A_23 = arith.constant 1 : i32
    "tpu.region"() ({
      %run_scoped3A_52 = tpu.sem_alloc : memref<!tpu.dma_semaphore, #tpu.memory_space<semaphore_mem>>
      %dma_start3A_53 = arith.constant 40 : i32
      %dma_start3A_54 = arith.constant 0 : i32
      %dma_start3A_55 = tpu.memref_slice %arg3[%run_scoped3A_23, %add3A, %dma_start3A_53, %dma_start3A_54] : memref<2x32x80x128xi32, #tpu.memory_space<hbm>> -> memref<1x1x40x128xi32, #tpu.memory_space<hbm>>
      %dma_start3A_56 = tpu.memref_squeeze %dma_start3A_55 : memref<1x1x40x128xi32, #tpu.memory_space<hbm>> -> memref<40x128xi32, #tpu.memory_space<hbm>>
      %dma_start3A_57 = arith.constant 40 : i32
      %dma_start3A_58 = arith.constant 0 : i32
      %dma_start3A_59 = tpu.memref_slice %arg3[%run_scoped3A_23, %add3A, %dma_start3A_57, %dma_start3A_58] : memref<2x32x80x128xi32, #tpu.memory_space<hbm>> -> memref<1x1x40x128xi32, #tpu.memory_space<hbm>>
      %dma_start3A_60 = tpu.memref_squeeze %dma_start3A_59 : memref<1x1x40x128xi32, #tpu.memory_space<hbm>> -> memref<40x128xi32, #tpu.memory_space<hbm>>
      tpu.enqueue_dma source(%dma_start3A_60 : memref<40x128xi32, #tpu.memory_space<hbm>>) target(%arg9 : memref<40x128xi32, #tpu.memory_space<vmem>>) target_semaphore(%run_scoped3A_52 : memref<!tpu.dma_semaphore, #tpu.memory_space<semaphore_mem>>)
      %dma_wait3A = arith.constant 40 : i32
      %dma_wait3A_61 = arith.constant 0 : i32
      %dma_wait3A_62 = tpu.memref_slice %arg3[%run_scoped3A_23, %add3A, %dma_wait3A, %dma_wait3A_61] : memref<2x32x80x128xi32, #tpu.memory_space<hbm>> -> memref<1x1x40x128xi32, #tpu.memory_space<hbm>>
      %dma_wait3A_63 = tpu.memref_squeeze %dma_wait3A_62 : memref<1x1x40x128xi32, #tpu.memory_space<hbm>> -> memref<40x128xi32, #tpu.memory_space<hbm>>
      %dma_wait3A_64 = arith.constant 40 : i32
      %dma_wait3A_65 = arith.constant 0 : i32
      %dma_wait3A_66 = tpu.memref_slice %arg3[%run_scoped3A_23, %add3A, %dma_wait3A_64, %dma_wait3A_65] : memref<2x32x80x128xi32, #tpu.memory_space<hbm>> -> memref<1x1x40x128xi32, #tpu.memory_space<hbm>>
      %dma_wait3A_67 = tpu.memref_squeeze %dma_wait3A_66 : memref<1x1x40x128xi32, #tpu.memory_space<hbm>> -> memref<40x128xi32, #tpu.memory_space<hbm>>
      tpu.wait_dma2 semaphore(%run_scoped3A_52 : memref<!tpu.dma_semaphore, #tpu.memory_space<semaphore_mem>>) src(%dma_wait3A_67 : memref<40x128xi32, #tpu.memory_space<hbm>>) dst(%arg9 : memref<40x128xi32, #tpu.memory_space<vmem>>)
      tpu.yield
    }) : () -> ()
    %dma_start3A_24 = arith.constant 0 : i32
    %dma_start3A_25 = arith.constant 0 : i32
    %dma_start3A_26 = tpu.memref_slice %arg8[%dma_start3A_24, %dma_start3A_25] : memref<40x128xi32, #tpu.memory_space<vmem>> -> memref<1x128xi32, #tpu.memory_space<vmem>>
    %dma_start3A_27 = tpu.memref_squeeze %dma_start3A_26 : memref<1x128xi32, #tpu.memory_space<vmem>> -> memref<128xi32, #tpu.memory_space<vmem>>
    %dma_start3A_28 = arith.constant 0 : i32
    %dma_start3A_29 = arith.constant 0 : i32
    %dma_start3A_30 = tpu.memref_slice %arg2[%dma_start3A_28, %dma_start3A_29] : memref<10000x128xf32, #tpu.memory_space<hbm>> -> memref<10000x128xf32, #tpu.memory_space<hbm>>
    tpu.enqueue_indirect_dma source(%dma_start3A_30 : memref<10000x128xf32, #tpu.memory_space<hbm>>) target(%arg10 : memref<128x128xf32, #tpu.memory_space<vmem>>) offsets(%dma_start3A_27 : memref<128xi32, #tpu.memory_space<vmem>>) semaphore(%arg12 : memref<!tpu.dma_semaphore, #tpu.memory_space<semaphore_mem>>)
    %dma_start3A_31 = arith.constant 1 : i32
    %dma_start3A_32 = arith.constant 0 : i32
    %dma_start3A_33 = tpu.memref_slice %arg8[%dma_start3A_31, %dma_start3A_32] : memref<40x128xi32, #tpu.memory_space<vmem>> -> memref<1x128xi32, #tpu.memory_space<vmem>>
    %dma_start3A_34 = tpu.memref_squeeze %dma_start3A_33 : memref<1x128xi32, #tpu.memory_space<vmem>> -> memref<128xi32, #tpu.memory_space<vmem>>
    %dma_start3A_35 = arith.constant 0 : i32
    %dma_start3A_36 = arith.constant 0 : i32
    %dma_start3A_37 = tpu.memref_slice %arg2[%dma_start3A_35, %dma_start3A_36] : memref<10000x128xf32, #tpu.memory_space<hbm>> -> memref<10000x128xf32, #tpu.memory_space<hbm>>
    tpu.enqueue_indirect_dma source(%dma_start3A_37 : memref<10000x128xf32, #tpu.memory_space<hbm>>) target(%arg11 : memref<128x128xf32, #tpu.memory_space<vmem>>) offsets(%dma_start3A_34 : memref<128xi32, #tpu.memory_space<vmem>>) semaphore(%arg13 : memref<!tpu.dma_semaphore, #tpu.memory_space<semaphore_mem>>)
    %scan3A_38 = arith.constant 0 : i32
    %scan3A_39 = arith.constant 0 : i32
    %scan3A_40 = arith.constant 20 : i32
    %scan3A_41 = arith.addi %scan3A_39, %scan3A_40 : i32
    %scan3A_42 = arith.constant 1 : i32
    scf.for %scan3A_52 = %scan3A_39 to %scan3A_41 step %scan3A_42  : i32 {
      %mul3A_53 = arith.constant 2 : i32
      %mul3A_54 = arith.muli %mul3A_53, %scan3A_52 : i32
      %dma_wait3A = arith.constant 0 : i32
      %dma_wait3A_55 = tpu.memref_slice %arg8[%mul3A_54, %dma_wait3A] : memref<40x128xi32, #tpu.memory_space<vmem>> -> memref<1x128xi32, #tpu.memory_space<vmem>>
      %dma_wait3A_56 = tpu.memref_squeeze %dma_wait3A_55 : memref<1x128xi32, #tpu.memory_space<vmem>> -> memref<128xi32, #tpu.memory_space<vmem>>
      %dma_wait3A_57 = arith.constant 0 : i32
      %dma_wait3A_58 = arith.constant 0 : i32
      %dma_wait3A_59 = tpu.memref_slice %arg2[%dma_wait3A_57, %dma_wait3A_58] : memref<10000x128xf32, #tpu.memory_space<hbm>> -> memref<10000x128xf32, #tpu.memory_space<hbm>>
      tpu.wait_indirect_dma semaphore(%arg12 : memref<!tpu.dma_semaphore, #tpu.memory_space<semaphore_mem>>) src(%dma_wait3A_59 : memref<10000x128xf32, #tpu.memory_space<hbm>>) dst(%arg10 : memref<128x128xf32, #tpu.memory_space<vmem>>)
      "tpu.region"() ({
        %run_scoped3A_81 = tpu.sem_alloc : memref<!tpu.dma_semaphore, #tpu.memory_space<semaphore_mem>>
        %dma_start3A_82 = arith.constant 0 : i32
        %dma_start3A_83 = tpu.memref_slice %arg9[%mul3A_54, %dma_start3A_82] : memref<40x128xi32, #tpu.memory_space<vmem>> -> memref<1x128xi32, #tpu.memory_space<vmem>>
        %dma_start3A_84 = tpu.memref_squeeze %dma_start3A_83 : memref<1x128xi32, #tpu.memory_space<vmem>> -> memref<128xi32, #tpu.memory_space<vmem>>
        %dma_start3A_85 = arith.constant 0 : i32
        %dma_start3A_86 = arith.constant 0 : i32
        %dma_start3A_87 = tpu.memref_slice %arg7[%dma_start3A_85, %dma_start3A_86] : memref<10240x128xf32, #tpu.memory_space<vmem_shared>> -> memref<10240x128xf32, #tpu.memory_space<vmem_shared>>
        tpu.enqueue_indirect_dma source(%arg10 : memref<128x128xf32, #tpu.memory_space<vmem>>) target(%dma_start3A_87 : memref<10240x128xf32, #tpu.memory_space<vmem_shared>>) offsets(%dma_start3A_84 : memref<128xi32, #tpu.memory_space<vmem>>) semaphore(%run_scoped3A_81 : memref<!tpu.dma_semaphore, #tpu.memory_space<semaphore_mem>>) {add = true}
        %dma_wait3A_88 = arith.constant 0 : i32
        %dma_wait3A_89 = tpu.memref_slice %arg9[%mul3A_54, %dma_wait3A_88] : memref<40x128xi32, #tpu.memory_space<vmem>> -> memref<1x128xi32, #tpu.memory_space<vmem>>
        %dma_wait3A_90 = tpu.memref_squeeze %dma_wait3A_89 : memref<1x128xi32, #tpu.memory_space<vmem>> -> memref<128xi32, #tpu.memory_space<vmem>>
        %dma_wait3A_91 = arith.constant 0 : i32
        %dma_wait3A_92 = arith.constant 0 : i32
        %dma_wait3A_93 = tpu.memref_slice %arg7[%dma_wait3A_91, %dma_wait3A_92] : memref<10240x128xf32, #tpu.memory_space<vmem_shared>> -> memref<10240x128xf32, #tpu.memory_space<vmem_shared>>
        tpu.wait_indirect_dma semaphore(%run_scoped3A_81 : memref<!tpu.dma_semaphore, #tpu.memory_space<semaphore_mem>>) src(%arg10 : memref<128x128xf32, #tpu.memory_space<vmem>>) dst(%dma_wait3A_93 : memref<10240x128xf32, #tpu.memory_space<vmem_shared>>)
        tpu.yield
      }) : () -> ()
      %add3A_60 = arith.constant 2 : i32
      %add3A_61 = arith.addi %mul3A_54, %add3A_60 : i32
      %lt3A = arith.constant 40 : i32
      %lt3A_62 = arith.cmpi slt, %add3A_61, %lt3A : i32
      %convert_element_type3A_63 = arith.extui %lt3A_62 : i1 to i32
      %cond3A_64 = arith.constant 0 : i32
      %cond3A_65 = arith.cmpi ne, %convert_element_type3A_63, %cond3A_64 : i32
      scf.if %cond3A_65 {
        %add3A_81 = arith.constant 2 : i32
        %add3A_82 = arith.addi %mul3A_54, %add3A_81 : i32
        %dma_start3A_83 = arith.constant 0 : i32
        %dma_start3A_84 = tpu.memref_slice %arg8[%add3A_82, %dma_start3A_83] : memref<40x128xi32, #tpu.memory_space<vmem>> -> memref<1x128xi32, #tpu.memory_space<vmem>>
        %dma_start3A_85 = tpu.memref_squeeze %dma_start3A_84 : memref<1x128xi32, #tpu.memory_space<vmem>> -> memref<128xi32, #tpu.memory_space<vmem>>
        %dma_start3A_86 = arith.constant 0 : i32
        %dma_start3A_87 = arith.constant 0 : i32
        %dma_start3A_88 = tpu.memref_slice %arg2[%dma_start3A_86, %dma_start3A_87] : memref<10000x128xf32, #tpu.memory_space<hbm>> -> memref<10000x128xf32, #tpu.memory_space<hbm>>
        tpu.enqueue_indirect_dma source(%dma_start3A_88 : memref<10000x128xf32, #tpu.memory_space<hbm>>) target(%arg10 : memref<128x128xf32, #tpu.memory_space<vmem>>) offsets(%dma_start3A_85 : memref<128xi32, #tpu.memory_space<vmem>>) semaphore(%arg12 : memref<!tpu.dma_semaphore, #tpu.memory_space<semaphore_mem>>)
      } else {
      }
      %add3A_66 = arith.constant 1 : i32
      %add3A_67 = arith.addi %mul3A_54, %add3A_66 : i32
      %dma_wait3A_68 = arith.constant 0 : i32
      %dma_wait3A_69 = tpu.memref_slice %arg8[%add3A_67, %dma_wait3A_68] : memref<40x128xi32, #tpu.memory_space<vmem>> -> memref<1x128xi32, #tpu.memory_space<vmem>>
      %dma_wait3A_70 = tpu.memref_squeeze %dma_wait3A_69 : memref<1x128xi32, #tpu.memory_space<vmem>> -> memref<128xi32, #tpu.memory_space<vmem>>
      %dma_wait3A_71 = arith.constant 0 : i32
      %dma_wait3A_72 = arith.constant 0 : i32
      %dma_wait3A_73 = tpu.memref_slice %arg2[%dma_wait3A_71, %dma_wait3A_72] : memref<10000x128xf32, #tpu.memory_space<hbm>> -> memref<10000x128xf32, #tpu.memory_space<hbm>>
      tpu.wait_indirect_dma semaphore(%arg13 : memref<!tpu.dma_semaphore, #tpu.memory_space<semaphore_mem>>) src(%dma_wait3A_73 : memref<10000x128xf32, #tpu.memory_space<hbm>>) dst(%arg11 : memref<128x128xf32, #tpu.memory_space<vmem>>)
      "tpu.region"() ({
        %run_scoped3A_81 = tpu.sem_alloc : memref<!tpu.dma_semaphore, #tpu.memory_space<semaphore_mem>>
        %dma_start3A_82 = arith.constant 0 : i32
        %dma_start3A_83 = tpu.memref_slice %arg9[%add3A_67, %dma_start3A_82] : memref<40x128xi32, #tpu.memory_space<vmem>> -> memref<1x128xi32, #tpu.memory_space<vmem>>
        %dma_start3A_84 = tpu.memref_squeeze %dma_start3A_83 : memref<1x128xi32, #tpu.memory_space<vmem>> -> memref<128xi32, #tpu.memory_space<vmem>>
        %dma_start3A_85 = arith.constant 0 : i32
        %dma_start3A_86 = arith.constant 0 : i32
        %dma_start3A_87 = tpu.memref_slice %arg7[%dma_start3A_85, %dma_start3A_86] : memref<10240x128xf32, #tpu.memory_space<vmem_shared>> -> memref<10240x128xf32, #tpu.memory_space<vmem_shared>>
        tpu.enqueue_indirect_dma source(%arg11 : memref<128x128xf32, #tpu.memory_space<vmem>>) target(%dma_start3A_87 : memref<10240x128xf32, #tpu.memory_space<vmem_shared>>) offsets(%dma_start3A_84 : memref<128xi32, #tpu.memory_space<vmem>>) semaphore(%run_scoped3A_81 : memref<!tpu.dma_semaphore, #tpu.memory_space<semaphore_mem>>) {add = true}
        %dma_wait3A_88 = arith.constant 0 : i32
        %dma_wait3A_89 = tpu.memref_slice %arg9[%add3A_67, %dma_wait3A_88] : memref<40x128xi32, #tpu.memory_space<vmem>> -> memref<1x128xi32, #tpu.memory_space<vmem>>
        %dma_wait3A_90 = tpu.memref_squeeze %dma_wait3A_89 : memref<1x128xi32, #tpu.memory_space<vmem>> -> memref<128xi32, #tpu.memory_space<vmem>>
        %dma_wait3A_91 = arith.constant 0 : i32
        %dma_wait3A_92 = arith.constant 0 : i32
        %dma_wait3A_93 = tpu.memref_slice %arg7[%dma_wait3A_91, %dma_wait3A_92] : memref<10240x128xf32, #tpu.memory_space<vmem_shared>> -> memref<10240x128xf32, #tpu.memory_space<vmem_shared>>
        tpu.wait_indirect_dma semaphore(%run_scoped3A_81 : memref<!tpu.dma_semaphore, #tpu.memory_space<semaphore_mem>>) src(%arg11 : memref<128x128xf32, #tpu.memory_space<vmem>>) dst(%dma_wait3A_93 : memref<10240x128xf32, #tpu.memory_space<vmem_shared>>)
        tpu.yield
      }) : () -> ()
      %add3A_74 = arith.constant 2 : i32
      %add3A_75 = arith.addi %add3A_67, %add3A_74 : i32
      %lt3A_76 = arith.constant 40 : i32
      %lt3A_77 = arith.cmpi slt, %add3A_75, %lt3A_76 : i32
      %convert_element_type3A_78 = arith.extui %lt3A_77 : i1 to i32
      %cond3A_79 = arith.constant 0 : i32
      %cond3A_80 = arith.cmpi ne, %convert_element_type3A_78, %cond3A_79 : i32
      scf.if %cond3A_80 {
        %add3A_81 = arith.constant 2 : i32
        %add3A_82 = arith.addi %add3A_67, %add3A_81 : i32
        %dma_start3A_83 = arith.constant 0 : i32
        %dma_start3A_84 = tpu.memref_slice %arg8[%add3A_82, %dma_start3A_83] : memref<40x128xi32, #tpu.memory_space<vmem>> -> memref<1x128xi32, #tpu.memory_space<vmem>>
        %dma_start3A_85 = tpu.memref_squeeze %dma_start3A_84 : memref<1x128xi32, #tpu.memory_space<vmem>> -> memref<128xi32, #tpu.memory_space<vmem>>
        %dma_start3A_86 = arith.constant 0 : i32
        %dma_start3A_87 = arith.constant 0 : i32
        %dma_start3A_88 = tpu.memref_slice %arg2[%dma_start3A_86, %dma_start3A_87] : memref<10000x128xf32, #tpu.memory_space<hbm>> -> memref<10000x128xf32, #tpu.memory_space<hbm>>
        tpu.enqueue_indirect_dma source(%dma_start3A_88 : memref<10000x128xf32, #tpu.memory_space<hbm>>) target(%arg11 : memref<128x128xf32, #tpu.memory_space<vmem>>) offsets(%dma_start3A_85 : memref<128xi32, #tpu.memory_space<vmem>>) semaphore(%arg13 : memref<!tpu.dma_semaphore, #tpu.memory_space<semaphore_mem>>)
      } else {
      }
    }
    %scan3A_43 = arith.constant 20 : i32
    %barrier3A_44 = arith.constant 0 : index
    tpu.barrier barrier_id(%barrier3A_44)
    %eq3A = arith.constant 0 : i32
    %eq3A_45 = arith.cmpi eq, %arg0, %eq3A : i32
    %convert_element_type3A = arith.extui %eq3A_45 : i1 to i32
    %cond3A = arith.constant 0 : i32
    %cond3A_46 = arith.cmpi ne, %convert_element_type3A, %cond3A : i32
    scf.if %cond3A_46 {
      "tpu.region"() ({
        %run_scoped3A_52 = tpu.sem_alloc : memref<!tpu.dma_semaphore, #tpu.memory_space<semaphore_mem>>
        %dma_start3A_53 = arith.constant 0 : i32
        %dma_start3A_54 = tpu.memref_slice %arg5[%mul3A_2, %dma_start3A_53] : memref<10240x128xf32, #tpu.memory_space<hbm>> -> memref<640x128xf32, #tpu.memory_space<hbm>>
        %dma_start3A_55 = arith.constant 0 : i32
        %dma_start3A_56 = tpu.memref_slice %arg7[%mul3A_2, %dma_start3A_55] : memref<10240x128xf32, #tpu.memory_space<vmem_shared>> -> memref<640x128xf32, #tpu.memory_space<vmem_shared>>
        tpu.enqueue_dma source(%dma_start3A_56 : memref<640x128xf32, #tpu.memory_space<vmem_shared>>) target(%dma_start3A_54 : memref<640x128xf32, #tpu.memory_space<hbm>>) target_semaphore(%run_scoped3A_52 : memref<!tpu.dma_semaphore, #tpu.memory_space<semaphore_mem>>)
        %dma_wait3A = arith.constant 0 : i32
        %dma_wait3A_57 = tpu.memref_slice %arg5[%mul3A_2, %dma_wait3A] : memref<10240x128xf32, #tpu.memory_space<hbm>> -> memref<640x128xf32, #tpu.memory_space<hbm>>
        %dma_wait3A_58 = arith.constant 0 : i32
        %dma_wait3A_59 = tpu.memref_slice %arg7[%mul3A_2, %dma_wait3A_58] : memref<10240x128xf32, #tpu.memory_space<vmem_shared>> -> memref<640x128xf32, #tpu.memory_space<vmem_shared>>
        tpu.wait_dma2 semaphore(%run_scoped3A_52 : memref<!tpu.dma_semaphore, #tpu.memory_space<semaphore_mem>>) src(%dma_wait3A_59 : memref<640x128xf32, #tpu.memory_space<vmem_shared>>) dst(%dma_wait3A_57 : memref<640x128xf32, #tpu.memory_space<hbm>>)
        tpu.yield
      }) : () -> ()
    } else {
    }
    %eq3A_47 = arith.constant 1 : i32
    %eq3A_48 = arith.cmpi eq, %arg0, %eq3A_47 : i32
    %convert_element_type3A_49 = arith.extui %eq3A_48 : i1 to i32
    %cond3A_50 = arith.constant 0 : i32
    %cond3A_51 = arith.cmpi ne, %convert_element_type3A_49, %cond3A_50 : i32
    scf.if %cond3A_51 {
      "tpu.region"() ({
        %run_scoped3A_52 = tpu.sem_alloc : memref<!tpu.dma_semaphore, #tpu.memory_space<semaphore_mem>>
        %dma_start3A_53 = arith.constant 0 : i32
        %dma_start3A_54 = tpu.memref_slice %arg6[%mul3A_2, %dma_start3A_53] : memref<10240x128xf32, #tpu.memory_space<hbm>> -> memref<640x128xf32, #tpu.memory_space<hbm>>
        %dma_start3A_55 = arith.constant 0 : i32
        %dma_start3A_56 = tpu.memref_slice %arg7[%mul3A_2, %dma_start3A_55] : memref<10240x128xf32, #tpu.memory_space<vmem_shared>> -> memref<640x128xf32, #tpu.memory_space<vmem_shared>>
        tpu.enqueue_dma source(%dma_start3A_56 : memref<640x128xf32, #tpu.memory_space<vmem_shared>>) target(%dma_start3A_54 : memref<640x128xf32, #tpu.memory_space<hbm>>) target_semaphore(%run_scoped3A_52 : memref<!tpu.dma_semaphore, #tpu.memory_space<semaphore_mem>>)
        %dma_wait3A = arith.constant 0 : i32
        %dma_wait3A_57 = tpu.memref_slice %arg6[%mul3A_2, %dma_wait3A] : memref<10240x128xf32, #tpu.memory_space<hbm>> -> memref<640x128xf32, #tpu.memory_space<hbm>>
        %dma_wait3A_58 = arith.constant 0 : i32
        %dma_wait3A_59 = tpu.memref_slice %arg7[%mul3A_2, %dma_wait3A_58] : memref<10240x128xf32, #tpu.memory_space<vmem_shared>> -> memref<640x128xf32, #tpu.memory_space<vmem_shared>>
        tpu.wait_dma2 semaphore(%run_scoped3A_52 : memref<!tpu.dma_semaphore, #tpu.memory_space<semaphore_mem>>) src(%dma_wait3A_59 : memref<640x128xf32, #tpu.memory_space<vmem_shared>>) dst(%dma_wait3A_57 : memref<640x128xf32, #tpu.memory_space<hbm>>)
        tpu.yield
      }) : () -> ()
    } else {
    }
    return
  }
}

module attributes {stable_mosaic.version = 14 : i64} {
  func.func @body(%arg0: i32, %arg1: memref<2000x128xf32, #tpu.memory_space<vmem>>, %arg2: memref<2000x128xf32, #tpu.memory_space<vmem>>, %arg3: memref<2000x128xf32, #tpu.memory_space<vmem>>, %arg4: memref<128x128xf32, #tpu.memory_space<vmem>>, %arg5: memref<1x128xf32, #tpu.memory_space<vmem>>, %arg6: memref<128x128xf32, #tpu.memory_space<vmem>>, %arg7: memref<1x128xf32, #tpu.memory_space<vmem>>, %arg8: memref<2000x128xf32, #tpu.memory_space<vmem>>) attributes {dimension_semantics = [#tpu.dimension_semantics<arbitrary>], iteration_bounds = array<i64: 5>, scalar_prefetch = 0 : i64, scratch_operands = 0 : i64, tpu.core_type = #tpu.core_type<tc>, window_params = [{transform_indices = @transform_0, window_bounds = array<i64: 2000, 128>}, {transform_indices = @transform_1, window_bounds = array<i64: 2000, 128>}, {transform_indices = @transform_2, window_bounds = array<i64: 2000, 128>}, {pipeline_mode = #tpu.pipeline_mode<synchronous>, transform_indices = @transform_3, window_bounds = array<i64: 128, 128>}, {pipeline_mode = #tpu.pipeline_mode<synchronous>, transform_indices = @transform_4, window_bounds = array<i64: 1, 128>}, {pipeline_mode = #tpu.pipeline_mode<synchronous>, transform_indices = @transform_5, window_bounds = array<i64: 128, 128>}, {pipeline_mode = #tpu.pipeline_mode<synchronous>, transform_indices = @transform_6, window_bounds = array<i64: 1, 128>}, {transform_indices = @transform_7, window_bounds = array<i64: 2000, 128>}]} {
    %get3A = arith.constant 0 : index
    %get3A_0 = arith.constant 0 : index
    %get3A_1 = vector.load %arg1[%get3A, %get3A_0] : memref<2000x128xf32, #tpu.memory_space<vmem>>, vector<2000x128xf32>
    %get3A_2 = arith.constant 0 : index
    %get3A_3 = arith.constant 0 : index
    %get3A_4 = vector.load %arg2[%get3A_2, %get3A_3] : memref<2000x128xf32, #tpu.memory_space<vmem>>, vector<2000x128xf32>
    %add3A = arith.addf %get3A_1, %get3A_4 : vector<2000x128xf32>
    %get3A_5 = arith.constant 0 : index
    %get3A_6 = arith.constant 0 : index
    %get3A_7 = vector.load %arg3[%get3A_5, %get3A_6] : memref<2000x128xf32, #tpu.memory_space<vmem>>, vector<2000x128xf32>
    %add3A_8 = arith.addf %add3A, %get3A_7 : vector<2000x128xf32>
    %get3A_9 = arith.constant 0 : index
    %get3A_10 = arith.constant 0 : index
    %get3A_11 = vector.load %arg4[%get3A_9, %get3A_10] : memref<128x128xf32, #tpu.memory_space<vmem>>, vector<128x128xf32>
    %dot_general3A = arith.constant dense<0.000000e+00> : vector<2000x128xf32>
    %dot_general3A_12 = tpu.matmul %add3A_8, %get3A_11, %dot_general3A {dimension_numbers = #tpu.dot_dimension_numbers<[1], [0], [0], [1], [0, 0, 1, 1], [], []>, transpose_lhs_hint = false} : vector<2000x128xf32>, vector<128x128xf32>, vector<2000x128xf32> -> vector<2000x128xf32>
    %get3A_13 = arith.constant 0 : index
    %get3A_14 = arith.constant 0 : index
    %get3A_15 = vector.load %arg5[%get3A_13, %get3A_14] : memref<1x128xf32, #tpu.memory_space<vmem>>, vector<1x128xf32>
    %add3A_16 = vector.broadcast %get3A_15 : vector<1x128xf32> to vector<2000x128xf32>
    %add3A_17 = arith.addf %dot_general3A_12, %add3A_16 : vector<2000x128xf32>
    %max3A = arith.constant 0.000000e+00 : f32
    %max3A_18 = vector.broadcast %max3A : f32 to vector<2000x128xf32>
    %max3A_19 = arith.maximumf %add3A_17, %max3A_18 : vector<2000x128xf32>
    %get3A_20 = arith.constant 0 : index
    %get3A_21 = arith.constant 0 : index
    %get3A_22 = vector.load %arg6[%get3A_20, %get3A_21] : memref<128x128xf32, #tpu.memory_space<vmem>>, vector<128x128xf32>
    %dot_general3A_23 = arith.constant dense<0.000000e+00> : vector<2000x128xf32>
    %dot_general3A_24 = tpu.matmul %max3A_19, %get3A_22, %dot_general3A_23 {dimension_numbers = #tpu.dot_dimension_numbers<[1], [0], [0], [1], [0, 0, 1, 1], [], []>, transpose_lhs_hint = false} : vector<2000x128xf32>, vector<128x128xf32>, vector<2000x128xf32> -> vector<2000x128xf32>
    %get3A_25 = arith.constant 0 : index
    %get3A_26 = arith.constant 0 : index
    %get3A_27 = vector.load %arg7[%get3A_25, %get3A_26] : memref<1x128xf32, #tpu.memory_space<vmem>>, vector<1x128xf32>
    %add3A_28 = vector.broadcast %get3A_27 : vector<1x128xf32> to vector<2000x128xf32>
    %add3A_29 = arith.addf %dot_general3A_24, %add3A_28 : vector<2000x128xf32>
    %max3A_30 = arith.constant 0.000000e+00 : f32
    %max3A_31 = vector.broadcast %max3A_30 : f32 to vector<2000x128xf32>
    %max3A_32 = arith.maximumf %add3A_29, %max3A_31 : vector<2000x128xf32>
    %swap3A = arith.constant 0 : index
    %swap3A_33 = arith.constant 0 : index
    %swap3A_34 = vector.load %arg8[%swap3A, %swap3A_33] : memref<2000x128xf32, #tpu.memory_space<vmem>>, vector<2000x128xf32>
    tpu.vector_store %arg8[%swap3A, %swap3A_33], %max3A_32 {strides = array<i32>} : memref<2000x128xf32, #tpu.memory_space<vmem>>, vector<2000x128xf32>,
    return
  }
  func.func @transform_0(%arg0: i32) -> (i32, i32) {
    %c0_i32 = arith.constant 0 : i32
    %c0_i32_0 = arith.constant 0 : i32
    return %arg0, %c0_i32 : i32, i32
  }
  func.func @transform_1(%arg0: i32) -> (i32, i32) {
    %c0_i32 = arith.constant 0 : i32
    %c0_i32_0 = arith.constant 0 : i32
    return %arg0, %c0_i32 : i32, i32
  }
  func.func @transform_2(%arg0: i32) -> (i32, i32) {
    %c0_i32 = arith.constant 0 : i32
    %c0_i32_0 = arith.constant 0 : i32
    return %arg0, %c0_i32 : i32, i32
  }
  func.func @transform_3(%arg0: i32) -> (i32, i32) {
    %c0_i32 = arith.constant 0 : i32
    %c0_i32_0 = arith.constant 0 : i32
    %c0_i32_1 = arith.constant 0 : i32
    return %c0_i32, %c0_i32_0 : i32, i32
  }
  func.func @transform_4(%arg0: i32) -> (i32, i32) {
    %c0_i32 = arith.constant 0 : i32
    %c0_i32_0 = arith.constant 0 : i32
    %c0_i32_1 = arith.constant 0 : i32
    return %c0_i32, %c0_i32_0 : i32, i32
  }
  func.func @transform_5(%arg0: i32) -> (i32, i32) {
    %c0_i32 = arith.constant 0 : i32
    %c0_i32_0 = arith.constant 0 : i32
    %c0_i32_1 = arith.constant 0 : i32
    return %c0_i32, %c0_i32_0 : i32, i32
  }
  func.func @transform_6(%arg0: i32) -> (i32, i32) {
    %c0_i32 = arith.constant 0 : i32
    %c0_i32_0 = arith.constant 0 : i32
    %c0_i32_1 = arith.constant 0 : i32
    return %c0_i32, %c0_i32_0 : i32, i32
  }
  func.func @transform_7(%arg0: i32) -> (i32, i32) {
    %c0_i32 = arith.constant 0 : i32
    %c0_i32_0 = arith.constant 0 : i32
    return %arg0, %c0_i32 : i32, i32
  }
}

module attributes {stable_mosaic.version = 14 : i64} {
  func.func @body(%arg0: i32, %arg1: memref<2560x128xf32, #tpu.memory_space<vmem>>, %arg2: memref<2560x128xf32, #tpu.memory_space<vmem>>, %arg3: memref<2560x128xf32, #tpu.memory_space<vmem>>, %arg4: memref<128x128xf32, #tpu.memory_space<vmem>>, %arg5: memref<1x128xf32, #tpu.memory_space<vmem>>, %arg6: memref<128x128xf32, #tpu.memory_space<vmem>>, %arg7: memref<1x128xf32, #tpu.memory_space<vmem>>, %arg8: memref<1x20x128xi32, #tpu.memory_space<vmem>>, %arg9: memref<128x128xf32, #tpu.memory_space<vmem>>, %arg10: memref<1x128xf32, #tpu.memory_space<vmem>>, %arg11: memref<128x128xf32, #tpu.memory_space<vmem>>, %arg12: memref<1x128xf32, #tpu.memory_space<vmem>>, %arg13: memref<128x128xf32, #tpu.memory_space<vmem>>, %arg14: memref<1x128xf32, #tpu.memory_space<vmem>>, %arg15: memref<128x128xf32, #tpu.memory_space<vmem>>, %arg16: memref<128x128xf32, #tpu.memory_space<vmem>>, %arg17: memref<128x128xf32, #tpu.memory_space<vmem>>) attributes {dimension_semantics = [#tpu.dimension_semantics<arbitrary>], iteration_bounds = array<i64: 4>, scalar_prefetch = 0 : i64, scratch_operands = 0 : i64, tpu.core_type = #tpu.core_type<tc>, window_params = [{transform_indices = @transform_0, window_bounds = array<i64: 2560, 128>}, {transform_indices = @transform_1, window_bounds = array<i64: 2560, 128>}, {transform_indices = @transform_2, window_bounds = array<i64: 2560, 128>}, {pipeline_mode = #tpu.pipeline_mode<synchronous>, transform_indices = @transform_3, window_bounds = array<i64: 128, 128>}, {pipeline_mode = #tpu.pipeline_mode<synchronous>, transform_indices = @transform_4, window_bounds = array<i64: 1, 128>}, {pipeline_mode = #tpu.pipeline_mode<synchronous>, transform_indices = @transform_5, window_bounds = array<i64: 128, 128>}, {pipeline_mode = #tpu.pipeline_mode<synchronous>, transform_indices = @transform_6, window_bounds = array<i64: 1, 128>}, {transform_indices = @transform_7, window_bounds = array<i64: 1, 20, 128>}, {pipeline_mode = #tpu.pipeline_mode<synchronous>, transform_indices = @transform_8, window_bounds = array<i64: 128, 128>}, {pipeline_mode = #tpu.pipeline_mode<synchronous>, transform_indices = @transform_9, window_bounds = array<i64: 1, 128>}, {pipeline_mode = #tpu.pipeline_mode<synchronous>, transform_indices = @transform_10, window_bounds = array<i64: 128, 128>}, {pipeline_mode = #tpu.pipeline_mode<synchronous>, transform_indices = @transform_11, window_bounds = array<i64: 1, 128>}, {pipeline_mode = #tpu.pipeline_mode<synchronous>, transform_indices = @transform_12, window_bounds = array<i64: 128, 128>}, {pipeline_mode = #tpu.pipeline_mode<synchronous>, transform_indices = @transform_13, window_bounds = array<i64: 1, 128>}, {pipeline_mode = #tpu.pipeline_mode<synchronous>, transform_indices = @transform_14, window_bounds = array<i64: 128, 128>}, {pipeline_mode = #tpu.pipeline_mode<synchronous>, transform_indices = @transform_15, window_bounds = array<i64: 128, 128>}, {pipeline_mode = #tpu.pipeline_mode<synchronous>, transform_indices = @transform_16, window_bounds = array<i64: 128, 128>}]} {
    %get3A = arith.constant 0 : index
    %get3A_0 = arith.constant 0 : index
    %get3A_1 = vector.load %arg1[%get3A, %get3A_0] : memref<2560x128xf32, #tpu.memory_space<vmem>>, vector<2560x128xf32>
    %get3A_2 = arith.constant 0 : index
    %get3A_3 = arith.constant 0 : index
    %get3A_4 = vector.load %arg2[%get3A_2, %get3A_3] : memref<2560x128xf32, #tpu.memory_space<vmem>>, vector<2560x128xf32>
    %add3A = arith.addf %get3A_1, %get3A_4 : vector<2560x128xf32>
    %get3A_5 = arith.constant 0 : index
    %get3A_6 = arith.constant 0 : index
    %get3A_7 = vector.load %arg3[%get3A_5, %get3A_6] : memref<2560x128xf32, #tpu.memory_space<vmem>>, vector<2560x128xf32>
    %add3A_8 = arith.addf %add3A, %get3A_7 : vector<2560x128xf32>
    %get3A_9 = arith.constant 0 : index
    %get3A_10 = arith.constant 0 : index
    %get3A_11 = vector.load %arg4[%get3A_9, %get3A_10] : memref<128x128xf32, #tpu.memory_space<vmem>>, vector<128x128xf32>
    %dot_general3A = arith.constant dense<0.000000e+00> : vector<2560x128xf32>
    %dot_general3A_12 = tpu.matmul %add3A_8, %get3A_11, %dot_general3A {dimension_numbers = #tpu.dot_dimension_numbers<[1], [0], [0], [1], [0, 0, 1, 1], [], []>, transpose_lhs_hint = false} : vector<2560x128xf32>, vector<128x128xf32>, vector<2560x128xf32> -> vector<2560x128xf32>
    %get3A_13 = arith.constant 0 : index
    %get3A_14 = arith.constant 0 : index
    %get3A_15 = vector.load %arg5[%get3A_13, %get3A_14] : memref<1x128xf32, #tpu.memory_space<vmem>>, vector<1x128xf32>
    %add3A_16 = vector.broadcast %get3A_15 : vector<1x128xf32> to vector<2560x128xf32>
    %add3A_17 = arith.addf %dot_general3A_12, %add3A_16 : vector<2560x128xf32>
    %max3A = arith.constant 0.000000e+00 : f32
    %max3A_18 = vector.broadcast %max3A : f32 to vector<2560x128xf32>
    %max3A_19 = arith.maximumf %add3A_17, %max3A_18 : vector<2560x128xf32>
    %get3A_20 = arith.constant 0 : index
    %get3A_21 = arith.constant 0 : index
    %get3A_22 = vector.load %arg6[%get3A_20, %get3A_21] : memref<128x128xf32, #tpu.memory_space<vmem>>, vector<128x128xf32>
    %dot_general3A_23 = arith.constant dense<0.000000e+00> : vector<2560x128xf32>
    %dot_general3A_24 = tpu.matmul %max3A_19, %get3A_22, %dot_general3A_23 {dimension_numbers = #tpu.dot_dimension_numbers<[1], [0], [0], [1], [0, 0, 1, 1], [], []>, transpose_lhs_hint = false} : vector<2560x128xf32>, vector<128x128xf32>, vector<2560x128xf32> -> vector<2560x128xf32>
    %get3A_25 = arith.constant 0 : index
    %get3A_26 = arith.constant 0 : index
    %get3A_27 = vector.load %arg7[%get3A_25, %get3A_26] : memref<1x128xf32, #tpu.memory_space<vmem>>, vector<1x128xf32>
    %add3A_28 = vector.broadcast %get3A_27 : vector<1x128xf32> to vector<2560x128xf32>
    %add3A_29 = arith.addf %dot_general3A_24, %add3A_28 : vector<2560x128xf32>
    %max3A_30 = arith.constant 0.000000e+00 : f32
    %max3A_31 = vector.broadcast %max3A_30 : f32 to vector<2560x128xf32>
    %max3A_32 = arith.maximumf %add3A_29, %max3A_31 : vector<2560x128xf32>
    %mul3A = arith.constant 2560 : i32
    %mul3A_33 = arith.muli %arg0, %mul3A : i32
    %iota3A = tpu.iota {dimensions = array<i32: 0>} : vector<2560x1xi32>
    %add3A_34 = vector.broadcast %mul3A_33 : i32 to vector<2560x1xi32>
    %add3A_35 = arith.addi %add3A_34, %iota3A : vector<2560x1xi32>
    %lt3A = arith.constant 10000 : i32
    %lt3A_36 = vector.broadcast %lt3A : i32 to vector<2560x1xi32>
    %lt3A_37 = arith.cmpi slt, %add3A_35, %lt3A_36 : vector<2560x1xi32>
    %jit3A = arith.constant 0.000000e+00 : f32
    %broadcast_in_dim3A = vector.shape_cast %lt3A_37 : vector<2560x1xi1> to vector<2560x1xi1>
    %broadcast_in_dim3A_38 = vector.broadcast %broadcast_in_dim3A : vector<2560x1xi1> to vector<2560x128xi1>
    %broadcast_in_dim3A_39 = vector.broadcast %jit3A : f32 to vector<2560x128xf32>
    %select_n3A = arith.select %broadcast_in_dim3A_38, %max3A_32, %broadcast_in_dim3A_39 : vector<2560x128xi1>, vector<2560x128xf32>
    %get3A_40 = arith.constant 0 : index
    %get3A_41 = arith.constant 0 : index
    %get3A_42 = arith.constant 0 : index
    %get3A_43 = vector.load %arg8[%get3A_40, %get3A_41, %get3A_42] : memref<1x20x128xi32, #tpu.memory_space<vmem>>, vector<1x20x128xi32>
    %get3A_44 = vector.shape_cast %get3A_43 : vector<1x20x128xi32> to vector<20x128xi32>
    %broadcast_in_dim3A_45 = vector.shape_cast %get3A_44 : vector<20x128xi32> to vector<20x128x1xi32>
    %iota3A_46 = tpu.iota {dimensions = array<i32: 2>} : vector<1x1x128xi32>
    %eq3A = vector.broadcast %broadcast_in_dim3A_45 : vector<20x128x1xi32> to vector<20x128x128xi32>
    %eq3A_47 = vector.broadcast %iota3A_46 : vector<1x1x128xi32> to vector<20x128x128xi32>
    %eq3A_48 = arith.cmpi eq, %eq3A, %eq3A_47 : vector<20x128x128xi32>
    %convert_element_type3A = arith.extui %eq3A_48 : vector<20x128x128xi1> to vector<20x128x128xi32>
    %convert_element_type3A_49 = arith.sitofp %convert_element_type3A : vector<20x128x128xi32> to vector<20x128x128xf32>
    %reshape3A = vector.shape_cast %convert_element_type3A_49 : vector<20x128x128xf32> to vector<2560x128xf32>
    %dot_general3A_50 = arith.constant dense<0.000000e+00> : vector<128x128xf32>
    %dot_general3A_51 = tpu.matmul %reshape3A, %select_n3A, %dot_general3A_50 {dimension_numbers = #tpu.dot_dimension_numbers<[0], [0], [1], [1], [0, 1, 1, 1], [], []>, transpose_lhs_hint = false} : vector<2560x128xf32>, vector<2560x128xf32>, vector<128x128xf32> -> vector<128x128xf32>
    %eq3A_52 = arith.constant 0 : i32
    %eq3A_53 = arith.cmpi eq, %arg0, %eq3A_52 : i32
    %convert_element_type3A_54 = arith.extui %eq3A_53 : i1 to i32
    %cond3A = arith.constant 0 : i32
    %cond3A_55 = arith.cmpi ne, %convert_element_type3A_54, %cond3A : i32
    scf.if %cond3A_55 {
      %swap3A = arith.constant 0 : index
      %swap3A_65 = arith.constant 0 : index
      %swap3A_66 = vector.load %arg15[%swap3A, %swap3A_65] : memref<128x128xf32, #tpu.memory_space<vmem>>, vector<128x128xf32>
      tpu.vector_store %arg15[%swap3A, %swap3A_65], %dot_general3A_51 {strides = array<i32>} : memref<128x128xf32, #tpu.memory_space<vmem>>, vector<128x128xf32>,
    } else {
    }
    %gt3A = arith.constant 0 : i32
    %gt3A_56 = arith.cmpi sgt, %arg0, %gt3A : i32
    %convert_element_type3A_57 = arith.extui %gt3A_56 : i1 to i32
    %cond3A_58 = arith.constant 0 : i32
    %cond3A_59 = arith.cmpi ne, %convert_element_type3A_57, %cond3A_58 : i32
    scf.if %cond3A_59 {
      %get3A_65 = arith.constant 0 : index
      %get3A_66 = arith.constant 0 : index
      %get3A_67 = vector.load %arg15[%get3A_65, %get3A_66] : memref<128x128xf32, #tpu.memory_space<vmem>>, vector<128x128xf32>
      %add3A_68 = arith.addf %get3A_67, %dot_general3A_51 : vector<128x128xf32>
      %swap3A = arith.constant 0 : index
      %swap3A_69 = arith.constant 0 : index
      %swap3A_70 = vector.load %arg15[%swap3A, %swap3A_69] : memref<128x128xf32, #tpu.memory_space<vmem>>, vector<128x128xf32>
      tpu.vector_store %arg15[%swap3A, %swap3A_69], %add3A_68 {strides = array<i32>} : memref<128x128xf32, #tpu.memory_space<vmem>>, vector<128x128xf32>,
    } else {
    }
    %eq3A_60 = arith.constant 3 : i32
    %eq3A_61 = arith.cmpi eq, %arg0, %eq3A_60 : i32
    %convert_element_type3A_62 = arith.extui %eq3A_61 : i1 to i32
    %cond3A_63 = arith.constant 0 : i32
    %cond3A_64 = arith.cmpi ne, %convert_element_type3A_62, %cond3A_63 : i32
    scf.if %cond3A_64 {
      %get3A_65 = arith.constant 0 : index
      %get3A_66 = arith.constant 0 : index
      %get3A_67 = vector.load %arg15[%get3A_65, %get3A_66] : memref<128x128xf32, #tpu.memory_space<vmem>>, vector<128x128xf32>
      %get3A_68 = arith.constant 0 : index
      %get3A_69 = arith.constant 0 : index
      %get3A_70 = vector.load %arg9[%get3A_68, %get3A_69] : memref<128x128xf32, #tpu.memory_space<vmem>>, vector<128x128xf32>
      %dot_general3A_71 = arith.constant dense<0.000000e+00> : vector<128x128xf32>
      %dot_general3A_72 = tpu.matmul %get3A_67, %get3A_70, %dot_general3A_71 {dimension_numbers = #tpu.dot_dimension_numbers<[1], [0], [0], [1], [0, 0, 1, 1], [], []>, transpose_lhs_hint = false} : vector<128x128xf32>, vector<128x128xf32>, vector<128x128xf32> -> vector<128x128xf32>
      %get3A_73 = arith.constant 0 : index
      %get3A_74 = arith.constant 0 : index
      %get3A_75 = vector.load %arg10[%get3A_73, %get3A_74] : memref<1x128xf32, #tpu.memory_space<vmem>>, vector<1x128xf32>
      %add3A_76 = vector.broadcast %get3A_75 : vector<1x128xf32> to vector<128x128xf32>
      %add3A_77 = arith.addf %dot_general3A_72, %add3A_76 : vector<128x128xf32>
      %max3A_78 = arith.constant 0.000000e+00 : f32
      %max3A_79 = vector.broadcast %max3A_78 : f32 to vector<128x128xf32>
      %max3A_80 = arith.maximumf %add3A_77, %max3A_79 : vector<128x128xf32>
      %get3A_81 = arith.constant 0 : index
      %get3A_82 = arith.constant 0 : index
      %get3A_83 = vector.load %arg11[%get3A_81, %get3A_82] : memref<128x128xf32, #tpu.memory_space<vmem>>, vector<128x128xf32>
      %dot_general3A_84 = arith.constant dense<0.000000e+00> : vector<128x128xf32>
      %dot_general3A_85 = tpu.matmul %max3A_80, %get3A_83, %dot_general3A_84 {dimension_numbers = #tpu.dot_dimension_numbers<[1], [0], [0], [1], [0, 0, 1, 1], [], []>, transpose_lhs_hint = false} : vector<128x128xf32>, vector<128x128xf32>, vector<128x128xf32> -> vector<128x128xf32>
      %get3A_86 = arith.constant 0 : index
      %get3A_87 = arith.constant 0 : index
      %get3A_88 = vector.load %arg12[%get3A_86, %get3A_87] : memref<1x128xf32, #tpu.memory_space<vmem>>, vector<1x128xf32>
      %add3A_89 = vector.broadcast %get3A_88 : vector<1x128xf32> to vector<128x128xf32>
      %add3A_90 = arith.addf %dot_general3A_85, %add3A_89 : vector<128x128xf32>
      %swap3A = arith.constant 0 : index
      %swap3A_91 = arith.constant 0 : index
      %swap3A_92 = vector.load %arg16[%swap3A, %swap3A_91] : memref<128x128xf32, #tpu.memory_space<vmem>>, vector<128x128xf32>
      tpu.vector_store %arg16[%swap3A, %swap3A_91], %add3A_90 {strides = array<i32>} : memref<128x128xf32, #tpu.memory_space<vmem>>, vector<128x128xf32>,
      %get3A_93 = arith.constant 0 : index
      %get3A_94 = arith.constant 0 : index
      %get3A_95 = vector.load %arg13[%get3A_93, %get3A_94] : memref<128x128xf32, #tpu.memory_space<vmem>>, vector<128x128xf32>
      %dot_general3A_96 = arith.constant dense<0.000000e+00> : vector<128x128xf32>
      %dot_general3A_97 = tpu.matmul %get3A_67, %get3A_95, %dot_general3A_96 {dimension_numbers = #tpu.dot_dimension_numbers<[1], [0], [0], [1], [0, 0, 1, 1], [], []>, transpose_lhs_hint = false} : vector<128x128xf32>, vector<128x128xf32>, vector<128x128xf32> -> vector<128x128xf32>
      %get3A_98 = arith.constant 0 : index
      %get3A_99 = arith.constant 0 : index
      %get3A_100 = vector.load %arg14[%get3A_98, %get3A_99] : memref<1x128xf32, #tpu.memory_space<vmem>>, vector<1x128xf32>
      %add3A_101 = vector.broadcast %get3A_100 : vector<1x128xf32> to vector<128x128xf32>
      %add3A_102 = arith.addf %dot_general3A_97, %add3A_101 : vector<128x128xf32>
      %swap3A_103 = arith.constant 0 : index
      %swap3A_104 = arith.constant 0 : index
      %swap3A_105 = vector.load %arg17[%swap3A_103, %swap3A_104] : memref<128x128xf32, #tpu.memory_space<vmem>>, vector<128x128xf32>
      tpu.vector_store %arg17[%swap3A_103, %swap3A_104], %add3A_102 {strides = array<i32>} : memref<128x128xf32, #tpu.memory_space<vmem>>, vector<128x128xf32>,
    } else {
    }
    return
  }
  func.func @transform_0(%arg0: i32) -> (i32, i32) {
    %c0_i32 = arith.constant 0 : i32
    %c0_i32_0 = arith.constant 0 : i32
    return %arg0, %c0_i32 : i32, i32
  }
  func.func @transform_1(%arg0: i32) -> (i32, i32) {
    %c0_i32 = arith.constant 0 : i32
    %c0_i32_0 = arith.constant 0 : i32
    return %arg0, %c0_i32 : i32, i32
  }
  func.func @transform_2(%arg0: i32) -> (i32, i32) {
    %c0_i32 = arith.constant 0 : i32
    %c0_i32_0 = arith.constant 0 : i32
    return %arg0, %c0_i32 : i32, i32
  }
  func.func @transform_3(%arg0: i32) -> (i32, i32) {
    %c0_i32 = arith.constant 0 : i32
    %c0_i32_0 = arith.constant 0 : i32
    %c0_i32_1 = arith.constant 0 : i32
    return %c0_i32, %c0_i32_0 : i32, i32
  }
  func.func @transform_4(%arg0: i32) -> (i32, i32) {
    %c0_i32 = arith.constant 0 : i32
    %c0_i32_0 = arith.constant 0 : i32
    %c0_i32_1 = arith.constant 0 : i32
    return %c0_i32, %c0_i32_0 : i32, i32
  }
  func.func @transform_5(%arg0: i32) -> (i32, i32) {
    %c0_i32 = arith.constant 0 : i32
    %c0_i32_0 = arith.constant 0 : i32
    %c0_i32_1 = arith.constant 0 : i32
    return %c0_i32, %c0_i32_0 : i32, i32
  }
  func.func @transform_6(%arg0: i32) -> (i32, i32) {
    %c0_i32 = arith.constant 0 : i32
    %c0_i32_0 = arith.constant 0 : i32
    %c0_i32_1 = arith.constant 0 : i32
    return %c0_i32, %c0_i32_0 : i32, i32
  }
  func.func @transform_7(%arg0: i32) -> (i32, i32, i32) {
    %c0_i32 = arith.constant 0 : i32
    %c0_i32_0 = arith.constant 0 : i32
    %c0_i32_1 = arith.constant 0 : i32
    return %arg0, %c0_i32, %c0_i32_0 : i32, i32, i32
  }
  func.func @transform_8(%arg0: i32) -> (i32, i32) {
    %c0_i32 = arith.constant 0 : i32
    %c0_i32_0 = arith.constant 0 : i32
    %c0_i32_1 = arith.constant 0 : i32
    return %c0_i32, %c0_i32_0 : i32, i32
  }
  func.func @transform_9(%arg0: i32) -> (i32, i32) {
    %c0_i32 = arith.constant 0 : i32
    %c0_i32_0 = arith.constant 0 : i32
    %c0_i32_1 = arith.constant 0 : i32
    return %c0_i32, %c0_i32_0 : i32, i32
  }
  func.func @transform_10(%arg0: i32) -> (i32, i32) {
    %c0_i32 = arith.constant 0 : i32
    %c0_i32_0 = arith.constant 0 : i32
    %c0_i32_1 = arith.constant 0 : i32
    return %c0_i32, %c0_i32_0 : i32, i32
  }
  func.func @transform_11(%arg0: i32) -> (i32, i32) {
    %c0_i32 = arith.constant 0 : i32
    %c0_i32_0 = arith.constant 0 : i32
    %c0_i32_1 = arith.constant 0 : i32
    return %c0_i32, %c0_i32_0 : i32, i32
  }
  func.func @transform_12(%arg0: i32) -> (i32, i32) {
    %c0_i32 = arith.constant 0 : i32
    %c0_i32_0 = arith.constant 0 : i32
    %c0_i32_1 = arith.constant 0 : i32
    return %c0_i32, %c0_i32_0 : i32, i32
  }
  func.func @transform_13(%arg0: i32) -> (i32, i32) {
    %c0_i32 = arith.constant 0 : i32
    %c0_i32_0 = arith.constant 0 : i32
    %c0_i32_1 = arith.constant 0 : i32
    return %c0_i32, %c0_i32_0 : i32, i32
  }
  func.func @transform_14(%arg0: i32) -> (i32, i32) {
    %c0_i32 = arith.constant 0 : i32
    %c0_i32_0 = arith.constant 0 : i32
    %c0_i32_1 = arith.constant 0 : i32
    return %c0_i32, %c0_i32_0 : i32, i32
  }
  func.func @transform_15(%arg0: i32) -> (i32, i32) {
    %c0_i32 = arith.constant 0 : i32
    %c0_i32_0 = arith.constant 0 : i32
    %c0_i32_1 = arith.constant 0 : i32
    return %c0_i32, %c0_i32_0 : i32, i32
  }
  func.func @transform_16(%arg0: i32) -> (i32, i32) {
    %c0_i32 = arith.constant 0 : i32
    %c0_i32_0 = arith.constant 0 : i32
    %c0_i32_1 = arith.constant 0 : i32
    return %c0_i32, %c0_i32_0 : i32, i32
  }
}

</mosaic_0001>

<sc_bundles>
// kernel: kernel.11.cloned.1.call-start
scs
__scs_entry_jumppad:
0x0: {  	(pc) =	sbr.rel $0x88, $3  }
0x1: {  	(tag) =	ssettag $0x0;
	lr =	simm.s32 $0x1  }
0x2: {  	[smem:$0x3F8C] =	sst lr;
	_ =	strace $0xD0000000  }
0x3: {  	_ = 	snop  }
0x4: {  	_ = 	snop  }
0x5: {  	_ = 	snop  }
0x6: {  	_ = 	snop  }
0x7: {  	_ = 	snop  }
__scs_overlays_trampoline_lowered:
0x8: {  	[smem:$0x3F9B] =	sst s0  }
0x9: {  	[smem:$0x3F9C] =	sst s1  }
0xa: {  	[smem:$0x3F9D] =	sst s2  }
0xb: {  	[smem:$0x3F9E] =	sst s3  }
0xc: {  	[smem:$0x3F9F] =	sst s4  }
0xd: {  	[smem:$0x3FA0] =	sst s5  }
0xe: {  	[smem:$0x3FA1] =	sst s6  }
0xf: {  	[smem:$0x3FA2] =	sst s7  }
0x10: {  	[smem:$0x3FA3] =	sst s8  }
0x11: {  	[smem:$0x3FA4] =	sst s9;
	s0 =	simm.s32 @!p0 $0x0  }
0x12: {  	s1 =	sld [smem:$0x3F8A];
	s0 =	simm.s32 @p0 $0x1  }
0x13: {  	[smem:$0x3FA5] =	sst s0;
	s0 =	simm.s32 @!p1 $0x0  }
0x14: {  	s2 =	sld [smem:$0x3F89];
	s0 =	simm.s32 @p1 $0x1  }
0x15: {  	[smem:$0x3FA6] =	sst s0;
	s0 =	simm.s32 @!p2 $0x0  }
0x16: {  	s3 =	sld [smem:$0x3FDB];
	s0 =	simm.s32 @p2 $0x1  }
0x17: {  	s4 =	simm.s32 $0x1BF5;
	[smem:$0x3FA8] =	sst s0  }
0x18: {  	s0 =	sld [smem:$0x3F8B];
	_ =	swait.ge [sflag:s4], $0x0  }
0x19: {  	s7 =	sld [smem:$0x3F8C]  }
0x1a: {  	s8 =	sadd.s32 $0xFFFFE003, lr  }
0x1b: {  	s9 =	sadd.s32 $0xFFFFFEF7, lr;
	s5 =	simm.s32 $0xFFFFFFFF;
	p2 =	slt.u32 s8, $0xFFFFF086  }
0x1c: {  	p1 =	slt.u32 s9, $0xF7A;
	s5 =	simm.s32 @!p2 $0x0  }
0x1d: {  	s5 =	simm.s32 @p1 $0x1;
	p0 =	seq.s32 s7, s2  }
0x1e: {  	s7 =	smul.u32 @!p0 $0xF7A, s2;
	p2 =	seq.s32 @!p0 s5, $0x0  }
0x1f: {  	s9 =	smul.u32 $0xF7A, s1;
	s8 =	simm.s32 @!p0 $0x1BF5;
	p2 =	por !p2, p0  }
0x20: {  	[sflag:s8] =	ssyncset.s32 @!p0 $0xFFFFF086;
	s6 =	sadd.s32 @!p0 s3, s7;
	s7 =	simm.s32 @!p0 $0x108  }
0x21: {  	s3 =	sadd.s32 s3, s9;
	s6 =	sadd.s32 @!p0 $0x88, s6;
	s7 =	simm.s32 @p2 $0x1082  }
0x22: {  	[simem:s7], [sflag:s8] =	dma.local @!p0 [hbm:s6], $0xF7A  }
0x23: {  	s9 =	sor.u32 $0xD0000000, s2;
	s6 =	simm.s32 $0x108;
	_ =	swait.ge @!p0 [sflag:s8], $0x0  }
0x24: {  	s3 =	sadd.s32 $0x88, s3;
	s6 =	simm.s32 @!p1 $0x1082;
	[sflag:s4] =	ssyncset.s32 $0xFFFFF086  }
0x25: {  	[simem:s6], [sflag:s4] =	dma.local [hbm:s3], $0xF7A  }
0x26: {  	[smem:$0x3F8C] =	sst s1;
	(tag) =	ssettag s2;
	_ =	strace s9  }
0x27: {  	s1 =	sld [smem:$0x3F9C]  }
0x28: {  	s2 =	sld [smem:$0x3F9D]  }
0x29: {  	s4 =	sld [smem:$0x3F9F]  }
0x2a: {  	p0 =	seq.s32 s5, $0x0;
	s5 =	sld [smem:$0x3FA0]  }
0x2b: {  	s6 =	sld [smem:$0x3FA1]  }
0x2c: {  	s7 =	sld [smem:$0x3FA2]  }
0x2d: {  	s3 =	simm.s32 $0x108;
	s8 =	sld [smem:$0x3FA3]  }
0x2e: {  	s3 =	simm.s32 @!p0 $0x1082;
	s9 =	sld [smem:$0x3FA4]  }
0x2f: {  	lr =	sadd.s32 s0, s3;
	s0 =	sld [smem:$0x3F9B]  }
0x30: {  	s3 =	sld [smem:$0x3F9E]  }
0x31: {  	[smem:$0x3FA7] =	sst s10  }
0x32: {  	s10 =	sld [smem:$0x3FA5];
	_ =	sdelay $0x3  }
0x33: {  	p0 =	seq.s32 s10, $0x1;
	s10 =	sld [smem:$0x3FA7];
	_ =	sdelay $0x3  }
0x34: {  	[smem:$0x3FA7] =	sst s10  }
0x35: {  	s10 =	sld [smem:$0x3FA6];
	_ =	sdelay $0x3  }
0x36: {  	p1 =	seq.s32 s10, $0x1;
	s10 =	sld [smem:$0x3FA7];
	_ =	sdelay $0x3  }
0x37: {  	[smem:$0x3FA7] =	sst s10  }
0x38: {  	s10 =	sld [smem:$0x3FA8]  }
0x39: {  	_ = 	snop;
	(pc) =	sbr.ind lr, $3  }
0x3a: {  	_ = 	snop  }
0x3b: {  	_ = 	snop  }
0x3c: {  	p2 =	seq.s32 s10, $0x1;
	s10 =	sld [smem:$0x3FA7]  }
0x3d: {  	_ =	shalt  }
0x3e: {  	_ =	shalt  }
0x3f: {  	_ =	shalt  }
0x40: {  	_ =	shalt  }
0x41: {  	_ =	shalt  }
0x42: {  	_ =	shalt  }
0x43: {  	_ =	shalt  }
0x44: {  	_ =	shalt  }
0x45: {  	_ =	shalt  }
0x46: {  	_ =	shalt  }
0x47: {  	_ =	shalt  }
0x48: {  	_ =	shalt  }
0x49: {  	_ =	shalt  }
0x4a: {  	_ =	shalt  }
0x4b: {  	_ =	shalt  }
0x4c: {  	_ =	shalt  }
0x4d: {  	_ =	shalt  }
0x4e: {  	_ =	shalt  }
0x4f: {  	_ =	shalt  }
0x50: {  	_ =	shalt  }
0x51: {  	_ =	shalt  }
0x52: {  	_ =	shalt  }
0x53: {  	_ =	shalt  }
0x54: {  	_ =	shalt  }
0x55: {  	_ =	shalt  }
0x56: {  	_ =	shalt  }
0x57: {  	_ =	shalt  }
0x58: {  	_ =	shalt  }
0x59: {  	_ =	shalt  }
0x5a: {  	_ =	shalt  }
0x5b: {  	_ =	shalt  }
0x5c: {  	_ =	shalt  }
0x5d: {  	_ =	shalt  }
0x5e: {  	_ =	shalt  }
0x5f: {  	_ =	shalt  }
0x60: {  	_ =	shalt  }
0x61: {  	_ =	shalt  }
0x62: {  	_ =	shalt  }
0x63: {  	_ =	shalt  }
0x64: {  	_ =	shalt  }
0x65: {  	_ =	shalt  }
0x66: {  	_ =	shalt  }
0x67: {  	_ =	shalt  }
0x68: {  	_ =	shalt  }
0x69: {  	_ =	shalt  }
0x6a: {  	_ =	shalt  }
0x6b: {  	_ =	shalt  }
0x6c: {  	_ =	shalt  }
0x6d: {  	_ =	shalt  }
0x6e: {  	_ =	shalt  }
0x6f: {  	_ =	shalt  }
0x70: {  	_ =	shalt  }
0x71: {  	_ =	shalt  }
0x72: {  	_ =	shalt  }
0x73: {  	_ =	shalt  }
0x74: {  	_ =	shalt  }
0x75: {  	_ =	shalt  }
0x76: {  	_ =	shalt  }
0x77: {  	_ =	shalt  }
0x78: {  	_ =	shalt  }
0x79: {  	_ =	shalt  }
0x7a: {  	_ =	shalt  }
0x7b: {  	_ =	shalt  }
0x7c: {  	_ =	shalt  }
0x7d: {  	_ =	shalt  }
0x7e: {  	_ =	shalt  }
0x7f: {  	_ =	shalt  }
0x80: {  	_ =	shalt  }
0x81: {  	_ =	shalt  }
0x82: {  	_ =	shalt  }
0x83: {  	_ =	shalt  }
0x84: {  	_ =	shalt  }
0x85: {  	_ =	shalt  }
0x86: {  	_ =	shalt  }
0x87: {  	_ =	shalt  }
.Lfunc_end0:
.L_simem_size_0:
called_computation.1_lowered:
.L_overlay_start_0:
0x88: {  	s2 =	sld [smem:$0x3FD9]  }
0x89: {  	s3 =	sld [smem:$0x3FFE];
	_ =	sdelay $0x1  }
0x8a: {  	s1 =	srdreg.scid  }
0x8b: {  	s0 =	sand.u32 $0x1, s1  }
0x8c: {  	s16 =	sshll.u32 s0, $0xA;
	s2 =	sadd.s32 s3, s2  }
0x8d: {  	s2 =	sadd.s32 s2, s16  }
0x8e: {  	[smem:$0x3FB3] =	sst s2  }
0x8f: {  	_ = 	snop  }
0x90: {  	(tm) =	ssettm $0x1  }
0x91: {  	s17 =	sld [smem:$0x3FFB];
	_ =	sdelay $0x3  }
0x92: {  	_ =	strace s17  }
0x93: {  	s2 =	sld [smem:$0x3FFC];
	_ =	sdelay $0x3  }
0x94: {  	_ =	strace s2  }
0x95: {  	s2 =	sld [smem:$0x3FFD];
	_ =	sdelay $0x3  }
0x96: {  	_ =	strace s2  }
0x97: {  	_ =	strace $0x8FFFFFFF  }
0x98: {  	s18 =	sld [smem:$0x3FDB];
	_ =	sdelay $0x1  }
0x99: {  	s19 =	simm.s32 $_scs_section_size  }
0x9a: {  	s4 =	simm.s32 $_size__tile_overlayer_lowered;
	s5 =	simm.s32 $_tile_overlayer_lowered  }
0x9b: {  	s22 =	simm.s32 $0x1BFF;
	s21 =	sshll.u32 s5, $0x1;
	s2 =	sadd.s32 s19, s18  }
0x9c: {  	s6 =	simm.s32 $0x0;
	s20 =	sshll.u32 s4, $0x1;
	s4 =	sadd.s32 s21, s2  }
0x9d: {  	[timem:s6], [sflag:s22] =	dma.local [hbm:s4], s20  }
0x9e: {  	_ =	swait.ge [sflag:s22], s20  }
0x9f: {  	s3 =	ssub.s32 $0x0, s20;
	[sflag:s22] =	ssyncset.done $0x0  }
0xa0: {  	[sflag:s22] =	ssyncadd.s32 s3;
	_ =	sdelay $0x1  }
0xa1: {  	s23 =	simm.s32 $0x1B8B  }
0xa2: {  	_ =	swait.ge [sflag:s23], $0x1  }
0xa3: {  	[sflag:s23] =	ssyncset.done $0x0  }
0xa4: {  	s25 =	simm.s32 $0x1B8E;
	s24 =	sld [smem:$0x3FFE];
	[sflag:s23] =	ssyncadd.s32 $0xFFFFFFFF  }
0xa5: {  	s26 =	simm.s32 $execute0_lowered;
	[smem:$0x3FD2] =	sst s25  }
0xa6: {  	s4 =	sshll.u32 s26, $0x1;
	_ =	strace $0x80000049;
	[dreg:$0x1] =	wrdreg $0xFFFFFFFF  }
0xa7: {  	s28 =	simm.s32 $_size_execute0_lowered;
	s2 =	sadd.s32 s2, s4;
	[dreg:$0x0] =	wrdreg $0x0  }
0xa8: {  	s4 =	sshll.u32 s28, $0x1;
	[dreg:$0x2] =	wrdreg s2  }
0xa9: {  	[dreg:$0x3] =	wrdreg s4  }
0xaa: {  	[dreg:$0x4] =	wrdreg $0xC0  }
0xab: {  	_ =	task [dreg:s6], $0x5FFFF  }
0xac: {  	[dreg:$0x1] =	wrdreg $0xFFFFFFFF  }
0xad: {  	[dreg:$0x0] =	wrdreg $0x60  }
0xae: {  	[dreg:$0x2] =	wrdreg s24  }
0xaf: {  	[dreg:$0x3] =	wrdreg $0x0  }
0xb0: {  	[dreg:$0x4] =	wrdreg $0x9  }
0xb1: {  	_ =	task.clear_ibuf [dreg:s6], $0x5FFFF;
	_ =	strace $0x90000049  }
0xb2: {  	s29 =	simm.s32 $0x9;
	_ =	strace $0x8000004B  }
0xb3: {  	_ =	swait.ge [sflag:s29], $0x1  }
0xb4: {  	[sflag:s29] =	ssyncadd.s32 $0xFFFFFFFF  }
0xb5: {  	_ =	strace $0x9000004B  }
0xb6: {  	_ =	sfence  }
0xb7: {  	s30 =	sld [smem:$0x0];
	_ =	sdelay $0x2  }
0xb8: {  	s31 =	sshll.u32 s1, $0xD;
	s1 =	sshrl.u32 s1, $0x2  }
0xb9: {  	s3 =	sand.u32 $0x4000, s31;
	s1 =	sadd.s32 s1, s30  }
0xba: {  	s0 =	sor.u32 s3, s0;
	s1 =	sshll.u32 s1, $0x11  }
0xbb: {  	s0 =	sor.u32 s1, s0  }
0xbc: {  	s0 =	sadd.s32 $0x8F2B, s0  }
0xbd: {  	[sflag:s0] =	ssyncadd.remote.s32 $0x1  }
0xbe: {  	_ =	sfence.sel $0xFFFF  }
0xbf: {  	[dreg:$0x0] =	wrdreg $0xFFFFFFFF;
	(pc) =	sbr.abs _section_cstart, $3  }
0xc0: {  	[dreg:$0x1] =	wrdreg $0xFFFFFFFF  }
0xc1: {  	_ =	task.clear_ibuf [dreg:s6], $0x2FFFF;
	_ =	strace $0x9FFFFFFF  }
0xc2: {  	(tm) =	ssettm $0x7FFFFFFF  }
0xc3: {  	_ =	shalt  }
tec
execute0_lowered:
.L_overlay_start_1:
0x0: {  	(tag) =	ssettag $0x1  }
0x1: {  	s1 =	srdreg.scid  }
0x2: {  	s0 =	stileid.u32;
	s5 =	rddreg [dreg:$0x0]  }
0x3: {  	s2 =	rddreg [dreg:$0x1];
	s3 =	simm.s32 $0x0;
	s14 =	simm.s32 $0x90E00  }
0x4: {  	s15 =	simm.s32 $0x14000;
	s16 =	simm.s32 $0x15400;
	s17 =	simm.s32 $0x80  }
0x5: {  	s18 =	simm.s32 $0x16800;
	s19 =	simm.s32 $0x14080;
	s20 =	simm.s32 $0x1A800  }
0x6: {  	s21 =	simm.s32 $0x1;
	s22 =	simm.s32 $0x2;
	s23 =	simm.s32 $0x16700  }
0x7: {  	s24 =	simm.s32 $0x16780;
	s25 =	simm.s32 $0x0;
	s9 =	sand.u32 $0x1, s1  }
0x8: {  	s26 =	sshll.u32 s0, $0x1;
	s1 =	rddreg [dreg:$0x2];
	s6 =	smul.u32 $0x2800, s0  }
0x9: {  	[smem:$0x7FF] =	sst s3;
	s8 =	smul.u32 $0x50000, s0;
	s31 =	sshll.u32 s0, $0x6  }
0xa: {  	s4 =	sor.u32 s9, s26;
	_ =	strace $0x8000004A;
	s28 =	ssub.s32 $0x2, s9  }
0xb: {  	p0 =	seq.s32 s9, $0x1;
	s4 =	smul.u32 $0x2800, s4;
	s12 =	sadd.s32 s6, s5  }
0xc: {  	s29 =	sshrl.u32 s28, $0x1;
	s30 =	sshrl.u32 s8, $0x2;
	s6 =	sor.u32 $0x1C03, s31  }
0xd: {  	s14 =	simm.s32 @!p0 $0x68E00;
	s11 =	ssub.s32 s28, s29;
	s13 =	sadd.s32 s30, s2  }
0xe: {  	s7 =	sshrl.u32 s4, $0x3;
	s4 =	sadd.s32 $0x41C00, s5;
	s11 =	smax.u32 s11, $0x1  }
0xf: {  	s13 =	sshrl.u32 s13, $0x3;
	s10 =	sadd.s32 s7, s5;
	s5 =	sadd.s32 $0x19C00, s12  }
0x10: {  	s12 =	sadd.s32 s14, s12;
	s14 =	simm.s32 $0x3;
	s7 =	sadd.s32 $0x5C00, s10  }
0x11: {  	s8 =	sadd.s32 $0xFC00, s10;
	s9 =	sadd.s32 $0x5E80, s10;
	s10 =	sadd.s32 $0xFE80, s10  }
.LBB2_1:
0x12: {  	[spmem:s13], [sflag:s6] =	dma.local [hbm:s5], $0x2800  }
0x13: {  	_ =	swait.ge [sflag:s14], $0x2800  }
0x14: {  	[sflag:s14] =	ssyncset.done $0x0  }
0x15: {  	[sflag:s14] =	ssyncadd.s32 $0xFFFFD800  }
0x16: {  	[bflag:$0x0] =	sbarrier.arrive $0xFFFF  }
0x17: {  	[tilespmem:s15], [sflag:$0x3] =	stream.linear.gather [hbm4b:s7+s3], $0x1400, $0x38;
	[tilespmem:$0x1E800] =	vst v63  }
0x18: {  	_ =	swait.ge [sflag:s14], $0x1400  }
0x19: {  	[sflag:s14] =	ssyncset.done $0x0  }
0x1a: {  	[sflag:s14] =	ssyncadd.s32 $0xFFFFEC00  }
0x1b: {  	[tilespmem:s16], [sflag:$0x3] =	stream.linear.gather [hbm4b:s8+s3], $0x1400, $0x38;
	[tilespmem:$0x1E800] =	vst v63  }
0x1c: {  	_ =	swait.ge [sflag:s14], $0x1400  }
0x1d: {  	[sflag:s14] =	ssyncset.done $0x0  }
0x1e: {  	[sflag:s14] =	ssyncadd.s32 $0xFFFFEC00  }
0x1f: {  	[tilespmem:s18], [sflag:$0x1] =	stream.indirect.gather [hbm4b:s4+s17], $0x80, s15, s17, $0xb8;
	[tilespmem:$0x1E800] =	vst v63  }
0x20: {  	_ = 	snop  }
0x21: {  	[tilespmem:s20], [sflag:$0x2] =	stream.indirect.gather [hbm4b:s4+s17], $0x80, s19, s17, $0xb8;
	[tilespmem:$0x1E800] =	vst v63  }
0x22: {  	_ =	swait.ge [sflag:s21], $0x4000  }
0x23: {  	[sflag:s21] =	ssyncset.done $0x0  }
0x24: {  	s26 =	simm.s32 $0x15400;
	[sflag:s21] =	ssyncadd.s32 $0xFFFFC000  }
0x25: {  	[spmem:s2] =	stream.indirect.scatter.add.f32 [tilespmem:s18], [sflag:$0x3], $0x80, s26, s17, $0xb8;
	[tilespmem:$0x1E800] =	vst v63  }
0x26: {  	_ =	swait.ge [sflag:s14], $0x4000  }
0x27: {  	[sflag:s14] =	ssyncset.done $0x0  }
0x28: {  	s30 =	simm.s32 $0x14100;
	[sflag:s14] =	ssyncadd.s32 $0xFFFFC000  }
0x29: {  	[tilespmem:s18], [sflag:$0x1] =	stream.indirect.gather [hbm4b:s4+s17], $0x80, s30, s17, $0xb8;
	[tilespmem:$0x1E800] =	vst v63  }
0x2a: {  	_ =	swait.ge [sflag:s22], $0x4000  }
0x2b: {  	[sflag:s22] =	ssyncset.done $0x0  }
0x2c: {  	s31 =	simm.s32 $0x15480;
	[sflag:s22] =	ssyncadd.s32 $0xFFFFC000  }
0x2d: {  	[spmem:s2] =	stream.indirect.scatter.add.f32 [tilespmem:s20], [sflag:$0x3], $0x80, s31, s17, $0xb8;
	[tilespmem:$0x1E800] =	vst v63  }
0x2e: {  	_ =	swait.ge [sflag:s14], $0x4000  }
0x2f: {  	[sflag:s14] =	ssyncset.done $0x0  }
0x30: {  	s28 =	simm.s32 $0x14180;
	s26 =	simm.s32 $0x400;
	[sflag:s14] =	ssyncadd.s32 $0xFFFFC000  }
.LBB2_2:
0x31: {  	[tilespmem:s20], [sflag:$0x2] =	stream.indirect.gather [hbm4b:s4+s17], $0x80, s28, s17, $0xb8;
	[tilespmem:$0x1E800] =	vst v63  }
0x32: {  	s28 =	smov.u32 s26  }
0x33: {  	p0 =	sne.s32 s26, $0x4800;
	s26 =	sadd.s32 $0x400, s26;
	_ =	swait.ge [sflag:s21], $0x4000  }
0x34: {  	s28 =	sshra.s32 s28, $0x2;
	[sflag:s21] =	ssyncset.done $0x0  }
0x35: {  	s29 =	sadd.s32 $0x15400, s28;
	[sflag:s21] =	ssyncadd.s32 $0xFFFFC000  }
0x36: {  	[spmem:s2] =	stream.indirect.scatter.add.f32 [tilespmem:s18], [sflag:$0x3], $0x80, s29, s17, $0xb8;
	[tilespmem:$0x1E800] =	vst v63  }
0x37: {  	_ =	swait.ge [sflag:s14], $0x4000  }
0x38: {  	[sflag:s14] =	ssyncset.done $0x0  }
0x39: {  	s29 =	sadd.s32 $0x14100, s28;
	[sflag:s14] =	ssyncadd.s32 $0xFFFFC000  }
0x3a: {  	[tilespmem:s18], [sflag:$0x1] =	stream.indirect.gather [hbm4b:s4+s17], $0x80, s29, s17, $0xb8;
	[tilespmem:$0x1E800] =	vst v63  }
0x3b: {  	_ =	swait.ge [sflag:s22], $0x4000  }
0x3c: {  	[sflag:s22] =	ssyncset.done $0x0  }
.Ltmp0:
0x3d: {  	s29 =	sadd.s32 $0x15480, s28;
	[sflag:s22] =	ssyncadd.s32 $0xFFFFC000;
	(pc) =	sbr.rel @p0 .LBB2_2-.Ltmp0, $4  }
0x3e: {  	[spmem:s2] =	stream.indirect.scatter.add.f32 [tilespmem:s20], [sflag:$0x3], $0x80, s29, s17, $0xb8;
	[tilespmem:$0x1E800] =	vst v63  }
0x3f: {  	_ =	swait.ge [sflag:s14], $0x4000  }
0x40: {  	[sflag:s14] =	ssyncset.done $0x0  }
0x41: {  	s28 =	sadd.s32 $0x14180, s28;
	[sflag:s14] =	ssyncadd.s32 $0xFFFFC000  }
0x42: {  	[tilespmem:s20], [sflag:$0x2] =	stream.indirect.gather [hbm4b:s4+s17], $0x80, s28, s17, $0xb8;
	[tilespmem:$0x1E800] =	vst v63  }
0x43: {  	_ =	swait.ge [sflag:s21], $0x4000  }
0x44: {  	[sflag:s21] =	ssyncset.done $0x0  }
0x45: {  	[sflag:s21] =	ssyncadd.s32 $0xFFFFC000  }
0x46: {  	[spmem:s2] =	stream.indirect.scatter.add.f32 [tilespmem:s18], [sflag:$0x3], $0x80, s23, s17, $0xb8;
	[tilespmem:$0x1E800] =	vst v63  }
0x47: {  	_ =	swait.ge [sflag:s14], $0x4000  }
0x48: {  	[sflag:s14] =	ssyncset.done $0x0  }
0x49: {  	[sflag:s14] =	ssyncadd.s32 $0xFFFFC000  }
0x4a: {  	_ =	swait.ge [sflag:s22], $0x4000  }
0x4b: {  	[sflag:s22] =	ssyncset.done $0x0  }
0x4c: {  	[sflag:s22] =	ssyncadd.s32 $0xFFFFC000  }
0x4d: {  	[spmem:s2] =	stream.indirect.scatter.add.f32 [tilespmem:s20], [sflag:$0x3], $0x80, s24, s17, $0xb8;
	[tilespmem:$0x1E800] =	vst v63  }
0x4e: {  	_ =	swait.ge [sflag:s14], $0x4000  }
0x4f: {  	[sflag:s14] =	ssyncset.done $0x0  }
0x50: {  	s26 =	simm.s32 $0x0;
	[sflag:s14] =	ssyncadd.s32 $0xFFFFC000  }
0x51: {  	[tilespmem:s15], [sflag:$0x3] =	stream.linear.gather [hbm4b:s9+s26], $0x1400, $0x38;
	[tilespmem:$0x1E800] =	vst v63  }
0x52: {  	_ =	swait.ge [sflag:s14], $0x1400  }
0x53: {  	[sflag:s14] =	ssyncset.done $0x0  }
0x54: {  	[sflag:s14] =	ssyncadd.s32 $0xFFFFEC00  }
0x55: {  	[tilespmem:s16], [sflag:$0x3] =	stream.linear.gather [hbm4b:s10+s26], $0x1400, $0x38;
	[tilespmem:$0x1E800] =	vst v63  }
0x56: {  	_ =	swait.ge [sflag:s14], $0x1400  }
0x57: {  	[sflag:s14] =	ssyncset.done $0x0  }
0x58: {  	[sflag:s14] =	ssyncadd.s32 $0xFFFFEC00  }
0x59: {  	[tilespmem:s18], [sflag:$0x1] =	stream.indirect.gather [hbm4b:s4+s17], $0x80, s15, s17, $0xb8;
	[tilespmem:$0x1E800] =	vst v63  }
0x5a: {  	_ = 	snop  }
0x5b: {  	[tilespmem:s20], [sflag:$0x2] =	stream.indirect.gather [hbm4b:s4+s17], $0x80, s19, s17, $0xb8;
	[tilespmem:$0x1E800] =	vst v63  }
0x5c: {  	_ =	swait.ge [sflag:s21], $0x4000  }
0x5d: {  	[sflag:s21] =	ssyncset.done $0x0  }
0x5e: {  	s29 =	simm.s32 $0x15400;
	[sflag:s21] =	ssyncadd.s32 $0xFFFFC000  }
0x5f: {  	[spmem:s2] =	stream.indirect.scatter.add.f32 [tilespmem:s18], [sflag:$0x3], $0x80, s29, s17, $0xb8;
	[tilespmem:$0x1E800] =	vst v63  }
0x60: {  	_ =	swait.ge [sflag:s14], $0x4000  }
0x61: {  	[sflag:s14] =	ssyncset.done $0x0  }
0x62: {  	s30 =	simm.s32 $0x14100;
	[sflag:s14] =	ssyncadd.s32 $0xFFFFC000  }
0x63: {  	[tilespmem:s18], [sflag:$0x1] =	stream.indirect.gather [hbm4b:s4+s17], $0x80, s30, s17, $0xb8;
	[tilespmem:$0x1E800] =	vst v63  }
0x64: {  	_ =	swait.ge [sflag:s22], $0x4000  }
0x65: {  	[sflag:s22] =	ssyncset.done $0x0  }
0x66: {  	s31 =	simm.s32 $0x15480;
	[sflag:s22] =	ssyncadd.s32 $0xFFFFC000  }
0x67: {  	[spmem:s2] =	stream.indirect.scatter.add.f32 [tilespmem:s20], [sflag:$0x3], $0x80, s31, s17, $0xb8;
	[tilespmem:$0x1E800] =	vst v63  }
0x68: {  	_ =	swait.ge [sflag:s14], $0x4000  }
0x69: {  	[sflag:s14] =	ssyncset.done $0x0  }
0x6a: {  	s28 =	simm.s32 $0x14180;
	s26 =	simm.s32 $0x400;
	[sflag:s14] =	ssyncadd.s32 $0xFFFFC000  }
.LBB2_4:
0x6b: {  	[tilespmem:s20], [sflag:$0x2] =	stream.indirect.gather [hbm4b:s4+s17], $0x80, s28, s17, $0xb8;
	[tilespmem:$0x1E800] =	vst v63  }
0x6c: {  	s28 =	smov.u32 s26  }
0x6d: {  	p0 =	sne.s32 s26, $0x4800;
	s26 =	sadd.s32 $0x400, s26;
	_ =	swait.ge [sflag:s21], $0x4000  }
0x6e: {  	s28 =	sshra.s32 s28, $0x2;
	[sflag:s21] =	ssyncset.done $0x0  }
0x6f: {  	s29 =	sadd.s32 $0x15400, s28;
	[sflag:s21] =	ssyncadd.s32 $0xFFFFC000  }
0x70: {  	[spmem:s2] =	stream.indirect.scatter.add.f32 [tilespmem:s18], [sflag:$0x3], $0x80, s29, s17, $0xb8;
	[tilespmem:$0x1E800] =	vst v63  }
0x71: {  	_ =	swait.ge [sflag:s14], $0x4000  }
0x72: {  	[sflag:s14] =	ssyncset.done $0x0  }
0x73: {  	s29 =	sadd.s32 $0x14100, s28;
	[sflag:s14] =	ssyncadd.s32 $0xFFFFC000  }
0x74: {  	[tilespmem:s18], [sflag:$0x1] =	stream.indirect.gather [hbm4b:s4+s17], $0x80, s29, s17, $0xb8;
	[tilespmem:$0x1E800] =	vst v63  }
0x75: {  	_ =	swait.ge [sflag:s22], $0x4000  }
0x76: {  	[sflag:s22] =	ssyncset.done $0x0  }
.Ltmp1:
0x77: {  	s29 =	sadd.s32 $0x15480, s28;
	[sflag:s22] =	ssyncadd.s32 $0xFFFFC000;
	(pc) =	sbr.rel @p0 .LBB2_4-.Ltmp1, $4  }
0x78: {  	[spmem:s2] =	stream.indirect.scatter.add.f32 [tilespmem:s20], [sflag:$0x3], $0x80, s29, s17, $0xb8;
	[tilespmem:$0x1E800] =	vst v63  }
0x79: {  	_ =	swait.ge [sflag:s14], $0x4000  }
0x7a: {  	[sflag:s14] =	ssyncset.done $0x0  }
0x7b: {  	s28 =	sadd.s32 $0x14180, s28;
	[sflag:s14] =	ssyncadd.s32 $0xFFFFC000  }
0x7c: {  	[tilespmem:s20], [sflag:$0x2] =	stream.indirect.gather [hbm4b:s4+s17], $0x80, s28, s17, $0xb8;
	[tilespmem:$0x1E800] =	vst v63  }
0x7d: {  	_ =	swait.ge [sflag:s21], $0x4000  }
0x7e: {  	[sflag:s21] =	ssyncset.done $0x0  }
0x7f: {  	[sflag:s21] =	ssyncadd.s32 $0xFFFFC000  }
0x80: {  	[spmem:s2] =	stream.indirect.scatter.add.f32 [tilespmem:s18], [sflag:$0x3], $0x80, s23, s17, $0xb8;
	[tilespmem:$0x1E800] =	vst v63  }
0x81: {  	_ =	swait.ge [sflag:s14], $0x4000  }
0x82: {  	[sflag:s14] =	ssyncset.done $0x0  }
0x83: {  	[sflag:s14] =	ssyncadd.s32 $0xFFFFC000  }
0x84: {  	_ =	swait.ge [sflag:s22], $0x4000  }
0x85: {  	[sflag:s22] =	ssyncset.done $0x0  }
0x86: {  	[sflag:s22] =	ssyncadd.s32 $0xFFFFC000  }
0x87: {  	[spmem:s2] =	stream.indirect.scatter.add.f32 [tilespmem:s20], [sflag:$0x3], $0x80, s24, s17, $0xb8;
	[tilespmem:$0x1E800] =	vst v63  }
0x88: {  	_ =	swait.ge [sflag:s14], $0x4000  }
0x89: {  	s25 =	sadd.s32 $0x1, s25;
	[sflag:s14] =	ssyncset.done $0x0  }
0x8a: {  	p0 =	sne.s32 s25, s11;
	[sflag:s14] =	ssyncadd.s32 $0xFFFFC000  }
.Ltmp2:
0x8b: {  	[bflag:$0x0] =	sbarrier.arrive $0xFFFF;
	(pc) =	sbr.rel @p0 .LBB2_1-.Ltmp2, $4  }
0x8c: {  	[hbm:s12], [sflag:s6] =	dma.local [spmem:s13], $0x2800  }
0x8d: {  	_ =	swait.ge [sflag:s14], $0x2800  }
0x8e: {  	[sflag:s14] =	ssyncset.done $0x0  }
0x8f: {  	[sflag:s14] =	ssyncadd.s32 $0xFFFFD800  }
0x90: {  	_ =	sfence.sel $0x180000  }
0x91: {  	[bflag:$0x0] =	sbarrier.arrive $0xFFFF  }
0x92: {  	p0 =	sne.s32 s0, $0x0;
	_ =	strace $0x9000004A  }
0x93: {  	s0 =	sadd.s32 @!p0 $0x100000, s1;
	[bflag:$0x2] =	sbarrier.arrive $0xFFFF  }
0x94: {  	[sflag:s0] =	ssyncadd.tile.s32 @!p0 $0x1;
	_ =	shalt  }
.Lfunc_end2:
_tile_overlayer_lowered:
.L_overlay_start_2:
0x95: {  	(tag) =	ssettag $0x2  }
0x96: {  	s0 =	rddreg [dreg:$0x0];
	s2 =	stileid.u32  }
0x97: {  	s1 =	rddreg [dreg:$0x1];
	p0 =	sne.s32 s2, $0x0  }
0x98: {  	s3 =	rddreg [dreg:$0x2];
	[bflag:$0x3] =	sbarrier.arrive $0xFFFF;
	s2 =	simm.s32 @!p0 $0x1C03  }
0x99: {  	[timem:s3], [sflag:s2] =	dma.local @!p0 [hbm:s0], s1  }
0x9a: {  	s0 =	simm.s32 @!p0 $0x3  }
0x9b: {  	_ =	swait.ge @!p0 [sflag:s0], s1  }
0x9c: {  	s1 =	ssub.s32 @!p0 $0x0, s1;
	[sflag:s0] =	ssyncset.done @!p0 $0x0  }
0x9d: {  	[sflag:s0] =	ssyncadd.s32 @!p0 s1  }
0x9e: {  	[bflag:$0x3] =	sbarrier.arrive $0xFFFF  }
0x9f: {  	_ =	shalt  }

// kernel: kernel.14.cloned.1.call-start
scs
__scs_entry_jumppad:
0x0: {  	(pc) =	sbr.rel $0x88, $3  }
0x1: {  	(tag) =	ssettag $0x0;
	lr =	simm.s32 $0x1  }
0x2: {  	[smem:$0x3F8C] =	sst lr;
	_ =	strace $0xD0000000  }
0x3: {  	_ = 	snop  }
0x4: {  	_ = 	snop  }
0x5: {  	_ = 	snop  }
0x6: {  	_ = 	snop  }
0x7: {  	_ = 	snop  }
__scs_overlays_trampoline_lowered:
0x8: {  	[smem:$0x3F9B] =	sst s0  }
0x9: {  	[smem:$0x3F9C] =	sst s1  }
0xa: {  	[smem:$0x3F9D] =	sst s2  }
0xb: {  	[smem:$0x3F9E] =	sst s3  }
0xc: {  	[smem:$0x3F9F] =	sst s4  }
0xd: {  	[smem:$0x3FA0] =	sst s5  }
0xe: {  	[smem:$0x3FA1] =	sst s6  }
0xf: {  	[smem:$0x3FA2] =	sst s7  }
0x10: {  	[smem:$0x3FA3] =	sst s8  }
0x11: {  	[smem:$0x3FA4] =	sst s9;
	s0 =	simm.s32 @!p0 $0x0  }
0x12: {  	s1 =	sld [smem:$0x3F8A];
	s0 =	simm.s32 @p0 $0x1  }
0x13: {  	[smem:$0x3FA5] =	sst s0;
	s0 =	simm.s32 @!p1 $0x0  }
0x14: {  	s2 =	sld [smem:$0x3F89];
	s0 =	simm.s32 @p1 $0x1  }
0x15: {  	[smem:$0x3FA6] =	sst s0;
	s0 =	simm.s32 @!p2 $0x0  }
0x16: {  	s3 =	sld [smem:$0x3FDB];
	s0 =	simm.s32 @p2 $0x1  }
0x17: {  	s4 =	simm.s32 $0x1BF5;
	[smem:$0x3FA8] =	sst s0  }
0x18: {  	s0 =	sld [smem:$0x3F8B];
	_ =	swait.ge [sflag:s4], $0x0  }
0x19: {  	s7 =	sld [smem:$0x3F8C]  }
0x1a: {  	s8 =	sadd.s32 $0xFFFFE003, lr  }
0x1b: {  	s9 =	sadd.s32 $0xFFFFFEF7, lr;
	s5 =	simm.s32 $0xFFFFFFFF;
	p2 =	slt.u32 s8, $0xFFFFF086  }
0x1c: {  	p1 =	slt.u32 s9, $0xF7A;
	s5 =	simm.s32 @!p2 $0x0  }
0x1d: {  	s5 =	simm.s32 @p1 $0x1;
	p0 =	seq.s32 s7, s2  }
0x1e: {  	s7 =	smul.u32 @!p0 $0xF7A, s2;
	p2 =	seq.s32 @!p0 s5, $0x0  }
0x1f: {  	s9 =	smul.u32 $0xF7A, s1;
	s8 =	simm.s32 @!p0 $0x1BF5;
	p2 =	por !p2, p0  }
0x20: {  	[sflag:s8] =	ssyncset.s32 @!p0 $0xFFFFF086;
	s6 =	sadd.s32 @!p0 s3, s7;
	s7 =	simm.s32 @!p0 $0x108  }
0x21: {  	s3 =	sadd.s32 s3, s9;
	s6 =	sadd.s32 @!p0 $0x88, s6;
	s7 =	simm.s32 @p2 $0x1082  }
0x22: {  	[simem:s7], [sflag:s8] =	dma.local @!p0 [hbm:s6], $0xF7A  }
0x23: {  	s9 =	sor.u32 $0xD0000000, s2;
	s6 =	simm.s32 $0x108;
	_ =	swait.ge @!p0 [sflag:s8], $0x0  }
0x24: {  	s3 =	sadd.s32 $0x88, s3;
	s6 =	simm.s32 @!p1 $0x1082;
	[sflag:s4] =	ssyncset.s32 $0xFFFFF086  }
0x25: {  	[simem:s6], [sflag:s4] =	dma.local [hbm:s3], $0xF7A  }
0x26: {  	[smem:$0x3F8C] =	sst s1;
	(tag) =	ssettag s2;
	_ =	strace s9  }
0x27: {  	s1 =	sld [smem:$0x3F9C]  }
0x28: {  	s2 =	sld [smem:$0x3F9D]  }
0x29: {  	s4 =	sld [smem:$0x3F9F]  }
0x2a: {  	p0 =	seq.s32 s5, $0x0;
	s5 =	sld [smem:$0x3FA0]  }
0x2b: {  	s6 =	sld [smem:$0x3FA1]  }
0x2c: {  	s7 =	sld [smem:$0x3FA2]  }
0x2d: {  	s3 =	simm.s32 $0x108;
	s8 =	sld [smem:$0x3FA3]  }
0x2e: {  	s3 =	simm.s32 @!p0 $0x1082;
	s9 =	sld [smem:$0x3FA4]  }
0x2f: {  	lr =	sadd.s32 s0, s3;
	s0 =	sld [smem:$0x3F9B]  }
0x30: {  	s3 =	sld [smem:$0x3F9E]  }
0x31: {  	[smem:$0x3FA7] =	sst s10  }
0x32: {  	s10 =	sld [smem:$0x3FA5];
	_ =	sdelay $0x3  }
0x33: {  	p0 =	seq.s32 s10, $0x1;
	s10 =	sld [smem:$0x3FA7];
	_ =	sdelay $0x3  }
0x34: {  	[smem:$0x3FA7] =	sst s10  }
0x35: {  	s10 =	sld [smem:$0x3FA6];
	_ =	sdelay $0x3  }
0x36: {  	p1 =	seq.s32 s10, $0x1;
	s10 =	sld [smem:$0x3FA7];
	_ =	sdelay $0x3  }
0x37: {  	[smem:$0x3FA7] =	sst s10  }
0x38: {  	s10 =	sld [smem:$0x3FA8]  }
0x39: {  	_ = 	snop;
	(pc) =	sbr.ind lr, $3  }
0x3a: {  	_ = 	snop  }
0x3b: {  	_ = 	snop  }
0x3c: {  	p2 =	seq.s32 s10, $0x1;
	s10 =	sld [smem:$0x3FA7]  }
0x3d: {  	_ =	shalt  }
0x3e: {  	_ =	shalt  }
0x3f: {  	_ =	shalt  }
0x40: {  	_ =	shalt  }
0x41: {  	_ =	shalt  }
0x42: {  	_ =	shalt  }
0x43: {  	_ =	shalt  }
0x44: {  	_ =	shalt  }
0x45: {  	_ =	shalt  }
0x46: {  	_ =	shalt  }
0x47: {  	_ =	shalt  }
0x48: {  	_ =	shalt  }
0x49: {  	_ =	shalt  }
0x4a: {  	_ =	shalt  }
0x4b: {  	_ =	shalt  }
0x4c: {  	_ =	shalt  }
0x4d: {  	_ =	shalt  }
0x4e: {  	_ =	shalt  }
0x4f: {  	_ =	shalt  }
0x50: {  	_ =	shalt  }
0x51: {  	_ =	shalt  }
0x52: {  	_ =	shalt  }
0x53: {  	_ =	shalt  }
0x54: {  	_ =	shalt  }
0x55: {  	_ =	shalt  }
0x56: {  	_ =	shalt  }
0x57: {  	_ =	shalt  }
0x58: {  	_ =	shalt  }
0x59: {  	_ =	shalt  }
0x5a: {  	_ =	shalt  }
0x5b: {  	_ =	shalt  }
0x5c: {  	_ =	shalt  }
0x5d: {  	_ =	shalt  }
0x5e: {  	_ =	shalt  }
0x5f: {  	_ =	shalt  }
0x60: {  	_ =	shalt  }
0x61: {  	_ =	shalt  }
0x62: {  	_ =	shalt  }
0x63: {  	_ =	shalt  }
0x64: {  	_ =	shalt  }
0x65: {  	_ =	shalt  }
0x66: {  	_ =	shalt  }
0x67: {  	_ =	shalt  }
0x68: {  	_ =	shalt  }
0x69: {  	_ =	shalt  }
0x6a: {  	_ =	shalt  }
0x6b: {  	_ =	shalt  }
0x6c: {  	_ =	shalt  }
0x6d: {  	_ =	shalt  }
0x6e: {  	_ =	shalt  }
0x6f: {  	_ =	shalt  }
0x70: {  	_ =	shalt  }
0x71: {  	_ =	shalt  }
0x72: {  	_ =	shalt  }
0x73: {  	_ =	shalt  }
0x74: {  	_ =	shalt  }
0x75: {  	_ =	shalt  }
0x76: {  	_ =	shalt  }
0x77: {  	_ =	shalt  }
0x78: {  	_ =	shalt  }
0x79: {  	_ =	shalt  }
0x7a: {  	_ =	shalt  }
0x7b: {  	_ =	shalt  }
0x7c: {  	_ =	shalt  }
0x7d: {  	_ =	shalt  }
0x7e: {  	_ =	shalt  }
0x7f: {  	_ =	shalt  }
0x80: {  	_ =	shalt  }
0x81: {  	_ =	shalt  }
0x82: {  	_ =	shalt  }
0x83: {  	_ =	shalt  }
0x84: {  	_ =	shalt  }
0x85: {  	_ =	shalt  }
0x86: {  	_ =	shalt  }
0x87: {  	_ =	shalt  }
.Lfunc_end0:
.L_simem_size_0:
called_computation.2_lowered:
.L_overlay_start_0:
0x88: {  	s2 =	sld [smem:$0x3FD9]  }
0x89: {  	s3 =	sld [smem:$0x3FFE];
	_ =	sdelay $0x1  }
0x8a: {  	s1 =	srdreg.scid  }
0x8b: {  	s0 =	sand.u32 $0x1, s1  }
0x8c: {  	s16 =	sshll.u32 s0, $0xA;
	s2 =	sadd.s32 s3, s2  }
0x8d: {  	s2 =	sadd.s32 s2, s16  }
0x8e: {  	[smem:$0x3FB3] =	sst s2  }
0x8f: {  	_ = 	snop  }
0x90: {  	(tm) =	ssettm $0x1  }
0x91: {  	s17 =	sld [smem:$0x3FFB];
	_ =	sdelay $0x3  }
0x92: {  	_ =	strace s17  }
0x93: {  	s2 =	sld [smem:$0x3FFC];
	_ =	sdelay $0x3  }
0x94: {  	_ =	strace s2  }
0x95: {  	s2 =	sld [smem:$0x3FFD];
	_ =	sdelay $0x3  }
0x96: {  	_ =	strace s2  }
0x97: {  	_ =	strace $0x8FFFFFFF  }
0x98: {  	s18 =	sld [smem:$0x3FDB];
	_ =	sdelay $0x1  }
0x99: {  	s19 =	simm.s32 $_scs_section_size  }
0x9a: {  	s4 =	simm.s32 $_size__tile_overlayer_lowered;
	s5 =	simm.s32 $_tile_overlayer_lowered  }
0x9b: {  	s22 =	simm.s32 $0x1BFF;
	s21 =	sshll.u32 s5, $0x1;
	s2 =	sadd.s32 s19, s18  }
0x9c: {  	s6 =	simm.s32 $0x0;
	s20 =	sshll.u32 s4, $0x1;
	s4 =	sadd.s32 s21, s2  }
0x9d: {  	[timem:s6], [sflag:s22] =	dma.local [hbm:s4], s20  }
0x9e: {  	_ =	swait.ge [sflag:s22], s20  }
0x9f: {  	s3 =	ssub.s32 $0x0, s20;
	[sflag:s22] =	ssyncset.done $0x0  }
0xa0: {  	[sflag:s22] =	ssyncadd.s32 s3;
	_ =	sdelay $0x1  }
0xa1: {  	s23 =	simm.s32 $0x1B8B  }
0xa2: {  	_ =	swait.ge [sflag:s23], $0x1  }
0xa3: {  	[sflag:s23] =	ssyncset.done $0x0  }
0xa4: {  	s25 =	simm.s32 $0x1B8E;
	s24 =	sld [smem:$0x3FFE];
	[sflag:s23] =	ssyncadd.s32 $0xFFFFFFFF  }
0xa5: {  	s26 =	simm.s32 $execute0_lowered;
	[smem:$0x3FD2] =	sst s25  }
0xa6: {  	s4 =	sshll.u32 s26, $0x1;
	_ =	strace $0x8000004C;
	[dreg:$0x1] =	wrdreg $0xFFFFFFFF  }
0xa7: {  	s28 =	simm.s32 $_size_execute0_lowered;
	s2 =	sadd.s32 s2, s4;
	[dreg:$0x0] =	wrdreg $0x0  }
0xa8: {  	s4 =	sshll.u32 s28, $0x1;
	[dreg:$0x2] =	wrdreg s2  }
0xa9: {  	[dreg:$0x3] =	wrdreg s4  }
0xaa: {  	[dreg:$0x4] =	wrdreg $0xC0  }
0xab: {  	_ =	task [dreg:s6], $0x5FFFF  }
0xac: {  	[dreg:$0x1] =	wrdreg $0xFFFFFFFF  }
0xad: {  	[dreg:$0x0] =	wrdreg $0x60  }
0xae: {  	[dreg:$0x2] =	wrdreg s24  }
0xaf: {  	[dreg:$0x3] =	wrdreg $0x0  }
0xb0: {  	[dreg:$0x4] =	wrdreg $0x9  }
0xb1: {  	_ =	task.clear_ibuf [dreg:s6], $0x5FFFF;
	_ =	strace $0x9000004C  }
0xb2: {  	s29 =	simm.s32 $0x9;
	_ =	strace $0x8000004E  }
0xb3: {  	_ =	swait.ge [sflag:s29], $0x1  }
0xb4: {  	[sflag:s29] =	ssyncadd.s32 $0xFFFFFFFF  }
0xb5: {  	_ =	strace $0x9000004E  }
0xb6: {  	_ =	sfence  }
0xb7: {  	s30 =	sld [smem:$0x0];
	_ =	sdelay $0x2  }
0xb8: {  	s31 =	sshll.u32 s1, $0xD;
	s1 =	sshrl.u32 s1, $0x2  }
0xb9: {  	s3 =	sand.u32 $0x4000, s31;
	s1 =	sadd.s32 s1, s30  }
0xba: {  	s0 =	sor.u32 s3, s0;
	s1 =	sshll.u32 s1, $0x11  }
0xbb: {  	s0 =	sor.u32 s1, s0  }
0xbc: {  	s0 =	sadd.s32 $0x8F2B, s0  }
0xbd: {  	[sflag:s0] =	ssyncadd.remote.s32 $0x1  }
0xbe: {  	_ =	sfence.sel $0xFFFF  }
0xbf: {  	[dreg:$0x0] =	wrdreg $0xFFFFFFFF;
	(pc) =	sbr.abs _section_cstart, $3  }
0xc0: {  	[dreg:$0x1] =	wrdreg $0xFFFFFFFF  }
0xc1: {  	_ =	task.clear_ibuf [dreg:s6], $0x2FFFF;
	_ =	strace $0x9FFFFFFF  }
0xc2: {  	(tm) =	ssettm $0x7FFFFFFF  }
0xc3: {  	_ =	shalt  }
tec
execute0_lowered:
.L_overlay_start_1:
0x0: {  	(tag) =	ssettag $0x1  }
0x1: {  	s1 =	srdreg.scid  }
0x2: {  	s0 =	stileid.u32;
	s5 =	rddreg [dreg:$0x0]  }
0x3: {  	s2 =	rddreg [dreg:$0x1];
	s3 =	simm.s32 $0x0;
	s14 =	simm.s32 $0x90E00  }
0x4: {  	s15 =	simm.s32 $0x14000;
	s16 =	simm.s32 $0x15400;
	s17 =	simm.s32 $0x80  }
0x5: {  	s18 =	simm.s32 $0x16800;
	s19 =	simm.s32 $0x14080;
	s20 =	simm.s32 $0x1A800  }
0x6: {  	s21 =	simm.s32 $0x1;
	s22 =	simm.s32 $0x2;
	s23 =	simm.s32 $0x16700  }
0x7: {  	s24 =	simm.s32 $0x16780;
	s25 =	simm.s32 $0x0;
	s9 =	sand.u32 $0x1, s1  }
0x8: {  	s26 =	sshll.u32 s0, $0x1;
	s1 =	rddreg [dreg:$0x2];
	s6 =	smul.u32 $0x2800, s0  }
0x9: {  	[smem:$0x7FF] =	sst s3;
	s8 =	smul.u32 $0x50000, s0;
	s31 =	sshll.u32 s0, $0x6  }
0xa: {  	s4 =	sor.u32 s9, s26;
	_ =	strace $0x8000004D;
	s28 =	ssub.s32 $0x2, s9  }
0xb: {  	p0 =	seq.s32 s9, $0x1;
	s4 =	smul.u32 $0x2800, s4;
	s12 =	sadd.s32 s6, s5  }
0xc: {  	s29 =	sshrl.u32 s28, $0x1;
	s30 =	sshrl.u32 s8, $0x2;
	s6 =	sor.u32 $0x1C03, s31  }
0xd: {  	s14 =	simm.s32 @!p0 $0x68E00;
	s11 =	ssub.s32 s28, s29;
	s13 =	sadd.s32 s30, s2  }
0xe: {  	s7 =	sshrl.u32 s4, $0x3;
	s4 =	sadd.s32 $0x41C00, s5;
	s11 =	smax.u32 s11, $0x1  }
0xf: {  	s13 =	sshrl.u32 s13, $0x3;
	s10 =	sadd.s32 s7, s5;
	s5 =	sadd.s32 $0x19C00, s12  }
0x10: {  	s12 =	sadd.s32 s14, s12;
	s14 =	simm.s32 $0x3;
	s7 =	sadd.s32 $0x5C00, s10  }
0x11: {  	s8 =	sadd.s32 $0xFC00, s10;
	s9 =	sadd.s32 $0x5E80, s10;
	s10 =	sadd.s32 $0xFE80, s10  }
.LBB2_1:
0x12: {  	[spmem:s13], [sflag:s6] =	dma.local [hbm:s5], $0x2800  }
0x13: {  	_ =	swait.ge [sflag:s14], $0x2800  }
0x14: {  	[sflag:s14] =	ssyncset.done $0x0  }
0x15: {  	[sflag:s14] =	ssyncadd.s32 $0xFFFFD800  }
0x16: {  	[bflag:$0x0] =	sbarrier.arrive $0xFFFF  }
0x17: {  	[tilespmem:s15], [sflag:$0x3] =	stream.linear.gather [hbm4b:s7+s3], $0x1400, $0x38;
	[tilespmem:$0x1E800] =	vst v63  }
0x18: {  	_ =	swait.ge [sflag:s14], $0x1400  }
0x19: {  	[sflag:s14] =	ssyncset.done $0x0  }
0x1a: {  	[sflag:s14] =	ssyncadd.s32 $0xFFFFEC00  }
0x1b: {  	[tilespmem:s16], [sflag:$0x3] =	stream.linear.gather [hbm4b:s8+s3], $0x1400, $0x38;
	[tilespmem:$0x1E800] =	vst v63  }
0x1c: {  	_ =	swait.ge [sflag:s14], $0x1400  }
0x1d: {  	[sflag:s14] =	ssyncset.done $0x0  }
0x1e: {  	[sflag:s14] =	ssyncadd.s32 $0xFFFFEC00  }
0x1f: {  	[tilespmem:s18], [sflag:$0x1] =	stream.indirect.gather [hbm4b:s4+s17], $0x80, s15, s17, $0xb8;
	[tilespmem:$0x1E800] =	vst v63  }
0x20: {  	_ = 	snop  }
0x21: {  	[tilespmem:s20], [sflag:$0x2] =	stream.indirect.gather [hbm4b:s4+s17], $0x80, s19, s17, $0xb8;
	[tilespmem:$0x1E800] =	vst v63  }
0x22: {  	_ =	swait.ge [sflag:s21], $0x4000  }
0x23: {  	[sflag:s21] =	ssyncset.done $0x0  }
0x24: {  	s26 =	simm.s32 $0x15400;
	[sflag:s21] =	ssyncadd.s32 $0xFFFFC000  }
0x25: {  	[spmem:s2] =	stream.indirect.scatter.add.f32 [tilespmem:s18], [sflag:$0x3], $0x80, s26, s17, $0xb8;
	[tilespmem:$0x1E800] =	vst v63  }
0x26: {  	_ =	swait.ge [sflag:s14], $0x4000  }
0x27: {  	[sflag:s14] =	ssyncset.done $0x0  }
0x28: {  	s30 =	simm.s32 $0x14100;
	[sflag:s14] =	ssyncadd.s32 $0xFFFFC000  }
0x29: {  	[tilespmem:s18], [sflag:$0x1] =	stream.indirect.gather [hbm4b:s4+s17], $0x80, s30, s17, $0xb8;
	[tilespmem:$0x1E800] =	vst v63  }
0x2a: {  	_ =	swait.ge [sflag:s22], $0x4000  }
0x2b: {  	[sflag:s22] =	ssyncset.done $0x0  }
0x2c: {  	s31 =	simm.s32 $0x15480;
	[sflag:s22] =	ssyncadd.s32 $0xFFFFC000  }
0x2d: {  	[spmem:s2] =	stream.indirect.scatter.add.f32 [tilespmem:s20], [sflag:$0x3], $0x80, s31, s17, $0xb8;
	[tilespmem:$0x1E800] =	vst v63  }
0x2e: {  	_ =	swait.ge [sflag:s14], $0x4000  }
0x2f: {  	[sflag:s14] =	ssyncset.done $0x0  }
0x30: {  	s28 =	simm.s32 $0x14180;
	s26 =	simm.s32 $0x400;
	[sflag:s14] =	ssyncadd.s32 $0xFFFFC000  }
.LBB2_2:
0x31: {  	[tilespmem:s20], [sflag:$0x2] =	stream.indirect.gather [hbm4b:s4+s17], $0x80, s28, s17, $0xb8;
	[tilespmem:$0x1E800] =	vst v63  }
0x32: {  	s28 =	smov.u32 s26  }
0x33: {  	p0 =	sne.s32 s26, $0x4800;
	s26 =	sadd.s32 $0x400, s26;
	_ =	swait.ge [sflag:s21], $0x4000  }
0x34: {  	s28 =	sshra.s32 s28, $0x2;
	[sflag:s21] =	ssyncset.done $0x0  }
0x35: {  	s29 =	sadd.s32 $0x15400, s28;
	[sflag:s21] =	ssyncadd.s32 $0xFFFFC000  }
0x36: {  	[spmem:s2] =	stream.indirect.scatter.add.f32 [tilespmem:s18], [sflag:$0x3], $0x80, s29, s17, $0xb8;
	[tilespmem:$0x1E800] =	vst v63  }
0x37: {  	_ =	swait.ge [sflag:s14], $0x4000  }
0x38: {  	[sflag:s14] =	ssyncset.done $0x0  }
0x39: {  	s29 =	sadd.s32 $0x14100, s28;
	[sflag:s14] =	ssyncadd.s32 $0xFFFFC000  }
0x3a: {  	[tilespmem:s18], [sflag:$0x1] =	stream.indirect.gather [hbm4b:s4+s17], $0x80, s29, s17, $0xb8;
	[tilespmem:$0x1E800] =	vst v63  }
0x3b: {  	_ =	swait.ge [sflag:s22], $0x4000  }
0x3c: {  	[sflag:s22] =	ssyncset.done $0x0  }
.Ltmp0:
0x3d: {  	s29 =	sadd.s32 $0x15480, s28;
	[sflag:s22] =	ssyncadd.s32 $0xFFFFC000;
	(pc) =	sbr.rel @p0 .LBB2_2-.Ltmp0, $4  }
0x3e: {  	[spmem:s2] =	stream.indirect.scatter.add.f32 [tilespmem:s20], [sflag:$0x3], $0x80, s29, s17, $0xb8;
	[tilespmem:$0x1E800] =	vst v63  }
0x3f: {  	_ =	swait.ge [sflag:s14], $0x4000  }
0x40: {  	[sflag:s14] =	ssyncset.done $0x0  }
0x41: {  	s28 =	sadd.s32 $0x14180, s28;
	[sflag:s14] =	ssyncadd.s32 $0xFFFFC000  }
0x42: {  	[tilespmem:s20], [sflag:$0x2] =	stream.indirect.gather [hbm4b:s4+s17], $0x80, s28, s17, $0xb8;
	[tilespmem:$0x1E800] =	vst v63  }
0x43: {  	_ =	swait.ge [sflag:s21], $0x4000  }
0x44: {  	[sflag:s21] =	ssyncset.done $0x0  }
0x45: {  	[sflag:s21] =	ssyncadd.s32 $0xFFFFC000  }
0x46: {  	[spmem:s2] =	stream.indirect.scatter.add.f32 [tilespmem:s18], [sflag:$0x3], $0x80, s23, s17, $0xb8;
	[tilespmem:$0x1E800] =	vst v63  }
0x47: {  	_ =	swait.ge [sflag:s14], $0x4000  }
0x48: {  	[sflag:s14] =	ssyncset.done $0x0  }
0x49: {  	[sflag:s14] =	ssyncadd.s32 $0xFFFFC000  }
0x4a: {  	_ =	swait.ge [sflag:s22], $0x4000  }
0x4b: {  	[sflag:s22] =	ssyncset.done $0x0  }
0x4c: {  	[sflag:s22] =	ssyncadd.s32 $0xFFFFC000  }
0x4d: {  	[spmem:s2] =	stream.indirect.scatter.add.f32 [tilespmem:s20], [sflag:$0x3], $0x80, s24, s17, $0xb8;
	[tilespmem:$0x1E800] =	vst v63  }
0x4e: {  	_ =	swait.ge [sflag:s14], $0x4000  }
0x4f: {  	[sflag:s14] =	ssyncset.done $0x0  }
0x50: {  	s26 =	simm.s32 $0x0;
	[sflag:s14] =	ssyncadd.s32 $0xFFFFC000  }
0x51: {  	[tilespmem:s15], [sflag:$0x3] =	stream.linear.gather [hbm4b:s9+s26], $0x1400, $0x38;
	[tilespmem:$0x1E800] =	vst v63  }
0x52: {  	_ =	swait.ge [sflag:s14], $0x1400  }
0x53: {  	[sflag:s14] =	ssyncset.done $0x0  }
0x54: {  	[sflag:s14] =	ssyncadd.s32 $0xFFFFEC00  }
0x55: {  	[tilespmem:s16], [sflag:$0x3] =	stream.linear.gather [hbm4b:s10+s26], $0x1400, $0x38;
	[tilespmem:$0x1E800] =	vst v63  }
0x56: {  	_ =	swait.ge [sflag:s14], $0x1400  }
0x57: {  	[sflag:s14] =	ssyncset.done $0x0  }
0x58: {  	[sflag:s14] =	ssyncadd.s32 $0xFFFFEC00  }
0x59: {  	[tilespmem:s18], [sflag:$0x1] =	stream.indirect.gather [hbm4b:s4+s17], $0x80, s15, s17, $0xb8;
	[tilespmem:$0x1E800] =	vst v63  }
0x5a: {  	_ = 	snop  }
0x5b: {  	[tilespmem:s20], [sflag:$0x2] =	stream.indirect.gather [hbm4b:s4+s17], $0x80, s19, s17, $0xb8;
	[tilespmem:$0x1E800] =	vst v63  }
0x5c: {  	_ =	swait.ge [sflag:s21], $0x4000  }
0x5d: {  	[sflag:s21] =	ssyncset.done $0x0  }
0x5e: {  	s29 =	simm.s32 $0x15400;
	[sflag:s21] =	ssyncadd.s32 $0xFFFFC000  }
0x5f: {  	[spmem:s2] =	stream.indirect.scatter.add.f32 [tilespmem:s18], [sflag:$0x3], $0x80, s29, s17, $0xb8;
	[tilespmem:$0x1E800] =	vst v63  }
0x60: {  	_ =	swait.ge [sflag:s14], $0x4000  }
0x61: {  	[sflag:s14] =	ssyncset.done $0x0  }
0x62: {  	s30 =	simm.s32 $0x14100;
	[sflag:s14] =	ssyncadd.s32 $0xFFFFC000  }
0x63: {  	[tilespmem:s18], [sflag:$0x1] =	stream.indirect.gather [hbm4b:s4+s17], $0x80, s30, s17, $0xb8;
	[tilespmem:$0x1E800] =	vst v63  }
0x64: {  	_ =	swait.ge [sflag:s22], $0x4000  }
0x65: {  	[sflag:s22] =	ssyncset.done $0x0  }
0x66: {  	s31 =	simm.s32 $0x15480;
	[sflag:s22] =	ssyncadd.s32 $0xFFFFC000  }
0x67: {  	[spmem:s2] =	stream.indirect.scatter.add.f32 [tilespmem:s20], [sflag:$0x3], $0x80, s31, s17, $0xb8;
	[tilespmem:$0x1E800] =	vst v63  }
0x68: {  	_ =	swait.ge [sflag:s14], $0x4000  }
0x69: {  	[sflag:s14] =	ssyncset.done $0x0  }
0x6a: {  	s28 =	simm.s32 $0x14180;
	s26 =	simm.s32 $0x400;
	[sflag:s14] =	ssyncadd.s32 $0xFFFFC000  }
.LBB2_4:
0x6b: {  	[tilespmem:s20], [sflag:$0x2] =	stream.indirect.gather [hbm4b:s4+s17], $0x80, s28, s17, $0xb8;
	[tilespmem:$0x1E800] =	vst v63  }
0x6c: {  	s28 =	smov.u32 s26  }
0x6d: {  	p0 =	sne.s32 s26, $0x4800;
	s26 =	sadd.s32 $0x400, s26;
	_ =	swait.ge [sflag:s21], $0x4000  }
0x6e: {  	s28 =	sshra.s32 s28, $0x2;
	[sflag:s21] =	ssyncset.done $0x0  }
0x6f: {  	s29 =	sadd.s32 $0x15400, s28;
	[sflag:s21] =	ssyncadd.s32 $0xFFFFC000  }
0x70: {  	[spmem:s2] =	stream.indirect.scatter.add.f32 [tilespmem:s18], [sflag:$0x3], $0x80, s29, s17, $0xb8;
	[tilespmem:$0x1E800] =	vst v63  }
0x71: {  	_ =	swait.ge [sflag:s14], $0x4000  }
0x72: {  	[sflag:s14] =	ssyncset.done $0x0  }
0x73: {  	s29 =	sadd.s32 $0x14100, s28;
	[sflag:s14] =	ssyncadd.s32 $0xFFFFC000  }
0x74: {  	[tilespmem:s18], [sflag:$0x1] =	stream.indirect.gather [hbm4b:s4+s17], $0x80, s29, s17, $0xb8;
	[tilespmem:$0x1E800] =	vst v63  }
0x75: {  	_ =	swait.ge [sflag:s22], $0x4000  }
0x76: {  	[sflag:s22] =	ssyncset.done $0x0  }
.Ltmp1:
0x77: {  	s29 =	sadd.s32 $0x15480, s28;
	[sflag:s22] =	ssyncadd.s32 $0xFFFFC000;
	(pc) =	sbr.rel @p0 .LBB2_4-.Ltmp1, $4  }
0x78: {  	[spmem:s2] =	stream.indirect.scatter.add.f32 [tilespmem:s20], [sflag:$0x3], $0x80, s29, s17, $0xb8;
	[tilespmem:$0x1E800] =	vst v63  }
0x79: {  	_ =	swait.ge [sflag:s14], $0x4000  }
0x7a: {  	[sflag:s14] =	ssyncset.done $0x0  }
0x7b: {  	s28 =	sadd.s32 $0x14180, s28;
	[sflag:s14] =	ssyncadd.s32 $0xFFFFC000  }
0x7c: {  	[tilespmem:s20], [sflag:$0x2] =	stream.indirect.gather [hbm4b:s4+s17], $0x80, s28, s17, $0xb8;
	[tilespmem:$0x1E800] =	vst v63  }
0x7d: {  	_ =	swait.ge [sflag:s21], $0x4000  }
0x7e: {  	[sflag:s21] =	ssyncset.done $0x0  }
0x7f: {  	[sflag:s21] =	ssyncadd.s32 $0xFFFFC000  }
0x80: {  	[spmem:s2] =	stream.indirect.scatter.add.f32 [tilespmem:s18], [sflag:$0x3], $0x80, s23, s17, $0xb8;
	[tilespmem:$0x1E800] =	vst v63  }
0x81: {  	_ =	swait.ge [sflag:s14], $0x4000  }
0x82: {  	[sflag:s14] =	ssyncset.done $0x0  }
0x83: {  	[sflag:s14] =	ssyncadd.s32 $0xFFFFC000  }
0x84: {  	_ =	swait.ge [sflag:s22], $0x4000  }
0x85: {  	[sflag:s22] =	ssyncset.done $0x0  }
0x86: {  	[sflag:s22] =	ssyncadd.s32 $0xFFFFC000  }
0x87: {  	[spmem:s2] =	stream.indirect.scatter.add.f32 [tilespmem:s20], [sflag:$0x3], $0x80, s24, s17, $0xb8;
	[tilespmem:$0x1E800] =	vst v63  }
0x88: {  	_ =	swait.ge [sflag:s14], $0x4000  }
0x89: {  	s25 =	sadd.s32 $0x1, s25;
	[sflag:s14] =	ssyncset.done $0x0  }
0x8a: {  	p0 =	sne.s32 s25, s11;
	[sflag:s14] =	ssyncadd.s32 $0xFFFFC000  }
.Ltmp2:
0x8b: {  	[bflag:$0x0] =	sbarrier.arrive $0xFFFF;
	(pc) =	sbr.rel @p0 .LBB2_1-.Ltmp2, $4  }
0x8c: {  	[hbm:s12], [sflag:s6] =	dma.local [spmem:s13], $0x2800  }
0x8d: {  	_ =	swait.ge [sflag:s14], $0x2800  }
0x8e: {  	[sflag:s14] =	ssyncset.done $0x0  }
0x8f: {  	[sflag:s14] =	ssyncadd.s32 $0xFFFFD800  }
0x90: {  	_ =	sfence.sel $0x180000  }
0x91: {  	[bflag:$0x0] =	sbarrier.arrive $0xFFFF  }
0x92: {  	p0 =	sne.s32 s0, $0x0;
	_ =	strace $0x9000004D  }
0x93: {  	s0 =	sadd.s32 @!p0 $0x100000, s1;
	[bflag:$0x2] =	sbarrier.arrive $0xFFFF  }
0x94: {  	[sflag:s0] =	ssyncadd.tile.s32 @!p0 $0x1;
	_ =	shalt  }
.Lfunc_end2:
_tile_overlayer_lowered:
.L_overlay_start_2:
0x95: {  	(tag) =	ssettag $0x2  }
0x96: {  	s0 =	rddreg [dreg:$0x0];
	s2 =	stileid.u32  }
0x97: {  	s1 =	rddreg [dreg:$0x1];
	p0 =	sne.s32 s2, $0x0  }
0x98: {  	s3 =	rddreg [dreg:$0x2];
	[bflag:$0x3] =	sbarrier.arrive $0xFFFF;
	s2 =	simm.s32 @!p0 $0x1C03  }
0x99: {  	[timem:s3], [sflag:s2] =	dma.local @!p0 [hbm:s0], s1  }
0x9a: {  	s0 =	simm.s32 @!p0 $0x3  }
0x9b: {  	_ =	swait.ge @!p0 [sflag:s0], s1  }
0x9c: {  	s1 =	ssub.s32 @!p0 $0x0, s1;
	[sflag:s0] =	ssyncset.done @!p0 $0x0  }
0x9d: {  	[sflag:s0] =	ssyncadd.s32 @!p0 s1  }
0x9e: {  	[bflag:$0x3] =	sbarrier.arrive $0xFFFF  }
0x9f: {  	_ =	shalt  }

// kernel: kernel.8.cloned.1.call-start
scs
__scs_entry_jumppad:
0x0: {  	(pc) =	sbr.rel $0x88, $3  }
0x1: {  	(tag) =	ssettag $0x0;
	lr =	simm.s32 $0x1  }
0x2: {  	[smem:$0x3F8C] =	sst lr;
	_ =	strace $0xD0000000  }
0x3: {  	_ = 	snop  }
0x4: {  	_ = 	snop  }
0x5: {  	_ = 	snop  }
0x6: {  	_ = 	snop  }
0x7: {  	_ = 	snop  }
__scs_overlays_trampoline_lowered:
0x8: {  	[smem:$0x3F9B] =	sst s0  }
0x9: {  	[smem:$0x3F9C] =	sst s1  }
0xa: {  	[smem:$0x3F9D] =	sst s2  }
0xb: {  	[smem:$0x3F9E] =	sst s3  }
0xc: {  	[smem:$0x3F9F] =	sst s4  }
0xd: {  	[smem:$0x3FA0] =	sst s5  }
0xe: {  	[smem:$0x3FA1] =	sst s6  }
0xf: {  	[smem:$0x3FA2] =	sst s7  }
0x10: {  	[smem:$0x3FA3] =	sst s8  }
0x11: {  	[smem:$0x3FA4] =	sst s9;
	s0 =	simm.s32 @!p0 $0x0  }
0x12: {  	s1 =	sld [smem:$0x3F8A];
	s0 =	simm.s32 @p0 $0x1  }
0x13: {  	[smem:$0x3FA5] =	sst s0;
	s0 =	simm.s32 @!p1 $0x0  }
0x14: {  	s2 =	sld [smem:$0x3F89];
	s0 =	simm.s32 @p1 $0x1  }
0x15: {  	[smem:$0x3FA6] =	sst s0;
	s0 =	simm.s32 @!p2 $0x0  }
0x16: {  	s3 =	sld [smem:$0x3FDB];
	s0 =	simm.s32 @p2 $0x1  }
0x17: {  	s4 =	simm.s32 $0x1BF5;
	[smem:$0x3FA8] =	sst s0  }
0x18: {  	s0 =	sld [smem:$0x3F8B];
	_ =	swait.ge [sflag:s4], $0x0  }
0x19: {  	s7 =	sld [smem:$0x3F8C]  }
0x1a: {  	s8 =	sadd.s32 $0xFFFFE003, lr  }
0x1b: {  	s9 =	sadd.s32 $0xFFFFFEF7, lr;
	s5 =	simm.s32 $0xFFFFFFFF;
	p2 =	slt.u32 s8, $0xFFFFF086  }
0x1c: {  	p1 =	slt.u32 s9, $0xF7A;
	s5 =	simm.s32 @!p2 $0x0  }
0x1d: {  	s5 =	simm.s32 @p1 $0x1;
	p0 =	seq.s32 s7, s2  }
0x1e: {  	s7 =	smul.u32 @!p0 $0xF7A, s2;
	p2 =	seq.s32 @!p0 s5, $0x0  }
0x1f: {  	s9 =	smul.u32 $0xF7A, s1;
	s8 =	simm.s32 @!p0 $0x1BF5;
	p2 =	por !p2, p0  }
0x20: {  	[sflag:s8] =	ssyncset.s32 @!p0 $0xFFFFF086;
	s6 =	sadd.s32 @!p0 s3, s7;
	s7 =	simm.s32 @!p0 $0x108  }
0x21: {  	s3 =	sadd.s32 s3, s9;
	s6 =	sadd.s32 @!p0 $0x88, s6;
	s7 =	simm.s32 @p2 $0x1082  }
0x22: {  	[simem:s7], [sflag:s8] =	dma.local @!p0 [hbm:s6], $0xF7A  }
0x23: {  	s9 =	sor.u32 $0xD0000000, s2;
	s6 =	simm.s32 $0x108;
	_ =	swait.ge @!p0 [sflag:s8], $0x0  }
0x24: {  	s3 =	sadd.s32 $0x88, s3;
	s6 =	simm.s32 @!p1 $0x1082;
	[sflag:s4] =	ssyncset.s32 $0xFFFFF086  }
0x25: {  	[simem:s6], [sflag:s4] =	dma.local [hbm:s3], $0xF7A  }
0x26: {  	[smem:$0x3F8C] =	sst s1;
	(tag) =	ssettag s2;
	_ =	strace s9  }
0x27: {  	s1 =	sld [smem:$0x3F9C]  }
0x28: {  	s2 =	sld [smem:$0x3F9D]  }
0x29: {  	s4 =	sld [smem:$0x3F9F]  }
0x2a: {  	p0 =	seq.s32 s5, $0x0;
	s5 =	sld [smem:$0x3FA0]  }
0x2b: {  	s6 =	sld [smem:$0x3FA1]  }
0x2c: {  	s7 =	sld [smem:$0x3FA2]  }
0x2d: {  	s3 =	simm.s32 $0x108;
	s8 =	sld [smem:$0x3FA3]  }
0x2e: {  	s3 =	simm.s32 @!p0 $0x1082;
	s9 =	sld [smem:$0x3FA4]  }
0x2f: {  	lr =	sadd.s32 s0, s3;
	s0 =	sld [smem:$0x3F9B]  }
0x30: {  	s3 =	sld [smem:$0x3F9E]  }
0x31: {  	[smem:$0x3FA7] =	sst s10  }
0x32: {  	s10 =	sld [smem:$0x3FA5];
	_ =	sdelay $0x3  }
0x33: {  	p0 =	seq.s32 s10, $0x1;
	s10 =	sld [smem:$0x3FA7];
	_ =	sdelay $0x3  }
0x34: {  	[smem:$0x3FA7] =	sst s10  }
0x35: {  	s10 =	sld [smem:$0x3FA6];
	_ =	sdelay $0x3  }
0x36: {  	p1 =	seq.s32 s10, $0x1;
	s10 =	sld [smem:$0x3FA7];
	_ =	sdelay $0x3  }
0x37: {  	[smem:$0x3FA7] =	sst s10  }
0x38: {  	s10 =	sld [smem:$0x3FA8]  }
0x39: {  	_ = 	snop;
	(pc) =	sbr.ind lr, $3  }
0x3a: {  	_ = 	snop  }
0x3b: {  	_ = 	snop  }
0x3c: {  	p2 =	seq.s32 s10, $0x1;
	s10 =	sld [smem:$0x3FA7]  }
0x3d: {  	_ =	shalt  }
0x3e: {  	_ =	shalt  }
0x3f: {  	_ =	shalt  }
0x40: {  	_ =	shalt  }
0x41: {  	_ =	shalt  }
0x42: {  	_ =	shalt  }
0x43: {  	_ =	shalt  }
0x44: {  	_ =	shalt  }
0x45: {  	_ =	shalt  }
0x46: {  	_ =	shalt  }
0x47: {  	_ =	shalt  }
0x48: {  	_ =	shalt  }
0x49: {  	_ =	shalt  }
0x4a: {  	_ =	shalt  }
0x4b: {  	_ =	shalt  }
0x4c: {  	_ =	shalt  }
0x4d: {  	_ =	shalt  }
0x4e: {  	_ =	shalt  }
0x4f: {  	_ =	shalt  }
0x50: {  	_ =	shalt  }
0x51: {  	_ =	shalt  }
0x52: {  	_ =	shalt  }
0x53: {  	_ =	shalt  }
0x54: {  	_ =	shalt  }
0x55: {  	_ =	shalt  }
0x56: {  	_ =	shalt  }
0x57: {  	_ =	shalt  }
0x58: {  	_ =	shalt  }
0x59: {  	_ =	shalt  }
0x5a: {  	_ =	shalt  }
0x5b: {  	_ =	shalt  }
0x5c: {  	_ =	shalt  }
0x5d: {  	_ =	shalt  }
0x5e: {  	_ =	shalt  }
0x5f: {  	_ =	shalt  }
0x60: {  	_ =	shalt  }
0x61: {  	_ =	shalt  }
0x62: {  	_ =	shalt  }
0x63: {  	_ =	shalt  }
0x64: {  	_ =	shalt  }
0x65: {  	_ =	shalt  }
0x66: {  	_ =	shalt  }
0x67: {  	_ =	shalt  }
0x68: {  	_ =	shalt  }
0x69: {  	_ =	shalt  }
0x6a: {  	_ =	shalt  }
0x6b: {  	_ =	shalt  }
0x6c: {  	_ =	shalt  }
0x6d: {  	_ =	shalt  }
0x6e: {  	_ =	shalt  }
0x6f: {  	_ =	shalt  }
0x70: {  	_ =	shalt  }
0x71: {  	_ =	shalt  }
0x72: {  	_ =	shalt  }
0x73: {  	_ =	shalt  }
0x74: {  	_ =	shalt  }
0x75: {  	_ =	shalt  }
0x76: {  	_ =	shalt  }
0x77: {  	_ =	shalt  }
0x78: {  	_ =	shalt  }
0x79: {  	_ =	shalt  }
0x7a: {  	_ =	shalt  }
0x7b: {  	_ =	shalt  }
0x7c: {  	_ =	shalt  }
0x7d: {  	_ =	shalt  }
0x7e: {  	_ =	shalt  }
0x7f: {  	_ =	shalt  }
0x80: {  	_ =	shalt  }
0x81: {  	_ =	shalt  }
0x82: {  	_ =	shalt  }
0x83: {  	_ =	shalt  }
0x84: {  	_ =	shalt  }
0x85: {  	_ =	shalt  }
0x86: {  	_ =	shalt  }
0x87: {  	_ =	shalt  }
.Lfunc_end0:
.L_simem_size_0:
called_computation_lowered:
.L_overlay_start_0:
0x88: {  	s2 =	sld [smem:$0x3FD9]  }
0x89: {  	s3 =	sld [smem:$0x3FFE];
	_ =	sdelay $0x1  }
0x8a: {  	s1 =	srdreg.scid  }
0x8b: {  	s0 =	sand.u32 $0x1, s1  }
0x8c: {  	s17 =	sshll.u32 s0, $0xA;
	s2 =	sadd.s32 s3, s2  }
0x8d: {  	s2 =	sadd.s32 s2, s17  }
0x8e: {  	[smem:$0x3FB3] =	sst s2  }
0x8f: {  	_ = 	snop  }
0x90: {  	s2 =	sld [smem:$0x3FC9];
	(tm) =	ssettm $0x1  }
0x91: {  	s18 =	sld [smem:$0x3FFB];
	_ =	sdelay $0x3  }
0x92: {  	_ =	strace s18  }
0x93: {  	s3 =	sld [smem:$0x3FFC];
	_ =	sdelay $0x3  }
0x94: {  	_ =	strace s3  }
0x95: {  	s3 =	sld [smem:$0x3FFD];
	_ =	sdelay $0x3  }
0x96: {  	_ =	strace s3  }
0x97: {  	_ =	strace $0x8FFFFFFF  }
0x98: {  	s19 =	sld [smem:$0x3FDB];
	_ =	sdelay $0x1  }
0x99: {  	s4 =	simm.s32 $_scs_section_size  }
0x9a: {  	s5 =	simm.s32 $_size__tile_overlayer_lowered;
	s6 =	simm.s32 $_tile_overlayer_lowered  }
0x9b: {  	s22 =	simm.s32 $0x1BFF;
	s21 =	sshll.u32 s6, $0x1;
	s3 =	sadd.s32 s4, s19  }
0x9c: {  	s7 =	simm.s32 $0x0;
	s20 =	sshll.u32 s5, $0x1;
	s5 =	sadd.s32 s21, s3  }
0x9d: {  	[timem:s7], [sflag:s22] =	dma.local [hbm:s5], s20  }
0x9e: {  	_ =	swait.ge [sflag:s22], s20  }
0x9f: {  	s4 =	ssub.s32 $0x0, s20;
	[sflag:s22] =	ssyncset.done $0x0  }
0xa0: {  	[sflag:s22] =	ssyncadd.s32 s4;
	_ =	sdelay $0x1  }
0xa1: {  	s23 =	simm.s32 $0x1B8B  }
0xa2: {  	_ =	swait.ge [sflag:s23], $0x1  }
0xa3: {  	[sflag:s23] =	ssyncset.done $0x0  }
0xa4: {  	s25 =	simm.s32 $0x1B8E;
	s24 =	sld [smem:$0x3FFE];
	[sflag:s23] =	ssyncadd.s32 $0xFFFFFFFF  }
0xa5: {  	s26 =	simm.s32 $execute0_lowered;
	[smem:$0x3FD2] =	sst s25  }
0xa6: {  	s5 =	sshll.u32 s26, $0x1;
	_ =	strace $0x80000046;
	[dreg:$0x1] =	wrdreg $0xFFFFFFFF  }
0xa7: {  	s28 =	simm.s32 $_size_execute0_lowered;
	s3 =	sadd.s32 s3, s5;
	[dreg:$0x0] =	wrdreg $0x0  }
0xa8: {  	s5 =	sshll.u32 s28, $0x1;
	[dreg:$0x2] =	wrdreg s3  }
0xa9: {  	[dreg:$0x3] =	wrdreg s5  }
0xaa: {  	[dreg:$0x4] =	wrdreg $0xC0  }
0xab: {  	_ =	task [dreg:s7], $0x5FFFF  }
0xac: {  	[dreg:$0x1] =	wrdreg $0xFFFFFFFF  }
0xad: {  	[dreg:$0x0] =	wrdreg $0x60  }
0xae: {  	[dreg:$0x2] =	wrdreg s2  }
0xaf: {  	[dreg:$0x3] =	wrdreg s24  }
0xb0: {  	[dreg:$0x4] =	wrdreg $0x0  }
0xb1: {  	[dreg:$0x5] =	wrdreg $0x9  }
0xb2: {  	_ =	task.clear_ibuf [dreg:s7], $0x6FFFF;
	_ =	strace $0x90000046  }
0xb3: {  	s29 =	simm.s32 $0x9;
	_ =	strace $0x80000048  }
0xb4: {  	_ =	swait.ge [sflag:s29], $0x1  }
0xb5: {  	[sflag:s29] =	ssyncadd.s32 $0xFFFFFFFF  }
0xb6: {  	_ =	strace $0x90000048  }
0xb7: {  	_ =	sfence  }
0xb8: {  	s30 =	sld [smem:$0x0];
	_ =	sdelay $0x2  }
0xb9: {  	s31 =	sshll.u32 s1, $0xD;
	s1 =	sshrl.u32 s1, $0x2  }
0xba: {  	s3 =	sand.u32 $0x4000, s31;
	s1 =	sadd.s32 s1, s30  }
0xbb: {  	s0 =	sor.u32 s3, s0;
	s1 =	sshll.u32 s1, $0x11  }
0xbc: {  	s0 =	sor.u32 s1, s0  }
0xbd: {  	s0 =	sadd.s32 $0x8F2B, s0  }
0xbe: {  	[sflag:s0] =	ssyncadd.remote.s32 $0x1  }
0xbf: {  	_ =	sfence.sel $0xFFFF  }
0xc0: {  	[dreg:$0x0] =	wrdreg $0xFFFFFFFF;
	(pc) =	sbr.abs _section_cstart, $3  }
0xc1: {  	[dreg:$0x1] =	wrdreg $0xFFFFFFFF  }
0xc2: {  	_ =	task.clear_ibuf [dreg:s7], $0x2FFFF;
	_ =	strace $0x9FFFFFFF  }
0xc3: {  	(tm) =	ssettm $0x7FFFFFFF  }
tec
execute0_lowered:
.L_overlay_start_1:
0x0: {  	(tag) =	ssettag $0x1  }
0x1: {  	s1 =	rddreg [dreg:$0x0]  }
0x2: {  	s2 =	srdreg.scid;
	s5 =	rddreg [dreg:$0x1]  }
0x3: {  	s0 =	stileid.u32;
	s3 =	rddreg [dreg:$0x2];
	s4 =	simm.s32 $0x0  }
0x4: {  	s14 =	simm.s32 $0x69C00;
	s15 =	simm.s32 $0x14000;
	s16 =	simm.s32 $0x15400  }
0x5: {  	s17 =	simm.s32 $0x80;
	s18 =	simm.s32 $0x16800;
	s19 =	simm.s32 $0x14080  }
0x6: {  	s20 =	simm.s32 $0x1A800;
	s21 =	simm.s32 $0x1;
	s22 =	simm.s32 $0x2  }
0x7: {  	s23 =	simm.s32 $0x16700;
	s24 =	simm.s32 $0x16780;
	s25 =	simm.s32 $0x0  }
0x8: {  	s9 =	sand.u32 $0x1, s2;
	s26 =	sshll.u32 s0, $0x1;
	s7 =	smul.u32 $0x2800, s0  }
0x9: {  	[smem:$0x7FF] =	sst s4;
	s8 =	smul.u32 $0x50000, s0;
	s31 =	sshll.u32 s0, $0x6  }
0xa: {  	s2 =	sor.u32 s9, s26;
	s28 =	ssub.s32 $0x2, s9;
	p0 =	seq.s32 s9, $0x1  }
0xb: {  	s6 =	smul.u32 $0x2800, s2;
	s2 =	rddreg [dreg:$0x3];
	_ =	strace $0x80000047  }
0xc: {  	s12 =	sadd.s32 s7, s5;
	s29 =	sshrl.u32 s28, $0x1;
	s30 =	sshrl.u32 s8, $0x2  }
0xd: {  	s14 =	simm.s32 @!p0 $0x41C00;
	s11 =	ssub.s32 s28, s29;
	s13 =	sadd.s32 s30, s3  }
0xe: {  	s6 =	sshrl.u32 s6, $0x3;
	s11 =	smax.u32 s11, $0x1;
	s13 =	sshrl.u32 s13, $0x3  }
0xf: {  	s10 =	sadd.s32 s6, s5;
	s5 =	sadd.s32 $0x19C00, s12;
	s6 =	sor.u32 $0x1C03, s31  }
0x10: {  	s12 =	sadd.s32 s14, s12;
	s14 =	simm.s32 $0x3;
	s7 =	sadd.s32 $0x5C00, s10  }
0x11: {  	s8 =	sadd.s32 $0xFC00, s10;
	s9 =	sadd.s32 $0x5E80, s10;
	s10 =	sadd.s32 $0xFE80, s10  }
.LBB2_1:
0x12: {  	[spmem:s13], [sflag:s6] =	dma.local [hbm:s5], $0x2800  }
0x13: {  	_ =	swait.ge [sflag:s14], $0x2800  }
0x14: {  	[sflag:s14] =	ssyncset.done $0x0  }
0x15: {  	[sflag:s14] =	ssyncadd.s32 $0xFFFFD800  }
0x16: {  	[bflag:$0x0] =	sbarrier.arrive $0xFFFF  }
0x17: {  	[tilespmem:s15], [sflag:$0x3] =	stream.linear.gather [hbm4b:s7+s4], $0x1400, $0x38;
	[tilespmem:$0x1E800] =	vst v63  }
0x18: {  	_ =	swait.ge [sflag:s14], $0x1400  }
0x19: {  	[sflag:s14] =	ssyncset.done $0x0  }
0x1a: {  	[sflag:s14] =	ssyncadd.s32 $0xFFFFEC00  }
0x1b: {  	[tilespmem:s16], [sflag:$0x3] =	stream.linear.gather [hbm4b:s8+s4], $0x1400, $0x38;
	[tilespmem:$0x1E800] =	vst v63  }
0x1c: {  	_ =	swait.ge [sflag:s14], $0x1400  }
0x1d: {  	[sflag:s14] =	ssyncset.done $0x0  }
0x1e: {  	[sflag:s14] =	ssyncadd.s32 $0xFFFFEC00  }
0x1f: {  	[tilespmem:s18], [sflag:$0x1] =	stream.indirect.gather [hbm4b:s1+s17], $0x80, s15, s17, $0xb8;
	[tilespmem:$0x1E800] =	vst v63  }
0x20: {  	_ = 	snop  }
0x21: {  	[tilespmem:s20], [sflag:$0x2] =	stream.indirect.gather [hbm4b:s1+s17], $0x80, s19, s17, $0xb8;
	[tilespmem:$0x1E800] =	vst v63  }
0x22: {  	_ =	swait.ge [sflag:s21], $0x4000  }
0x23: {  	[sflag:s21] =	ssyncset.done $0x0  }
0x24: {  	s26 =	simm.s32 $0x15400;
	[sflag:s21] =	ssyncadd.s32 $0xFFFFC000  }
0x25: {  	[spmem:s3] =	stream.indirect.scatter.add.f32 [tilespmem:s18], [sflag:$0x3], $0x80, s26, s17, $0xb8;
	[tilespmem:$0x1E800] =	vst v63  }
0x26: {  	_ =	swait.ge [sflag:s14], $0x4000  }
0x27: {  	[sflag:s14] =	ssyncset.done $0x0  }
0x28: {  	s30 =	simm.s32 $0x14100;
	[sflag:s14] =	ssyncadd.s32 $0xFFFFC000  }
0x29: {  	[tilespmem:s18], [sflag:$0x1] =	stream.indirect.gather [hbm4b:s1+s17], $0x80, s30, s17, $0xb8;
	[tilespmem:$0x1E800] =	vst v63  }
0x2a: {  	_ =	swait.ge [sflag:s22], $0x4000  }
0x2b: {  	[sflag:s22] =	ssyncset.done $0x0  }
0x2c: {  	s31 =	simm.s32 $0x15480;
	[sflag:s22] =	ssyncadd.s32 $0xFFFFC000  }
0x2d: {  	[spmem:s3] =	stream.indirect.scatter.add.f32 [tilespmem:s20], [sflag:$0x3], $0x80, s31, s17, $0xb8;
	[tilespmem:$0x1E800] =	vst v63  }
0x2e: {  	_ =	swait.ge [sflag:s14], $0x4000  }
0x2f: {  	[sflag:s14] =	ssyncset.done $0x0  }
0x30: {  	s28 =	simm.s32 $0x14180;
	s26 =	simm.s32 $0x400;
	[sflag:s14] =	ssyncadd.s32 $0xFFFFC000  }
.LBB2_2:
0x31: {  	[tilespmem:s20], [sflag:$0x2] =	stream.indirect.gather [hbm4b:s1+s17], $0x80, s28, s17, $0xb8;
	[tilespmem:$0x1E800] =	vst v63  }
0x32: {  	s28 =	smov.u32 s26  }
0x33: {  	p0 =	sne.s32 s26, $0x4800;
	s26 =	sadd.s32 $0x400, s26;
	_ =	swait.ge [sflag:s21], $0x4000  }
0x34: {  	s28 =	sshra.s32 s28, $0x2;
	[sflag:s21] =	ssyncset.done $0x0  }
0x35: {  	s29 =	sadd.s32 $0x15400, s28;
	[sflag:s21] =	ssyncadd.s32 $0xFFFFC000  }
0x36: {  	[spmem:s3] =	stream.indirect.scatter.add.f32 [tilespmem:s18], [sflag:$0x3], $0x80, s29, s17, $0xb8;
	[tilespmem:$0x1E800] =	vst v63  }
0x37: {  	_ =	swait.ge [sflag:s14], $0x4000  }
0x38: {  	[sflag:s14] =	ssyncset.done $0x0  }
0x39: {  	s29 =	sadd.s32 $0x14100, s28;
	[sflag:s14] =	ssyncadd.s32 $0xFFFFC000  }
0x3a: {  	[tilespmem:s18], [sflag:$0x1] =	stream.indirect.gather [hbm4b:s1+s17], $0x80, s29, s17, $0xb8;
	[tilespmem:$0x1E800] =	vst v63  }
0x3b: {  	_ =	swait.ge [sflag:s22], $0x4000  }
0x3c: {  	[sflag:s22] =	ssyncset.done $0x0  }
.Ltmp0:
0x3d: {  	s29 =	sadd.s32 $0x15480, s28;
	[sflag:s22] =	ssyncadd.s32 $0xFFFFC000;
	(pc) =	sbr.rel @p0 .LBB2_2-.Ltmp0, $4  }
0x3e: {  	[spmem:s3] =	stream.indirect.scatter.add.f32 [tilespmem:s20], [sflag:$0x3], $0x80, s29, s17, $0xb8;
	[tilespmem:$0x1E800] =	vst v63  }
0x3f: {  	_ =	swait.ge [sflag:s14], $0x4000  }
0x40: {  	[sflag:s14] =	ssyncset.done $0x0  }
0x41: {  	s28 =	sadd.s32 $0x14180, s28;
	[sflag:s14] =	ssyncadd.s32 $0xFFFFC000  }
0x42: {  	[tilespmem:s20], [sflag:$0x2] =	stream.indirect.gather [hbm4b:s1+s17], $0x80, s28, s17, $0xb8;
	[tilespmem:$0x1E800] =	vst v63  }
0x43: {  	_ =	swait.ge [sflag:s21], $0x4000  }
0x44: {  	[sflag:s21] =	ssyncset.done $0x0  }
0x45: {  	[sflag:s21] =	ssyncadd.s32 $0xFFFFC000  }
0x46: {  	[spmem:s3] =	stream.indirect.scatter.add.f32 [tilespmem:s18], [sflag:$0x3], $0x80, s23, s17, $0xb8;
	[tilespmem:$0x1E800] =	vst v63  }
0x47: {  	_ =	swait.ge [sflag:s14], $0x4000  }
0x48: {  	[sflag:s14] =	ssyncset.done $0x0  }
0x49: {  	[sflag:s14] =	ssyncadd.s32 $0xFFFFC000  }
0x4a: {  	_ =	swait.ge [sflag:s22], $0x4000  }
0x4b: {  	[sflag:s22] =	ssyncset.done $0x0  }
0x4c: {  	[sflag:s22] =	ssyncadd.s32 $0xFFFFC000  }
0x4d: {  	[spmem:s3] =	stream.indirect.scatter.add.f32 [tilespmem:s20], [sflag:$0x3], $0x80, s24, s17, $0xb8;
	[tilespmem:$0x1E800] =	vst v63  }
0x4e: {  	_ =	swait.ge [sflag:s14], $0x4000  }
0x4f: {  	[sflag:s14] =	ssyncset.done $0x0  }
0x50: {  	s26 =	simm.s32 $0x0;
	[sflag:s14] =	ssyncadd.s32 $0xFFFFC000  }
0x51: {  	[tilespmem:s15], [sflag:$0x3] =	stream.linear.gather [hbm4b:s9+s26], $0x1400, $0x38;
	[tilespmem:$0x1E800] =	vst v63  }
0x52: {  	_ =	swait.ge [sflag:s14], $0x1400  }
0x53: {  	[sflag:s14] =	ssyncset.done $0x0  }
0x54: {  	[sflag:s14] =	ssyncadd.s32 $0xFFFFEC00  }
0x55: {  	[tilespmem:s16], [sflag:$0x3] =	stream.linear.gather [hbm4b:s10+s26], $0x1400, $0x38;
	[tilespmem:$0x1E800] =	vst v63  }
0x56: {  	_ =	swait.ge [sflag:s14], $0x1400  }
0x57: {  	[sflag:s14] =	ssyncset.done $0x0  }
0x58: {  	[sflag:s14] =	ssyncadd.s32 $0xFFFFEC00  }
0x59: {  	[tilespmem:s18], [sflag:$0x1] =	stream.indirect.gather [hbm4b:s1+s17], $0x80, s15, s17, $0xb8;
	[tilespmem:$0x1E800] =	vst v63  }
0x5a: {  	_ = 	snop  }
0x5b: {  	[tilespmem:s20], [sflag:$0x2] =	stream.indirect.gather [hbm4b:s1+s17], $0x80, s19, s17, $0xb8;
	[tilespmem:$0x1E800] =	vst v63  }
0x5c: {  	_ =	swait.ge [sflag:s21], $0x4000  }
0x5d: {  	[sflag:s21] =	ssyncset.done $0x0  }
0x5e: {  	s29 =	simm.s32 $0x15400;
	[sflag:s21] =	ssyncadd.s32 $0xFFFFC000  }
0x5f: {  	[spmem:s3] =	stream.indirect.scatter.add.f32 [tilespmem:s18], [sflag:$0x3], $0x80, s29, s17, $0xb8;
	[tilespmem:$0x1E800] =	vst v63  }
0x60: {  	_ =	swait.ge [sflag:s14], $0x4000  }
0x61: {  	[sflag:s14] =	ssyncset.done $0x0  }
0x62: {  	s30 =	simm.s32 $0x14100;
	[sflag:s14] =	ssyncadd.s32 $0xFFFFC000  }
0x63: {  	[tilespmem:s18], [sflag:$0x1] =	stream.indirect.gather [hbm4b:s1+s17], $0x80, s30, s17, $0xb8;
	[tilespmem:$0x1E800] =	vst v63  }
0x64: {  	_ =	swait.ge [sflag:s22], $0x4000  }
0x65: {  	[sflag:s22] =	ssyncset.done $0x0  }
0x66: {  	s31 =	simm.s32 $0x15480;
	[sflag:s22] =	ssyncadd.s32 $0xFFFFC000  }
0x67: {  	[spmem:s3] =	stream.indirect.scatter.add.f32 [tilespmem:s20], [sflag:$0x3], $0x80, s31, s17, $0xb8;
	[tilespmem:$0x1E800] =	vst v63  }
0x68: {  	_ =	swait.ge [sflag:s14], $0x4000  }
0x69: {  	[sflag:s14] =	ssyncset.done $0x0  }
0x6a: {  	s28 =	simm.s32 $0x14180;
	s26 =	simm.s32 $0x400;
	[sflag:s14] =	ssyncadd.s32 $0xFFFFC000  }
.LBB2_4:
0x6b: {  	[tilespmem:s20], [sflag:$0x2] =	stream.indirect.gather [hbm4b:s1+s17], $0x80, s28, s17, $0xb8;
	[tilespmem:$0x1E800] =	vst v63  }
0x6c: {  	s28 =	smov.u32 s26  }
0x6d: {  	p0 =	sne.s32 s26, $0x4800;
	s26 =	sadd.s32 $0x400, s26;
	_ =	swait.ge [sflag:s21], $0x4000  }
0x6e: {  	s28 =	sshra.s32 s28, $0x2;
	[sflag:s21] =	ssyncset.done $0x0  }
0x6f: {  	s29 =	sadd.s32 $0x15400, s28;
	[sflag:s21] =	ssyncadd.s32 $0xFFFFC000  }
0x70: {  	[spmem:s3] =	stream.indirect.scatter.add.f32 [tilespmem:s18], [sflag:$0x3], $0x80, s29, s17, $0xb8;
	[tilespmem:$0x1E800] =	vst v63  }
0x71: {  	_ =	swait.ge [sflag:s14], $0x4000  }
0x72: {  	[sflag:s14] =	ssyncset.done $0x0  }
0x73: {  	s29 =	sadd.s32 $0x14100, s28;
	[sflag:s14] =	ssyncadd.s32 $0xFFFFC000  }
0x74: {  	[tilespmem:s18], [sflag:$0x1] =	stream.indirect.gather [hbm4b:s1+s17], $0x80, s29, s17, $0xb8;
	[tilespmem:$0x1E800] =	vst v63  }
0x75: {  	_ =	swait.ge [sflag:s22], $0x4000  }
0x76: {  	[sflag:s22] =	ssyncset.done $0x0  }
.Ltmp1:
0x77: {  	s29 =	sadd.s32 $0x15480, s28;
	[sflag:s22] =	ssyncadd.s32 $0xFFFFC000;
	(pc) =	sbr.rel @p0 .LBB2_4-.Ltmp1, $4  }
0x78: {  	[spmem:s3] =	stream.indirect.scatter.add.f32 [tilespmem:s20], [sflag:$0x3], $0x80, s29, s17, $0xb8;
	[tilespmem:$0x1E800] =	vst v63  }
0x79: {  	_ =	swait.ge [sflag:s14], $0x4000  }
0x7a: {  	[sflag:s14] =	ssyncset.done $0x0  }
0x7b: {  	s28 =	sadd.s32 $0x14180, s28;
	[sflag:s14] =	ssyncadd.s32 $0xFFFFC000  }
0x7c: {  	[tilespmem:s20], [sflag:$0x2] =	stream.indirect.gather [hbm4b:s1+s17], $0x80, s28, s17, $0xb8;
	[tilespmem:$0x1E800] =	vst v63  }
0x7d: {  	_ =	swait.ge [sflag:s21], $0x4000  }
0x7e: {  	[sflag:s21] =	ssyncset.done $0x0  }
0x7f: {  	[sflag:s21] =	ssyncadd.s32 $0xFFFFC000  }
0x80: {  	[spmem:s3] =	stream.indirect.scatter.add.f32 [tilespmem:s18], [sflag:$0x3], $0x80, s23, s17, $0xb8;
	[tilespmem:$0x1E800] =	vst v63  }
0x81: {  	_ =	swait.ge [sflag:s14], $0x4000  }
0x82: {  	[sflag:s14] =	ssyncset.done $0x0  }
0x83: {  	[sflag:s14] =	ssyncadd.s32 $0xFFFFC000  }
0x84: {  	_ =	swait.ge [sflag:s22], $0x4000  }
0x85: {  	[sflag:s22] =	ssyncset.done $0x0  }
0x86: {  	[sflag:s22] =	ssyncadd.s32 $0xFFFFC000  }
0x87: {  	[spmem:s3] =	stream.indirect.scatter.add.f32 [tilespmem:s20], [sflag:$0x3], $0x80, s24, s17, $0xb8;
	[tilespmem:$0x1E800] =	vst v63  }
0x88: {  	_ =	swait.ge [sflag:s14], $0x4000  }
0x89: {  	s25 =	sadd.s32 $0x1, s25;
	[sflag:s14] =	ssyncset.done $0x0  }
0x8a: {  	p0 =	sne.s32 s25, s11;
	[sflag:s14] =	ssyncadd.s32 $0xFFFFC000  }
.Ltmp2:
0x8b: {  	[bflag:$0x0] =	sbarrier.arrive $0xFFFF;
	(pc) =	sbr.rel @p0 .LBB2_1-.Ltmp2, $4  }
0x8c: {  	[hbm:s12], [sflag:s6] =	dma.local [spmem:s13], $0x2800  }
0x8d: {  	_ =	swait.ge [sflag:s14], $0x2800  }
0x8e: {  	[sflag:s14] =	ssyncset.done $0x0  }
0x8f: {  	[sflag:s14] =	ssyncadd.s32 $0xFFFFD800  }
0x90: {  	_ =	sfence.sel $0x180000  }
0x91: {  	[bflag:$0x0] =	sbarrier.arrive $0xFFFF  }
0x92: {  	p0 =	sne.s32 s0, $0x0;
	_ =	strace $0x90000047  }
0x93: {  	s0 =	sadd.s32 @!p0 $0x100000, s2;
	[bflag:$0x2] =	sbarrier.arrive $0xFFFF  }
0x94: {  	[sflag:s0] =	ssyncadd.tile.s32 @!p0 $0x1;
	_ =	shalt  }
.Lfunc_end2:
_tile_overlayer_lowered:
.L_overlay_start_2:
0x95: {  	(tag) =	ssettag $0x2  }
0x96: {  	s0 =	rddreg [dreg:$0x0];
	s2 =	stileid.u32  }
0x97: {  	s1 =	rddreg [dreg:$0x1];
	p0 =	sne.s32 s2, $0x0  }
0x98: {  	s3 =	rddreg [dreg:$0x2];
	[bflag:$0x3] =	sbarrier.arrive $0xFFFF;
	s2 =	simm.s32 @!p0 $0x1C03  }
0x99: {  	[timem:s3], [sflag:s2] =	dma.local @!p0 [hbm:s0], s1  }
0x9a: {  	s0 =	simm.s32 @!p0 $0x3  }
0x9b: {  	_ =	swait.ge @!p0 [sflag:s0], s1  }
0x9c: {  	s1 =	ssub.s32 @!p0 $0x0, s1;
	[sflag:s0] =	ssyncset.done @!p0 $0x0  }
0x9d: {  	[sflag:s0] =	ssyncadd.s32 @!p0 s1  }
0x9e: {  	[bflag:$0x3] =	sbarrier.arrive $0xFFFF  }
0x9f: {  	_ =	shalt  }

</sc_bundles>
